<compile_context>
chip_gen: v7x
topology: tpu7x:2x2x1
jax: 0.10.2.dev20260603
libtpu: 0.0.44.dev20260713+nightly
codegen_flags: <defaults>
</compile_context>

<pallas_src>
import functools

import jax
import jax.numpy as jnp
import numpy as np
from jax import lax
from jax.experimental import pallas as pl
from jax.experimental.pallas import tpu as pltpu
from jax.experimental.pallas import tpu_sc as plsc

_D = 512
_M = 8
_P = 4
_F = 4
_SHAPES = ((48, 48), (24, 24), (12, 12), (6, 6))
_S = sum(h * w for h, w in _SHAPES)
_SP = 3072
_QC = 128
_NCHUNK = _SP // _QC
_J = _F * _P * 4
_TW = 17

_LEVEL_BASE = []
_cur = 0
for _h, _w in _SHAPES:
    _LEVEL_BASE.append(_cur)
    _cur += _h * _w


def _mm_body(w_ref, x_ref, b_ref, o_ref):
    o_ref[0] = (
        jnp.dot(w_ref[...], x_ref[0], preferred_element_type=jnp.float32)
        + b_ref[...]
    )


def _conv1x1(W, b, x):
    Cout = W.shape[0]
    N = x.shape[0]
    return pl.pallas_call(
        _mm_body,
        grid=(N, _SP // 512),
        in_specs=[
            pl.BlockSpec((Cout, _D), lambda n, s: (0, 0)),
            pl.BlockSpec((1, _D, 512), lambda n, s: (n, 0, s)),
            pl.BlockSpec((Cout, 1), lambda n, s: (0, 0)),
        ],
        out_specs=pl.BlockSpec((1, Cout, 512), lambda n, s: (n, 0, s)),
        out_shape=jax.ShapeDtypeStruct((N, Cout, _SP), jnp.float32),
    )(W, x, b.reshape(Cout, 1))


def _query_consts():
    cx, cy, lvl = [], [], []
    for l, (H, W) in enumerate(_SHAPES):
        gy, gx = np.meshgrid(np.linspace(0.5, H - 0.5, H),
                             np.linspace(0.5, W - 0.5, W), indexing='ij')
        cx.append(gx.ravel())
        cy.append(gy.ravel())
        lvl.append(np.full(H * W, l, np.int32))
    return (np.concatenate(cx).astype(np.float32),
            np.concatenate(cy).astype(np.float32),
            np.concatenate(lvl))


_CX, _CY, _LVL = _query_consts()


def _coef(valid_sizes, valid_scales):
    N = valid_sizes.shape[0]
    lvlP = np.pad(_LVL, (0, _SP - _S), constant_values=_F - 1)
    cxP = jnp.asarray(np.pad(_CX, (0, _SP - _S)))
    cyP = jnp.asarray(np.pad(_CY, (0, _SP - _S)))
    szf = jnp.array([[w, h] for (h, w) in _SHAPES], jnp.float32)
    denom = valid_sizes[:, lvlP, :]
    A = (valid_scales[:, :, None, :] * szf[None, :, None, :]) / denom[:, None, :, :]
    ax, ay = A[..., 0], A[..., 1]
    bx = cxP * ax - 0.5
    by = cyP * ay - 0.5
    return jnp.stack([ax, bx, ay, by], axis=2)


_CORNERS = ((0, 0), (0, 1), (1, 0), (1, 1))


def _prep_body(xp_ref, wloc_ref, bloc_ref, wwt_ref, bwt_ref, coef_ref,
               idx_ref, w_ref):
    xp = xp_ref[0]
    loc = (jnp.dot(wloc_ref[...], xp, preferred_element_type=jnp.float32)
           + bloc_ref[...])
    wt = (jnp.dot(wwt_ref[...], xp, preferred_element_type=jnp.float32)
          + bwt_ref[...])
    wt3 = wt.reshape(_M, _F * _P, 512)
    mx = jnp.max(wt3, axis=1, keepdims=True)
    e = jnp.exp(wt3 - mx)
    attn = (e / jnp.sum(e, axis=1, keepdims=True)).reshape(_M, _F, _P, 512)
    locv = loc.reshape(_M, _F, _P, 2, 512)
    coef = coef_ref[0]
    for f in range(_F):
        H_, W_ = _SHAPES[f]
        base = _LEVEL_BASE[f]
        ax = coef[f, 0][None, None, :]
        bx = coef[f, 1][None, None, :]
        ay = coef[f, 2][None, None, :]
        by = coef[f, 3][None, None, :]
        u = locv[:, f, :, 0, :] * ax + bx
        v = locv[:, f, :, 1, :] * ay + by
        x0 = jnp.floor(u)
        y0 = jnp.floor(v)
        fxv = u - x0
        fyv = v - y0
        aw = attn[:, f]
        for cr, (dy, dx) in enumerate(_CORNERS):
            xi = x0 + dx
            yi = y0 + dy
            wxv = fxv if dx else 1.0 - fxv
            wyv = fyv if dy else 1.0 - fyv
            valid = (xi >= 0) & (xi <= W_ - 1) & (yi >= 0) & (yi <= H_ - 1)
            xc = jnp.clip(xi, 0, W_ - 1).astype(jnp.int32)
            yc = jnp.clip(yi, 0, H_ - 1).astype(jnp.int32)
            iv = (base + yc * W_ + xc) * _TW
            wv = aw * wxv * wyv * valid.astype(jnp.float32)
            j0 = f * 16 + cr * 4
            idx_ref[0, :, pl.ds(j0, _P), :] = iv
            w_ref[0, :, pl.ds(j0, _P), :] = wv


def _prep(xpP, W_loc, b_loc, W_wt, b_wt, coef):
    N = xpP.shape[0]
    return pl.pallas_call(
        _prep_body,
        grid=(N, _SP // 512),
        in_specs=[
            pl.BlockSpec((1, _D, 512), lambda n, s: (n, 0, s)),
            pl.BlockSpec((2 * _M * _F * _P, _D), lambda n, s: (0, 0)),
            pl.BlockSpec((2 * _M * _F * _P, 1), lambda n, s: (0, 0)),
            pl.BlockSpec((_M * _F * _P, _D), lambda n, s: (0, 0)),
            pl.BlockSpec((_M * _F * _P, 1), lambda n, s: (0, 0)),
            pl.BlockSpec((1, _F, 4, 512), lambda n, s: (n, 0, 0, s)),
        ],
        out_specs=[
            pl.BlockSpec((1, _M, _J, 512), lambda n, s: (n, 0, 0, s)),
            pl.BlockSpec((1, _M, _J, 512), lambda n, s: (n, 0, 0, s)),
        ],
        out_shape=[
            jax.ShapeDtypeStruct((N, _M, _J, _SP), jnp.int32),
            jax.ShapeDtypeStruct((N, _M, _J, _SP), jnp.float32),
        ],
    )(xpP, W_loc, b_loc.reshape(-1, 1), W_wt, b_wt.reshape(-1, 1), coef)


@functools.lru_cache(maxsize=1)
def _sc_gather_build():
    mesh = plsc.VectorSubcoreMesh(core_axis_name="c", subcore_axis_name="s")

    @functools.partial(
        pl.kernel,
        mesh=mesh,
        compiler_params=pltpu.CompilerParams(needs_layout_passes=False),
        out_type=jax.ShapeDtypeStruct((_M * 2, 64, _SP), jnp.float32),
        scratch_types=[
            pltpu.VMEM((_S * _TW,), jnp.float32),
            pltpu.VMEM((_S * _TW,), jnp.float32),
            pltpu.VMEM((_J, _QC), jnp.int32),
            pltpu.VMEM((_J, _QC), jnp.float32),
            pltpu.VMEM((32, _QC), jnp.float32),
        ],
    )
    def sc_gather(tab_hbm, idx_hbm, w_hbm, out_hbm,
                  tab0_v, tab1_v, idx_v, w_v, out_v):
        wid = lax.axis_index("s") * 2 + lax.axis_index("c")
        cols = [jnp.full((16,), c, jnp.int32) for c in range(1, 16)]
        nm = wid // 2
        cg0 = (wid % 2) * 2
        t0 = nm * 4 + cg0
        pltpu.sync_copy(tab_hbm.at[t0], tab0_v)
        pltpu.sync_copy(tab_hbm.at[t0 + 1], tab1_v)

        def chunk_body(ch, _):
            q0 = ch * _QC
            pltpu.sync_copy(idx_hbm.at[nm, :, pl.ds(q0, _QC)], idx_v)
            pltpu.sync_copy(w_hbm.at[nm, :, pl.ds(q0, _QC)], w_v)

            def qg_body(qg, _):
                qo = qg * 16
                zero = tuple(jnp.zeros((16,), jnp.float32)
                             for _ in range(32))

                @plsc.parallel_loop(0, _J, unroll=1, carry=zero)
                def accs(j, accs):
                    base = idx_v[j, pl.ds(qo, 16)]
                    wv = w_v[j, pl.ds(qo, 16)]
                    ivs = [base] + [base + cols[c - 1] for c in range(1, 16)]
                    new = []
                    for c in range(16):
                        new.append(
                            accs[c] + plsc.load_gather(tab0_v, [ivs[c]]) * wv)
                    for c in range(16):
                        new.append(
                            accs[16 + c]
                            + plsc.load_gather(tab1_v, [ivs[c]]) * wv)
                    return tuple(new)

                for c in range(32):
                    out_v[c, pl.ds(qo, 16)] = accs[c]
                return _

            lax.fori_loop(0, _QC // 16, qg_body, 0)
            pltpu.sync_copy(
                out_v, out_hbm.at[nm, pl.ds(cg0 * 16, 32), pl.ds(q0, _QC)])
            return _

        lax.fori_loop(0, _NCHUNK, chunk_body, 0)

    return sc_gather


def kernel(x, pos, key_padding_mask, valid_sizes, valid_scales, W_loc, b_loc,
           W_wt, b_wt, W_val, b_val, W_out, b_out, scale):
    N, C, S = x.shape
    keep = 1.0 - key_padding_mask.reshape(N, 1, S).astype(x.dtype)
    pad = ((0, 0), (0, 0), (0, _SP - S))
    keepP = jnp.pad(keep, pad)
    xP = jnp.pad(x, pad)
    xpP = jnp.pad(x + pos, pad) * keepP

    value = _conv1x1(W_val, b_val, xP) * keepP
    coef = _coef(valid_sizes, valid_scales)
    idx4, w4 = _prep(xpP, W_loc, b_loc, W_wt, b_wt, coef)
    idxP = idx4.reshape(N * _M, _J, _SP)
    wP = w4.reshape(N * _M, _J, _SP)

    tab = (value[..., :S].reshape(N, _M, 4, 16, S)
           .transpose(0, 1, 2, 4, 3))
    tab = jnp.pad(tab, ((0, 0), (0, 0), (0, 0), (0, 0), (0, _TW - 16)))
    tab = tab.reshape(N * _M * 4, S * _TW)

    out = _sc_gather_build()(tab, idxP, wP)
    gathered = out.reshape(N, C, _SP)

    Wo = W_out * scale[:, None]
    bo = b_out * scale
    return _conv1x1(Wo, bo, gathered)[..., :S]

# --- scband reference (transcript-rebuilt; emitter-appended) ---
"""Pipeline reference for scband-sampling-enc-attention-25280177504718 (READ-ONLY COPY).

The authoritative reference and input builder live on the scoring server;
editing this copy changes nothing except your own understanding.
"""

import jax, jax.numpy as jnp
import numpy as np

D_MODEL = 512
M = 8
P = 4
F = 4
SHAPES = [(48, 48), (24, 24), (12, 12), (6, 6)]
S = sum(h * w for h, w in SHAPES)
N = 2


def conv1x1(x, W, b):
    # x: [N, Cin, S] -> [N, Cout, S]  (1x1 Conv2d == channel-mixing linear)
    return jnp.einsum('oc,ncs->nos', W, x) + b[None, :, None]


def grid_sample(value, grid):
    # value: [B, C, H, W]; grid: [B, P, Q, 2] normalized (x, y) in [-1, 1]
    # bilinear, padding_mode='zeros', align_corners=False (matches F.grid_sample)
    B, C, H, W = value.shape
    x = (grid[..., 0] + 1.0) * 0.5 * W - 0.5
    y = (grid[..., 1] + 1.0) * 0.5 * H - 0.5
    x0 = jnp.floor(x)
    y0 = jnp.floor(y)
    x1 = x0 + 1.0
    y1 = y0 + 1.0
    flat = value.reshape(B, C, H * W)

    def corner(xi, yi, w):
        valid = ((xi >= 0) & (xi <= W - 1) & (yi >= 0) & (yi <= H - 1)).astype(value.dtype)
        xi_c = jnp.clip(xi, 0, W - 1).astype(jnp.int32)
        yi_c = jnp.clip(yi, 0, H - 1).astype(jnp.int32)
        idx = yi_c * W + xi_c  # [B, P, Q]
        g = jax.vmap(lambda v, i: v[:, i])(flat, idx)  # [B, C, P, Q]
        return g * (w * valid)[:, None, :, :]

    return (corner(x0, y0, (x1 - x) * (y1 - y))
            + corner(x1, y0, (x - x0) * (y1 - y))
            + corner(x0, y1, (x1 - x) * (y - y0))
            + corner(x1, y1, (x - x0) * (y - y0)))


def _forward(x, pos, valid_sizes, valid_scales, W_loc, b_loc, W_wt, b_wt,
             W_val, b_val, W_out, b_out, scale, key_padding_mask):
    N_, C, S_ = x.shape
    vs = jnp.repeat(valid_sizes.reshape(N_, F, 1, 1, 2), M, axis=0)          # [N*M, F, 1, 1, 2]
    vsc = 2.0 * jnp.repeat(valid_scales.reshape(N_, F, 1, 1, 2), M, axis=0)  # [N*M, F, 1, 1, 2]
    x_pos = x + pos
    value = conv1x1(x, W_val, b_val)
    mask = key_padding_mask.reshape(N_, 1, S_)
    x_pos = jnp.where(mask, 0.0, x_pos)
    value = jnp.where(mask, 0.0, value)

    values = []
    cur = 0
    for (H_, W_) in SHAPES:
        hw = H_ * W_
        values.append(value[..., cur:cur + hw].reshape(N_ * M, C // M, H_, W_))
        cur += hw

    outs = []
    cur = 0
    for lvl, (H_, W_) in enumerate(SHAPES):
        hw = H_ * W_
        xp = x_pos[..., cur:cur + hw]  # [N, C, hw]
        cur += hw
        offsets = conv1x1(xp, W_loc, b_loc).reshape(N_ * M, F, P, 2, hw).transpose(0, 1, 2, 4, 3)  # [N*M,F,P,hw,2]
        weights = jax.nn.softmax(conv1x1(xp, W_wt, b_wt).reshape(N_ * M, 1, F * P, hw), axis=2)
        gy, gx = jnp.meshgrid(jnp.linspace(0.5, H_ - 0.5, H_), jnp.linspace(0.5, W_ - 0.5, W_), indexing='ij')
        pre = jnp.stack([gx, gy], axis=-1).reshape(hw, 2)
        sc = vsc / vs[:, lvl].reshape(N_ * M, 1, 1, 1, 2)  # [N*M, F, 1, 1, 2]
        grids = offsets * sc + (pre.reshape(1, 1, 1, hw, 2) * sc - 1.0)  # [N*M, F, P, hw, 2]
        grids = jnp.transpose(grids, (1, 0, 2, 3, 4))  # [F, N*M, P, hw, 2]
        samples = [grid_sample(values[f], grids[f]) for f in range(F)]  # each [N*M, C//M, P, hw]
        out = jnp.sum(jnp.concatenate(samples, axis=2) * weights, axis=2).reshape(N_, C, hw)
        outs.append(conv1x1(out, W_out, b_out))
    return jnp.concatenate(outs, axis=-1) * scale.reshape(1, -1, 1)


def setup_inputs(seed: int = 0) -> dict:
    key = jax.random.key(seed)
    ks = jax.random.split(key, 8)
    D = D_MODEL
    x = jax.random.normal(ks[0], (N, D, S), dtype=jnp.float32)
    pos = jax.random.normal(ks[1], (N, D, S), dtype=jnp.float32)
    key_padding_mask = jnp.zeros((N, S), dtype=bool)
    sizes = jnp.array([[w, h] for (h, w) in SHAPES], dtype=jnp.float32)  # (W, H) per level
    valid_sizes = jnp.tile(sizes[None], (N, 1, 1))   # [N, F, 2]
    valid_scales = jnp.ones((N, F, 2), dtype=jnp.float32)
    W_loc = jax.random.normal(ks[2], (M * P * F * 2, D), dtype=jnp.float32) * 0.01
    b_loc = jax.random.normal(ks[3], (M * P * F * 2,), dtype=jnp.float32) * 0.5
    W_wt = jax.random.normal(ks[4], (M * P * F, D), dtype=jnp.float32) * 0.01
    b_wt = jnp.zeros((M * P * F,), dtype=jnp.float32)
    W_val = jax.random.normal(ks[5], (D, D), dtype=jnp.float32) * (1.0 / np.sqrt(D))
    b_val = jnp.zeros((D,), dtype=jnp.float32)
    W_out = jax.random.normal(ks[6], (D, D), dtype=jnp.float32) * (1.0 / np.sqrt(D))
    b_out = jnp.zeros((D,), dtype=jnp.float32)
    scale = jnp.ones((D,), dtype=jnp.float32)
    return {'x': x, 'pos': pos, 'key_padding_mask': key_padding_mask,
            'valid_sizes': valid_sizes, 'valid_scales': valid_scales,
            'W_loc': W_loc, 'b_loc': b_loc, 'W_wt': W_wt, 'b_wt': b_wt,
            'W_val': W_val, 'b_val': b_val, 'W_out': W_out, 'b_out': b_out,
            'scale': scale}


def reference(x, pos, key_padding_mask, valid_sizes, valid_scales,
              W_loc, b_loc, W_wt, b_wt, W_val, b_val, W_out, b_out, scale):
    return _forward(x, pos, valid_sizes, valid_scales, W_loc, b_loc, W_wt, b_wt,
                    W_val, b_val, W_out, b_out, scale, key_padding_mask)

if __name__ == "__main__":
    import jax
    _d = setup_inputs()
    print(jax.jit(kernel)(*tuple(_d.values())))

</pallas_src>

<mosaic_0001>
#map = affine_map<(d0, d1) -> (0, 0)>
#map1 = affine_map<(d0, d1) -> (0, 0, 0)>
module attributes {stable_mosaic.version = 14 : i64} {
  func.func @sc_gather(%arg0: i32, %arg1: i32, %arg2: memref<64x52020xf32, #tpu.memory_space<hbm>>, %arg3: memref<16x64x3072xi32, #tpu.memory_space<hbm>>, %arg4: memref<16x64x3072xf32, #tpu.memory_space<hbm>>, %arg5: memref<16x64x3072xf32, #tpu.memory_space<hbm>>, %arg6: memref<52020xf32, #tpu.memory_space<vmem>>, %arg7: memref<52020xf32, #tpu.memory_space<vmem>>, %arg8: memref<64x128xi32, #tpu.memory_space<vmem>>, %arg9: memref<64x128xf32, #tpu.memory_space<vmem>>, %arg10: memref<32x128xf32, #tpu.memory_space<vmem>>) attributes {dimension_semantics = [#tpu.dimension_semantics<core_parallel>, #tpu.dimension_semantics<subcore_parallel>], iteration_bounds = array<i64: 2, 16>, scalar_prefetch = 0 : i64, scratch_operands = 5 : i64, tpu.core_type = #tpu.core_type<sc_vector_subcore>, window_params = [{transform_indices = #map}, {transform_indices = #map1}, {transform_indices = #map1}, {transform_indices = #map1}]} {
    %mul3A = arith.constant 2 : i32
    %mul3A_0 = arith.muli %arg1, %mul3A : i32
    %add3A = arith.addi %mul3A_0, %arg0 : i32
    %broadcast_in_dim3A = arith.constant 1 : i32
    %broadcast_in_dim3A_1 = vector.broadcast %broadcast_in_dim3A : i32 to vector<16xi32>
    %broadcast_in_dim3A_2 = arith.constant 2 : i32
    %broadcast_in_dim3A_3 = vector.broadcast %broadcast_in_dim3A_2 : i32 to vector<16xi32>
    %broadcast_in_dim3A_4 = arith.constant 3 : i32
    %broadcast_in_dim3A_5 = vector.broadcast %broadcast_in_dim3A_4 : i32 to vector<16xi32>
    %broadcast_in_dim3A_6 = arith.constant 4 : i32
    %broadcast_in_dim3A_7 = vector.broadcast %broadcast_in_dim3A_6 : i32 to vector<16xi32>
    %broadcast_in_dim3A_8 = arith.constant 5 : i32
    %broadcast_in_dim3A_9 = vector.broadcast %broadcast_in_dim3A_8 : i32 to vector<16xi32>
    %broadcast_in_dim3A_10 = arith.constant 6 : i32
    %broadcast_in_dim3A_11 = vector.broadcast %broadcast_in_dim3A_10 : i32 to vector<16xi32>
    %broadcast_in_dim3A_12 = arith.constant 7 : i32
    %broadcast_in_dim3A_13 = vector.broadcast %broadcast_in_dim3A_12 : i32 to vector<16xi32>
    %broadcast_in_dim3A_14 = arith.constant 8 : i32
    %broadcast_in_dim3A_15 = vector.broadcast %broadcast_in_dim3A_14 : i32 to vector<16xi32>
    %broadcast_in_dim3A_16 = arith.constant 9 : i32
    %broadcast_in_dim3A_17 = vector.broadcast %broadcast_in_dim3A_16 : i32 to vector<16xi32>
    %broadcast_in_dim3A_18 = arith.constant 10 : i32
    %broadcast_in_dim3A_19 = vector.broadcast %broadcast_in_dim3A_18 : i32 to vector<16xi32>
    %broadcast_in_dim3A_20 = arith.constant 11 : i32
    %broadcast_in_dim3A_21 = vector.broadcast %broadcast_in_dim3A_20 : i32 to vector<16xi32>
    %broadcast_in_dim3A_22 = arith.constant 12 : i32
    %broadcast_in_dim3A_23 = vector.broadcast %broadcast_in_dim3A_22 : i32 to vector<16xi32>
    %broadcast_in_dim3A_24 = arith.constant 13 : i32
    %broadcast_in_dim3A_25 = vector.broadcast %broadcast_in_dim3A_24 : i32 to vector<16xi32>
    %broadcast_in_dim3A_26 = arith.constant 14 : i32
    %broadcast_in_dim3A_27 = vector.broadcast %broadcast_in_dim3A_26 : i32 to vector<16xi32>
    %broadcast_in_dim3A_28 = arith.constant 15 : i32
    %broadcast_in_dim3A_29 = vector.broadcast %broadcast_in_dim3A_28 : i32 to vector<16xi32>
    %jit3A = arith.constant 2 : i32
    %div3A = arith.divsi %add3A, %jit3A : i32
    %sign3A = arith.constant 0 : i32
    %sign3A_30 = arith.cmpi sgt, %add3A, %sign3A : i32
    %sign3A_31 = arith.extui %sign3A_30 : i1 to i32
    %sign3A_32 = arith.constant 0 : i32
    %sign3A_33 = arith.cmpi slt, %add3A, %sign3A_32 : i32
    %sign3A_34 = arith.extui %sign3A_33 : i1 to i32
    %sign3A_35 = arith.subi %sign3A_31, %sign3A_34 : i32
    %sign3A_36 = arith.constant 0 : i32
    %sign3A_37 = arith.cmpi sgt, %jit3A, %sign3A_36 : i32
    %sign3A_38 = arith.extui %sign3A_37 : i1 to i32
    %sign3A_39 = arith.constant 0 : i32
    %sign3A_40 = arith.cmpi slt, %jit3A, %sign3A_39 : i32
    %sign3A_41 = arith.extui %sign3A_40 : i1 to i32
    %sign3A_42 = arith.subi %sign3A_38, %sign3A_41 : i32
    %ne3A = arith.cmpi ne, %sign3A_35, %sign3A_42 : i32
    %rem3A = arith.remsi %add3A, %jit3A : i32
    %ne3A_43 = arith.constant 0 : i32
    %ne3A_44 = arith.cmpi ne, %rem3A, %ne3A_43 : i32
    %and3A = arith.andi %ne3A, %ne3A_44 : i1
    %sub3A = arith.constant 1 : i32
    %sub3A_45 = arith.subi %div3A, %sub3A : i32
    %select_n3A = arith.select %and3A, %sub3A_45, %div3A : i32
    %jit3A_46 = arith.constant 2 : i32
    %eq3A = arith.constant 0 : i32
    %eq3A_47 = arith.cmpi eq, %jit3A_46, %eq3A : i32
    %jit3A_48 = arith.constant 1 : i32
    %select_n3A_49 = arith.select %eq3A_47, %jit3A_48, %jit3A_46 : i32
    %rem3A_50 = arith.remsi %add3A, %select_n3A_49 : i32
    %ne3A_51 = arith.constant 0 : i32
    %ne3A_52 = arith.cmpi ne, %rem3A_50, %ne3A_51 : i32
    %lt3A = arith.constant 0 : i32
    %lt3A_53 = arith.cmpi slt, %rem3A_50, %lt3A : i32
    %lt3A_54 = arith.constant 0 : i32
    %lt3A_55 = arith.cmpi slt, %select_n3A_49, %lt3A_54 : i32
    %ne3A_56 = arith.xori %lt3A_53, %lt3A_55 : i1
    %and3A_57 = arith.andi %ne3A_56, %ne3A_52 : i1
    %add3A_58 = arith.addi %rem3A_50, %select_n3A_49 : i32
    %select_n3A_59 = arith.select %and3A_57, %add3A_58, %rem3A_50 : i32
    %mul3A_60 = arith.constant 2 : i32
    %mul3A_61 = arith.muli %select_n3A_59, %mul3A_60 : i32
    %mul3A_62 = arith.constant 4 : i32
    %mul3A_63 = arith.muli %select_n3A, %mul3A_62 : i32
    %add3A_64 = arith.addi %mul3A_63, %mul3A_61 : i32
    "tpu.region"() ({
      %run_scoped3A = tpu.sem_alloc : memref<!tpu.dma_semaphore, #tpu.memory_space<semaphore_mem>>
      %dma_start3A = arith.constant 0 : i32
      %dma_start3A_72 = tpu.memref_slice %arg2[%add3A_64, %dma_start3A] : memref<64x52020xf32, #tpu.memory_space<hbm>> -> memref<1x52020xf32, #tpu.memory_space<hbm>>
      %dma_start3A_73 = tpu.memref_squeeze %dma_start3A_72 : memref<1x52020xf32, #tpu.memory_space<hbm>> -> memref<52020xf32, #tpu.memory_space<hbm>>
      %dma_start3A_74 = arith.constant 0 : i32
      %dma_start3A_75 = tpu.memref_slice %arg2[%add3A_64, %dma_start3A_74] : memref<64x52020xf32, #tpu.memory_space<hbm>> -> memref<1x52020xf32, #tpu.memory_space<hbm>>
      %dma_start3A_76 = tpu.memref_squeeze %dma_start3A_75 : memref<1x52020xf32, #tpu.memory_space<hbm>> -> memref<52020xf32, #tpu.memory_space<hbm>>
      tpu.enqueue_dma source(%dma_start3A_76 : memref<52020xf32, #tpu.memory_space<hbm>>) target(%arg6 : memref<52020xf32, #tpu.memory_space<vmem>>) target_semaphore(%run_scoped3A : memref<!tpu.dma_semaphore, #tpu.memory_space<semaphore_mem>>)
      %dma_wait3A = arith.constant 0 : i32
      %dma_wait3A_77 = tpu.memref_slice %arg2[%add3A_64, %dma_wait3A] : memref<64x52020xf32, #tpu.memory_space<hbm>> -> memref<1x52020xf32, #tpu.memory_space<hbm>>
      %dma_wait3A_78 = tpu.memref_squeeze %dma_wait3A_77 : memref<1x52020xf32, #tpu.memory_space<hbm>> -> memref<52020xf32, #tpu.memory_space<hbm>>
      %dma_wait3A_79 = arith.constant 0 : i32
      %dma_wait3A_80 = tpu.memref_slice %arg2[%add3A_64, %dma_wait3A_79] : memref<64x52020xf32, #tpu.memory_space<hbm>> -> memref<1x52020xf32, #tpu.memory_space<hbm>>
      %dma_wait3A_81 = tpu.memref_squeeze %dma_wait3A_80 : memref<1x52020xf32, #tpu.memory_space<hbm>> -> memref<52020xf32, #tpu.memory_space<hbm>>
      tpu.wait_dma2 semaphore(%run_scoped3A : memref<!tpu.dma_semaphore, #tpu.memory_space<semaphore_mem>>) src(%dma_wait3A_81 : memref<52020xf32, #tpu.memory_space<hbm>>) dst(%arg6 : memref<52020xf32, #tpu.memory_space<vmem>>)
      tpu.yield
    }) : () -> ()
    %add3A_65 = arith.constant 1 : i32
    %add3A_66 = arith.addi %add3A_64, %add3A_65 : i32
    "tpu.region"() ({
      %run_scoped3A = tpu.sem_alloc : memref<!tpu.dma_semaphore, #tpu.memory_space<semaphore_mem>>
      %dma_start3A = arith.constant 0 : i32
      %dma_start3A_72 = tpu.memref_slice %arg2[%add3A_66, %dma_start3A] : memref<64x52020xf32, #tpu.memory_space<hbm>> -> memref<1x52020xf32, #tpu.memory_space<hbm>>
      %dma_start3A_73 = tpu.memref_squeeze %dma_start3A_72 : memref<1x52020xf32, #tpu.memory_space<hbm>> -> memref<52020xf32, #tpu.memory_space<hbm>>
      %dma_start3A_74 = arith.constant 0 : i32
      %dma_start3A_75 = tpu.memref_slice %arg2[%add3A_66, %dma_start3A_74] : memref<64x52020xf32, #tpu.memory_space<hbm>> -> memref<1x52020xf32, #tpu.memory_space<hbm>>
      %dma_start3A_76 = tpu.memref_squeeze %dma_start3A_75 : memref<1x52020xf32, #tpu.memory_space<hbm>> -> memref<52020xf32, #tpu.memory_space<hbm>>
      tpu.enqueue_dma source(%dma_start3A_76 : memref<52020xf32, #tpu.memory_space<hbm>>) target(%arg7 : memref<52020xf32, #tpu.memory_space<vmem>>) target_semaphore(%run_scoped3A : memref<!tpu.dma_semaphore, #tpu.memory_space<semaphore_mem>>)
      %dma_wait3A = arith.constant 0 : i32
      %dma_wait3A_77 = tpu.memref_slice %arg2[%add3A_66, %dma_wait3A] : memref<64x52020xf32, #tpu.memory_space<hbm>> -> memref<1x52020xf32, #tpu.memory_space<hbm>>
      %dma_wait3A_78 = tpu.memref_squeeze %dma_wait3A_77 : memref<1x52020xf32, #tpu.memory_space<hbm>> -> memref<52020xf32, #tpu.memory_space<hbm>>
      %dma_wait3A_79 = arith.constant 0 : i32
      %dma_wait3A_80 = tpu.memref_slice %arg2[%add3A_66, %dma_wait3A_79] : memref<64x52020xf32, #tpu.memory_space<hbm>> -> memref<1x52020xf32, #tpu.memory_space<hbm>>
      %dma_wait3A_81 = tpu.memref_squeeze %dma_wait3A_80 : memref<1x52020xf32, #tpu.memory_space<hbm>> -> memref<52020xf32, #tpu.memory_space<hbm>>
      tpu.wait_dma2 semaphore(%run_scoped3A : memref<!tpu.dma_semaphore, #tpu.memory_space<semaphore_mem>>) src(%dma_wait3A_81 : memref<52020xf32, #tpu.memory_space<hbm>>) dst(%arg7 : memref<52020xf32, #tpu.memory_space<vmem>>)
      tpu.yield
    }) : () -> ()
    %scan3A = arith.constant 0 : i32
    %scan3A_67 = arith.constant 0 : i32
    %scan3A_68 = arith.constant 24 : i32
    %scan3A_69 = arith.addi %scan3A_67, %scan3A_68 : i32
    %scan3A_70 = arith.constant 1 : i32
    scf.for %scan3A_72 = %scan3A_67 to %scan3A_69 step %scan3A_70  : i32 {
      %mul3A_73 = arith.constant 128 : i32
      %mul3A_74 = arith.muli %scan3A_72, %mul3A_73 : i32
      "tpu.region"() ({
        %run_scoped3A = tpu.sem_alloc : memref<!tpu.dma_semaphore, #tpu.memory_space<semaphore_mem>>
        %dma_start3A = arith.constant 0 : i32
        %dma_start3A_83 = tpu.memref_slice %arg3[%select_n3A, %dma_start3A, %mul3A_74] : memref<16x64x3072xi32, #tpu.memory_space<hbm>> -> memref<1x64x128xi32, #tpu.memory_space<hbm>>
        %dma_start3A_84 = tpu.memref_squeeze %dma_start3A_83 : memref<1x64x128xi32, #tpu.memory_space<hbm>> -> memref<64x128xi32, #tpu.memory_space<hbm>>
        %dma_start3A_85 = arith.constant 0 : i32
        %dma_start3A_86 = tpu.memref_slice %arg3[%select_n3A, %dma_start3A_85, %mul3A_74] : memref<16x64x3072xi32, #tpu.memory_space<hbm>> -> memref<1x64x128xi32, #tpu.memory_space<hbm>>
        %dma_start3A_87 = tpu.memref_squeeze %dma_start3A_86 : memref<1x64x128xi32, #tpu.memory_space<hbm>> -> memref<64x128xi32, #tpu.memory_space<hbm>>
        tpu.enqueue_dma source(%dma_start3A_87 : memref<64x128xi32, #tpu.memory_space<hbm>>) target(%arg8 : memref<64x128xi32, #tpu.memory_space<vmem>>) target_semaphore(%run_scoped3A : memref<!tpu.dma_semaphore, #tpu.memory_space<semaphore_mem>>)
        %dma_wait3A = arith.constant 0 : i32
        %dma_wait3A_88 = tpu.memref_slice %arg3[%select_n3A, %dma_wait3A, %mul3A_74] : memref<16x64x3072xi32, #tpu.memory_space<hbm>> -> memref<1x64x128xi32, #tpu.memory_space<hbm>>
        %dma_wait3A_89 = tpu.memref_squeeze %dma_wait3A_88 : memref<1x64x128xi32, #tpu.memory_space<hbm>> -> memref<64x128xi32, #tpu.memory_space<hbm>>
        %dma_wait3A_90 = arith.constant 0 : i32
        %dma_wait3A_91 = tpu.memref_slice %arg3[%select_n3A, %dma_wait3A_90, %mul3A_74] : memref<16x64x3072xi32, #tpu.memory_space<hbm>> -> memref<1x64x128xi32, #tpu.memory_space<hbm>>
        %dma_wait3A_92 = tpu.memref_squeeze %dma_wait3A_91 : memref<1x64x128xi32, #tpu.memory_space<hbm>> -> memref<64x128xi32, #tpu.memory_space<hbm>>
        tpu.wait_dma2 semaphore(%run_scoped3A : memref<!tpu.dma_semaphore, #tpu.memory_space<semaphore_mem>>) src(%dma_wait3A_92 : memref<64x128xi32, #tpu.memory_space<hbm>>) dst(%arg8 : memref<64x128xi32, #tpu.memory_space<vmem>>)
        tpu.yield
      }) : () -> ()
      "tpu.region"() ({
        %run_scoped3A = tpu.sem_alloc : memref<!tpu.dma_semaphore, #tpu.memory_space<semaphore_mem>>
        %dma_start3A = arith.constant 0 : i32
        %dma_start3A_83 = tpu.memref_slice %arg4[%select_n3A, %dma_start3A, %mul3A_74] : memref<16x64x3072xf32, #tpu.memory_space<hbm>> -> memref<1x64x128xf32, #tpu.memory_space<hbm>>
        %dma_start3A_84 = tpu.memref_squeeze %dma_start3A_83 : memref<1x64x128xf32, #tpu.memory_space<hbm>> -> memref<64x128xf32, #tpu.memory_space<hbm>>
        %dma_start3A_85 = arith.constant 0 : i32
        %dma_start3A_86 = tpu.memref_slice %arg4[%select_n3A, %dma_start3A_85, %mul3A_74] : memref<16x64x3072xf32, #tpu.memory_space<hbm>> -> memref<1x64x128xf32, #tpu.memory_space<hbm>>
        %dma_start3A_87 = tpu.memref_squeeze %dma_start3A_86 : memref<1x64x128xf32, #tpu.memory_space<hbm>> -> memref<64x128xf32, #tpu.memory_space<hbm>>
        tpu.enqueue_dma source(%dma_start3A_87 : memref<64x128xf32, #tpu.memory_space<hbm>>) target(%arg9 : memref<64x128xf32, #tpu.memory_space<vmem>>) target_semaphore(%run_scoped3A : memref<!tpu.dma_semaphore, #tpu.memory_space<semaphore_mem>>)
        %dma_wait3A = arith.constant 0 : i32
        %dma_wait3A_88 = tpu.memref_slice %arg4[%select_n3A, %dma_wait3A, %mul3A_74] : memref<16x64x3072xf32, #tpu.memory_space<hbm>> -> memref<1x64x128xf32, #tpu.memory_space<hbm>>
        %dma_wait3A_89 = tpu.memref_squeeze %dma_wait3A_88 : memref<1x64x128xf32, #tpu.memory_space<hbm>> -> memref<64x128xf32, #tpu.memory_space<hbm>>
        %dma_wait3A_90 = arith.constant 0 : i32
        %dma_wait3A_91 = tpu.memref_slice %arg4[%select_n3A, %dma_wait3A_90, %mul3A_74] : memref<16x64x3072xf32, #tpu.memory_space<hbm>> -> memref<1x64x128xf32, #tpu.memory_space<hbm>>
        %dma_wait3A_92 = tpu.memref_squeeze %dma_wait3A_91 : memref<1x64x128xf32, #tpu.memory_space<hbm>> -> memref<64x128xf32, #tpu.memory_space<hbm>>
        tpu.wait_dma2 semaphore(%run_scoped3A : memref<!tpu.dma_semaphore, #tpu.memory_space<semaphore_mem>>) src(%dma_wait3A_92 : memref<64x128xf32, #tpu.memory_space<hbm>>) dst(%arg9 : memref<64x128xf32, #tpu.memory_space<vmem>>)
        tpu.yield
      }) : () -> ()
      %scan3A_75 = arith.constant 0 : i32
      %scan3A_76 = arith.constant 0 : i32
      %scan3A_77 = arith.constant 8 : i32
      %scan3A_78 = arith.addi %scan3A_76, %scan3A_77 : i32
      %scan3A_79 = arith.constant 1 : i32
      scf.for %scan3A_83 = %scan3A_76 to %scan3A_78 step %scan3A_79  : i32 {
        %mul3A_84 = arith.constant 16 : i32
        %mul3A_85 = arith.muli %scan3A_83, %mul3A_84 : i32
        %broadcast_in_dim3A_86 = arith.constant 0.000000e+00 : f32
        %broadcast_in_dim3A_87 = vector.broadcast %broadcast_in_dim3A_86 : f32 to vector<16xf32>
        %broadcast_in_dim3A_88 = arith.constant 0.000000e+00 : f32
        %broadcast_in_dim3A_89 = vector.broadcast %broadcast_in_dim3A_88 : f32 to vector<16xf32>
        %broadcast_in_dim3A_90 = arith.constant 0.000000e+00 : f32
        %broadcast_in_dim3A_91 = vector.broadcast %broadcast_in_dim3A_90 : f32 to vector<16xf32>
        %broadcast_in_dim3A_92 = arith.constant 0.000000e+00 : f32
        %broadcast_in_dim3A_93 = vector.broadcast %broadcast_in_dim3A_92 : f32 to vector<16xf32>
        %broadcast_in_dim3A_94 = arith.constant 0.000000e+00 : f32
        %broadcast_in_dim3A_95 = vector.broadcast %broadcast_in_dim3A_94 : f32 to vector<16xf32>
        %broadcast_in_dim3A_96 = arith.constant 0.000000e+00 : f32
        %broadcast_in_dim3A_97 = vector.broadcast %broadcast_in_dim3A_96 : f32 to vector<16xf32>
        %broadcast_in_dim3A_98 = arith.constant 0.000000e+00 : f32
        %broadcast_in_dim3A_99 = vector.broadcast %broadcast_in_dim3A_98 : f32 to vector<16xf32>
        %broadcast_in_dim3A_100 = arith.constant 0.000000e+00 : f32
        %broadcast_in_dim3A_101 = vector.broadcast %broadcast_in_dim3A_100 : f32 to vector<16xf32>
        %broadcast_in_dim3A_102 = arith.constant 0.000000e+00 : f32
        %broadcast_in_dim3A_103 = vector.broadcast %broadcast_in_dim3A_102 : f32 to vector<16xf32>
        %broadcast_in_dim3A_104 = arith.constant 0.000000e+00 : f32
        %broadcast_in_dim3A_105 = vector.broadcast %broadcast_in_dim3A_104 : f32 to vector<16xf32>
        %broadcast_in_dim3A_106 = arith.constant 0.000000e+00 : f32
        %broadcast_in_dim3A_107 = vector.broadcast %broadcast_in_dim3A_106 : f32 to vector<16xf32>
        %broadcast_in_dim3A_108 = arith.constant 0.000000e+00 : f32
        %broadcast_in_dim3A_109 = vector.broadcast %broadcast_in_dim3A_108 : f32 to vector<16xf32>
        %broadcast_in_dim3A_110 = arith.constant 0.000000e+00 : f32
        %broadcast_in_dim3A_111 = vector.broadcast %broadcast_in_dim3A_110 : f32 to vector<16xf32>
        %broadcast_in_dim3A_112 = arith.constant 0.000000e+00 : f32
        %broadcast_in_dim3A_113 = vector.broadcast %broadcast_in_dim3A_112 : f32 to vector<16xf32>
        %broadcast_in_dim3A_114 = arith.constant 0.000000e+00 : f32
        %broadcast_in_dim3A_115 = vector.broadcast %broadcast_in_dim3A_114 : f32 to vector<16xf32>
        %broadcast_in_dim3A_116 = arith.constant 0.000000e+00 : f32
        %broadcast_in_dim3A_117 = vector.broadcast %broadcast_in_dim3A_116 : f32 to vector<16xf32>
        %broadcast_in_dim3A_118 = arith.constant 0.000000e+00 : f32
        %broadcast_in_dim3A_119 = vector.broadcast %broadcast_in_dim3A_118 : f32 to vector<16xf32>
        %broadcast_in_dim3A_120 = arith.constant 0.000000e+00 : f32
        %broadcast_in_dim3A_121 = vector.broadcast %broadcast_in_dim3A_120 : f32 to vector<16xf32>
        %broadcast_in_dim3A_122 = arith.constant 0.000000e+00 : f32
        %broadcast_in_dim3A_123 = vector.broadcast %broadcast_in_dim3A_122 : f32 to vector<16xf32>
        %broadcast_in_dim3A_124 = arith.constant 0.000000e+00 : f32
        %broadcast_in_dim3A_125 = vector.broadcast %broadcast_in_dim3A_124 : f32 to vector<16xf32>
        %broadcast_in_dim3A_126 = arith.constant 0.000000e+00 : f32
        %broadcast_in_dim3A_127 = vector.broadcast %broadcast_in_dim3A_126 : f32 to vector<16xf32>
        %broadcast_in_dim3A_128 = arith.constant 0.000000e+00 : f32
        %broadcast_in_dim3A_129 = vector.broadcast %broadcast_in_dim3A_128 : f32 to vector<16xf32>
        %broadcast_in_dim3A_130 = arith.constant 0.000000e+00 : f32
        %broadcast_in_dim3A_131 = vector.broadcast %broadcast_in_dim3A_130 : f32 to vector<16xf32>
        %broadcast_in_dim3A_132 = arith.constant 0.000000e+00 : f32
        %broadcast_in_dim3A_133 = vector.broadcast %broadcast_in_dim3A_132 : f32 to vector<16xf32>
        %broadcast_in_dim3A_134 = arith.constant 0.000000e+00 : f32
        %broadcast_in_dim3A_135 = vector.broadcast %broadcast_in_dim3A_134 : f32 to vector<16xf32>
        %broadcast_in_dim3A_136 = arith.constant 0.000000e+00 : f32
        %broadcast_in_dim3A_137 = vector.broadcast %broadcast_in_dim3A_136 : f32 to vector<16xf32>
        %broadcast_in_dim3A_138 = arith.constant 0.000000e+00 : f32
        %broadcast_in_dim3A_139 = vector.broadcast %broadcast_in_dim3A_138 : f32 to vector<16xf32>
        %broadcast_in_dim3A_140 = arith.constant 0.000000e+00 : f32
        %broadcast_in_dim3A_141 = vector.broadcast %broadcast_in_dim3A_140 : f32 to vector<16xf32>
        %broadcast_in_dim3A_142 = arith.constant 0.000000e+00 : f32
        %broadcast_in_dim3A_143 = vector.broadcast %broadcast_in_dim3A_142 : f32 to vector<16xf32>
        %broadcast_in_dim3A_144 = arith.constant 0.000000e+00 : f32
        %broadcast_in_dim3A_145 = vector.broadcast %broadcast_in_dim3A_144 : f32 to vector<16xf32>
        %broadcast_in_dim3A_146 = arith.constant 0.000000e+00 : f32
        %broadcast_in_dim3A_147 = vector.broadcast %broadcast_in_dim3A_146 : f32 to vector<16xf32>
        %broadcast_in_dim3A_148 = arith.constant 0.000000e+00 : f32
        %broadcast_in_dim3A_149 = vector.broadcast %broadcast_in_dim3A_148 : f32 to vector<16xf32>
        %parallel_loop3A = arith.constant 0 : i32
        %parallel_loop3A_150 = arith.constant 64 : i32
        %parallel_loop3A_151 = arith.constant 1 : i32
        %parallel_loop3A_152:32 = scf.for %parallel_loop3A_280 = %parallel_loop3A to %parallel_loop3A_150 step %parallel_loop3A_151 iter_args(%parallel_loop3A_281 = %broadcast_in_dim3A_87, %parallel_loop3A_282 = %broadcast_in_dim3A_89, %parallel_loop3A_283 = %broadcast_in_dim3A_91, %parallel_loop3A_284 = %broadcast_in_dim3A_93, %parallel_loop3A_285 = %broadcast_in_dim3A_95, %parallel_loop3A_286 = %broadcast_in_dim3A_97, %parallel_loop3A_287 = %broadcast_in_dim3A_99, %parallel_loop3A_288 = %broadcast_in_dim3A_101, %parallel_loop3A_289 = %broadcast_in_dim3A_103, %parallel_loop3A_290 = %broadcast_in_dim3A_105, %parallel_loop3A_291 = %broadcast_in_dim3A_107, %parallel_loop3A_292 = %broadcast_in_dim3A_109, %parallel_loop3A_293 = %broadcast_in_dim3A_111, %parallel_loop3A_294 = %broadcast_in_dim3A_113, %parallel_loop3A_295 = %broadcast_in_dim3A_115, %parallel_loop3A_296 = %broadcast_in_dim3A_117, %parallel_loop3A_297 = %broadcast_in_dim3A_119, %parallel_loop3A_298 = %broadcast_in_dim3A_121, %parallel_loop3A_299 = %broadcast_in_dim3A_123, %parallel_loop3A_300 = %broadcast_in_dim3A_125, %parallel_loop3A_301 = %broadcast_in_dim3A_127, %parallel_loop3A_302 = %broadcast_in_dim3A_129, %parallel_loop3A_303 = %broadcast_in_dim3A_131, %parallel_loop3A_304 = %broadcast_in_dim3A_133, %parallel_loop3A_305 = %broadcast_in_dim3A_135, %parallel_loop3A_306 = %broadcast_in_dim3A_137, %parallel_loop3A_307 = %broadcast_in_dim3A_139, %parallel_loop3A_308 = %broadcast_in_dim3A_141, %parallel_loop3A_309 = %broadcast_in_dim3A_143, %parallel_loop3A_310 = %broadcast_in_dim3A_145, %parallel_loop3A_311 = %broadcast_in_dim3A_147, %parallel_loop3A_312 = %broadcast_in_dim3A_149) -> (vector<16xf32>, vector<16xf32>, vector<16xf32>, vector<16xf32>, vector<16xf32>, vector<16xf32>, vector<16xf32>, vector<16xf32>, vector<16xf32>, vector<16xf32>, vector<16xf32>, vector<16xf32>, vector<16xf32>, vector<16xf32>, vector<16xf32>, vector<16xf32>, vector<16xf32>, vector<16xf32>, vector<16xf32>, vector<16xf32>, vector<16xf32>, vector<16xf32>, vector<16xf32>, vector<16xf32>, vector<16xf32>, vector<16xf32>, vector<16xf32>, vector<16xf32>, vector<16xf32>, vector<16xf32>, vector<16xf32>, vector<16xf32>)  : i32 {
          %parallel_loop3A_313 = arith.index_cast %parallel_loop3A_280 : i32 to index
          %parallel_loop3A_314 = arith.index_cast %mul3A_85 : i32 to index
          %parallel_loop3A_315 = tpu.vector_load %arg8[%parallel_loop3A_313, %parallel_loop3A_314] {strides = array<i32>} : memref<64x128xi32, #tpu.memory_space<vmem>>, vector<16xi32>,
          %parallel_loop3A_316 = arith.index_cast %parallel_loop3A_280 : i32 to index
          %parallel_loop3A_317 = arith.index_cast %mul3A_85 : i32 to index
          %parallel_loop3A_318 = tpu.vector_load %arg9[%parallel_loop3A_316, %parallel_loop3A_317] {strides = array<i32>} : memref<64x128xf32, #tpu.memory_space<vmem>>, vector<16xf32>,
          %parallel_loop3A_319 = arith.addi %parallel_loop3A_315, %broadcast_in_dim3A_1 : vector<16xi32>
          %parallel_loop3A_320 = arith.addi %parallel_loop3A_315, %broadcast_in_dim3A_3 : vector<16xi32>
          %parallel_loop3A_321 = arith.addi %parallel_loop3A_315, %broadcast_in_dim3A_5 : vector<16xi32>
          %parallel_loop3A_322 = arith.addi %parallel_loop3A_315, %broadcast_in_dim3A_7 : vector<16xi32>
          %parallel_loop3A_323 = arith.addi %parallel_loop3A_315, %broadcast_in_dim3A_9 : vector<16xi32>
          %parallel_loop3A_324 = arith.addi %parallel_loop3A_315, %broadcast_in_dim3A_11 : vector<16xi32>
          %parallel_loop3A_325 = arith.addi %parallel_loop3A_315, %broadcast_in_dim3A_13 : vector<16xi32>
          %parallel_loop3A_326 = arith.addi %parallel_loop3A_315, %broadcast_in_dim3A_15 : vector<16xi32>
          %parallel_loop3A_327 = arith.addi %parallel_loop3A_315, %broadcast_in_dim3A_17 : vector<16xi32>
          %parallel_loop3A_328 = arith.addi %parallel_loop3A_315, %broadcast_in_dim3A_19 : vector<16xi32>
          %parallel_loop3A_329 = arith.addi %parallel_loop3A_315, %broadcast_in_dim3A_21 : vector<16xi32>
          %parallel_loop3A_330 = arith.addi %parallel_loop3A_315, %broadcast_in_dim3A_23 : vector<16xi32>
          %parallel_loop3A_331 = arith.addi %parallel_loop3A_315, %broadcast_in_dim3A_25 : vector<16xi32>
          %parallel_loop3A_332 = arith.addi %parallel_loop3A_315, %broadcast_in_dim3A_27 : vector<16xi32>
          %parallel_loop3A_333 = arith.addi %parallel_loop3A_315, %broadcast_in_dim3A_29 : vector<16xi32>
          %parallel_loop3A_334 = tpu.vector_load_idx %arg6[%parallel_loop3A_315] : memref<52020xf32, #tpu.memory_space<vmem>>[vector<16xi32>], vector<16xf32>,
          %parallel_loop3A_335 = arith.mulf %parallel_loop3A_334, %parallel_loop3A_318 : vector<16xf32>
          %parallel_loop3A_336 = arith.addf %parallel_loop3A_281, %parallel_loop3A_335 : vector<16xf32>
          %parallel_loop3A_337 = tpu.vector_load_idx %arg6[%parallel_loop3A_319] : memref<52020xf32, #tpu.memory_space<vmem>>[vector<16xi32>], vector<16xf32>,
          %parallel_loop3A_338 = arith.mulf %parallel_loop3A_337, %parallel_loop3A_318 : vector<16xf32>
          %parallel_loop3A_339 = arith.addf %parallel_loop3A_282, %parallel_loop3A_338 : vector<16xf32>
          %parallel_loop3A_340 = tpu.vector_load_idx %arg6[%parallel_loop3A_320] : memref<52020xf32, #tpu.memory_space<vmem>>[vector<16xi32>], vector<16xf32>,
          %parallel_loop3A_341 = arith.mulf %parallel_loop3A_340, %parallel_loop3A_318 : vector<16xf32>
          %parallel_loop3A_342 = arith.addf %parallel_loop3A_283, %parallel_loop3A_341 : vector<16xf32>
          %parallel_loop3A_343 = tpu.vector_load_idx %arg6[%parallel_loop3A_321] : memref<52020xf32, #tpu.memory_space<vmem>>[vector<16xi32>], vector<16xf32>,
          %parallel_loop3A_344 = arith.mulf %parallel_loop3A_343, %parallel_loop3A_318 : vector<16xf32>
          %parallel_loop3A_345 = arith.addf %parallel_loop3A_284, %parallel_loop3A_344 : vector<16xf32>
          %parallel_loop3A_346 = tpu.vector_load_idx %arg6[%parallel_loop3A_322] : memref<52020xf32, #tpu.memory_space<vmem>>[vector<16xi32>], vector<16xf32>,
          %parallel_loop3A_347 = arith.mulf %parallel_loop3A_346, %parallel_loop3A_318 : vector<16xf32>
          %parallel_loop3A_348 = arith.addf %parallel_loop3A_285, %parallel_loop3A_347 : vector<16xf32>
          %parallel_loop3A_349 = tpu.vector_load_idx %arg6[%parallel_loop3A_323] : memref<52020xf32, #tpu.memory_space<vmem>>[vector<16xi32>], vector<16xf32>,
          %parallel_loop3A_350 = arith.mulf %parallel_loop3A_349, %parallel_loop3A_318 : vector<16xf32>
          %parallel_loop3A_351 = arith.addf %parallel_loop3A_286, %parallel_loop3A_350 : vector<16xf32>
          %parallel_loop3A_352 = tpu.vector_load_idx %arg6[%parallel_loop3A_324] : memref<52020xf32, #tpu.memory_space<vmem>>[vector<16xi32>], vector<16xf32>,
          %parallel_loop3A_353 = arith.mulf %parallel_loop3A_352, %parallel_loop3A_318 : vector<16xf32>
          %parallel_loop3A_354 = arith.addf %parallel_loop3A_287, %parallel_loop3A_353 : vector<16xf32>
          %parallel_loop3A_355 = tpu.vector_load_idx %arg6[%parallel_loop3A_325] : memref<52020xf32, #tpu.memory_space<vmem>>[vector<16xi32>], vector<16xf32>,
          %parallel_loop3A_356 = arith.mulf %parallel_loop3A_355, %parallel_loop3A_318 : vector<16xf32>
          %parallel_loop3A_357 = arith.addf %parallel_loop3A_288, %parallel_loop3A_356 : vector<16xf32>
          %parallel_loop3A_358 = tpu.vector_load_idx %arg6[%parallel_loop3A_326] : memref<52020xf32, #tpu.memory_space<vmem>>[vector<16xi32>], vector<16xf32>,
          %parallel_loop3A_359 = arith.mulf %parallel_loop3A_358, %parallel_loop3A_318 : vector<16xf32>
          %parallel_loop3A_360 = arith.addf %parallel_loop3A_289, %parallel_loop3A_359 : vector<16xf32>
          %parallel_loop3A_361 = tpu.vector_load_idx %arg6[%parallel_loop3A_327] : memref<52020xf32, #tpu.memory_space<vmem>>[vector<16xi32>], vector<16xf32>,
          %parallel_loop3A_362 = arith.mulf %parallel_loop3A_361, %parallel_loop3A_318 : vector<16xf32>
          %parallel_loop3A_363 = arith.addf %parallel_loop3A_290, %parallel_loop3A_362 : vector<16xf32>
          %parallel_loop3A_364 = tpu.vector_load_idx %arg6[%parallel_loop3A_328] : memref<52020xf32, #tpu.memory_space<vmem>>[vector<16xi32>], vector<16xf32>,
          %parallel_loop3A_365 = arith.mulf %parallel_loop3A_364, %parallel_loop3A_318 : vector<16xf32>
          %parallel_loop3A_366 = arith.addf %parallel_loop3A_291, %parallel_loop3A_365 : vector<16xf32>
          %parallel_loop3A_367 = tpu.vector_load_idx %arg6[%parallel_loop3A_329] : memref<52020xf32, #tpu.memory_space<vmem>>[vector<16xi32>], vector<16xf32>,
          %parallel_loop3A_368 = arith.mulf %parallel_loop3A_367, %parallel_loop3A_318 : vector<16xf32>
          %parallel_loop3A_369 = arith.addf %parallel_loop3A_292, %parallel_loop3A_368 : vector<16xf32>
          %parallel_loop3A_370 = tpu.vector_load_idx %arg6[%parallel_loop3A_330] : memref<52020xf32, #tpu.memory_space<vmem>>[vector<16xi32>], vector<16xf32>,
          %parallel_loop3A_371 = arith.mulf %parallel_loop3A_370, %parallel_loop3A_318 : vector<16xf32>
          %parallel_loop3A_372 = arith.addf %parallel_loop3A_293, %parallel_loop3A_371 : vector<16xf32>
          %parallel_loop3A_373 = tpu.vector_load_idx %arg6[%parallel_loop3A_331] : memref<52020xf32, #tpu.memory_space<vmem>>[vector<16xi32>], vector<16xf32>,
          %parallel_loop3A_374 = arith.mulf %parallel_loop3A_373, %parallel_loop3A_318 : vector<16xf32>
          %parallel_loop3A_375 = arith.addf %parallel_loop3A_294, %parallel_loop3A_374 : vector<16xf32>
          %parallel_loop3A_376 = tpu.vector_load_idx %arg6[%parallel_loop3A_332] : memref<52020xf32, #tpu.memory_space<vmem>>[vector<16xi32>], vector<16xf32>,
          %parallel_loop3A_377 = arith.mulf %parallel_loop3A_376, %parallel_loop3A_318 : vector<16xf32>
          %parallel_loop3A_378 = arith.addf %parallel_loop3A_295, %parallel_loop3A_377 : vector<16xf32>
          %parallel_loop3A_379 = tpu.vector_load_idx %arg6[%parallel_loop3A_333] : memref<52020xf32, #tpu.memory_space<vmem>>[vector<16xi32>], vector<16xf32>,
          %parallel_loop3A_380 = arith.mulf %parallel_loop3A_379, %parallel_loop3A_318 : vector<16xf32>
          %parallel_loop3A_381 = arith.addf %parallel_loop3A_296, %parallel_loop3A_380 : vector<16xf32>
          %parallel_loop3A_382 = tpu.vector_load_idx %arg7[%parallel_loop3A_315] : memref<52020xf32, #tpu.memory_space<vmem>>[vector<16xi32>], vector<16xf32>,
          %parallel_loop3A_383 = arith.mulf %parallel_loop3A_382, %parallel_loop3A_318 : vector<16xf32>
          %parallel_loop3A_384 = arith.addf %parallel_loop3A_297, %parallel_loop3A_383 : vector<16xf32>
          %parallel_loop3A_385 = tpu.vector_load_idx %arg7[%parallel_loop3A_319] : memref<52020xf32, #tpu.memory_space<vmem>>[vector<16xi32>], vector<16xf32>,
          %parallel_loop3A_386 = arith.mulf %parallel_loop3A_385, %parallel_loop3A_318 : vector<16xf32>
          %parallel_loop3A_387 = arith.addf %parallel_loop3A_298, %parallel_loop3A_386 : vector<16xf32>
          %parallel_loop3A_388 = tpu.vector_load_idx %arg7[%parallel_loop3A_320] : memref<52020xf32, #tpu.memory_space<vmem>>[vector<16xi32>], vector<16xf32>,
          %parallel_loop3A_389 = arith.mulf %parallel_loop3A_388, %parallel_loop3A_318 : vector<16xf32>
          %parallel_loop3A_390 = arith.addf %parallel_loop3A_299, %parallel_loop3A_389 : vector<16xf32>
          %parallel_loop3A_391 = tpu.vector_load_idx %arg7[%parallel_loop3A_321] : memref<52020xf32, #tpu.memory_space<vmem>>[vector<16xi32>], vector<16xf32>,
          %parallel_loop3A_392 = arith.mulf %parallel_loop3A_391, %parallel_loop3A_318 : vector<16xf32>
          %parallel_loop3A_393 = arith.addf %parallel_loop3A_300, %parallel_loop3A_392 : vector<16xf32>
          %parallel_loop3A_394 = tpu.vector_load_idx %arg7[%parallel_loop3A_322] : memref<52020xf32, #tpu.memory_space<vmem>>[vector<16xi32>], vector<16xf32>,
          %parallel_loop3A_395 = arith.mulf %parallel_loop3A_394, %parallel_loop3A_318 : vector<16xf32>
          %parallel_loop3A_396 = arith.addf %parallel_loop3A_301, %parallel_loop3A_395 : vector<16xf32>
          %parallel_loop3A_397 = tpu.vector_load_idx %arg7[%parallel_loop3A_323] : memref<52020xf32, #tpu.memory_space<vmem>>[vector<16xi32>], vector<16xf32>,
          %parallel_loop3A_398 = arith.mulf %parallel_loop3A_397, %parallel_loop3A_318 : vector<16xf32>
          %parallel_loop3A_399 = arith.addf %parallel_loop3A_302, %parallel_loop3A_398 : vector<16xf32>
          %parallel_loop3A_400 = tpu.vector_load_idx %arg7[%parallel_loop3A_324] : memref<52020xf32, #tpu.memory_space<vmem>>[vector<16xi32>], vector<16xf32>,
          %parallel_loop3A_401 = arith.mulf %parallel_loop3A_400, %parallel_loop3A_318 : vector<16xf32>
          %parallel_loop3A_402 = arith.addf %parallel_loop3A_303, %parallel_loop3A_401 : vector<16xf32>
          %parallel_loop3A_403 = tpu.vector_load_idx %arg7[%parallel_loop3A_325] : memref<52020xf32, #tpu.memory_space<vmem>>[vector<16xi32>], vector<16xf32>,
          %parallel_loop3A_404 = arith.mulf %parallel_loop3A_403, %parallel_loop3A_318 : vector<16xf32>
          %parallel_loop3A_405 = arith.addf %parallel_loop3A_304, %parallel_loop3A_404 : vector<16xf32>
          %parallel_loop3A_406 = tpu.vector_load_idx %arg7[%parallel_loop3A_326] : memref<52020xf32, #tpu.memory_space<vmem>>[vector<16xi32>], vector<16xf32>,
          %parallel_loop3A_407 = arith.mulf %parallel_loop3A_406, %parallel_loop3A_318 : vector<16xf32>
          %parallel_loop3A_408 = arith.addf %parallel_loop3A_305, %parallel_loop3A_407 : vector<16xf32>
          %parallel_loop3A_409 = tpu.vector_load_idx %arg7[%parallel_loop3A_327] : memref<52020xf32, #tpu.memory_space<vmem>>[vector<16xi32>], vector<16xf32>,
          %parallel_loop3A_410 = arith.mulf %parallel_loop3A_409, %parallel_loop3A_318 : vector<16xf32>
          %parallel_loop3A_411 = arith.addf %parallel_loop3A_306, %parallel_loop3A_410 : vector<16xf32>
          %parallel_loop3A_412 = tpu.vector_load_idx %arg7[%parallel_loop3A_328] : memref<52020xf32, #tpu.memory_space<vmem>>[vector<16xi32>], vector<16xf32>,
          %parallel_loop3A_413 = arith.mulf %parallel_loop3A_412, %parallel_loop3A_318 : vector<16xf32>
          %parallel_loop3A_414 = arith.addf %parallel_loop3A_307, %parallel_loop3A_413 : vector<16xf32>
          %parallel_loop3A_415 = tpu.vector_load_idx %arg7[%parallel_loop3A_329] : memref<52020xf32, #tpu.memory_space<vmem>>[vector<16xi32>], vector<16xf32>,
          %parallel_loop3A_416 = arith.mulf %parallel_loop3A_415, %parallel_loop3A_318 : vector<16xf32>
          %parallel_loop3A_417 = arith.addf %parallel_loop3A_308, %parallel_loop3A_416 : vector<16xf32>
          %parallel_loop3A_418 = tpu.vector_load_idx %arg7[%parallel_loop3A_330] : memref<52020xf32, #tpu.memory_space<vmem>>[vector<16xi32>], vector<16xf32>,
          %parallel_loop3A_419 = arith.mulf %parallel_loop3A_418, %parallel_loop3A_318 : vector<16xf32>
          %parallel_loop3A_420 = arith.addf %parallel_loop3A_309, %parallel_loop3A_419 : vector<16xf32>
          %parallel_loop3A_421 = tpu.vector_load_idx %arg7[%parallel_loop3A_331] : memref<52020xf32, #tpu.memory_space<vmem>>[vector<16xi32>], vector<16xf32>,
          %parallel_loop3A_422 = arith.mulf %parallel_loop3A_421, %parallel_loop3A_318 : vector<16xf32>
          %parallel_loop3A_423 = arith.addf %parallel_loop3A_310, %parallel_loop3A_422 : vector<16xf32>
          %parallel_loop3A_424 = tpu.vector_load_idx %arg7[%parallel_loop3A_332] : memref<52020xf32, #tpu.memory_space<vmem>>[vector<16xi32>], vector<16xf32>,
          %parallel_loop3A_425 = arith.mulf %parallel_loop3A_424, %parallel_loop3A_318 : vector<16xf32>
          %parallel_loop3A_426 = arith.addf %parallel_loop3A_311, %parallel_loop3A_425 : vector<16xf32>
          %parallel_loop3A_427 = tpu.vector_load_idx %arg7[%parallel_loop3A_333] : memref<52020xf32, #tpu.memory_space<vmem>>[vector<16xi32>], vector<16xf32>,
          %parallel_loop3A_428 = arith.mulf %parallel_loop3A_427, %parallel_loop3A_318 : vector<16xf32>
          %parallel_loop3A_429 = arith.addf %parallel_loop3A_312, %parallel_loop3A_428 : vector<16xf32>
          scf.yield %parallel_loop3A_336, %parallel_loop3A_339, %parallel_loop3A_342, %parallel_loop3A_345, %parallel_loop3A_348, %parallel_loop3A_351, %parallel_loop3A_354, %parallel_loop3A_357, %parallel_loop3A_360, %parallel_loop3A_363, %parallel_loop3A_366, %parallel_loop3A_369, %parallel_loop3A_372, %parallel_loop3A_375, %parallel_loop3A_378, %parallel_loop3A_381, %parallel_loop3A_384, %parallel_loop3A_387, %parallel_loop3A_390, %parallel_loop3A_393, %parallel_loop3A_396, %parallel_loop3A_399, %parallel_loop3A_402, %parallel_loop3A_405, %parallel_loop3A_408, %parallel_loop3A_411, %parallel_loop3A_414, %parallel_loop3A_417, %parallel_loop3A_420, %parallel_loop3A_423, %parallel_loop3A_426, %parallel_loop3A_429 : vector<16xf32>, vector<16xf32>, vector<16xf32>, vector<16xf32>, vector<16xf32>, vector<16xf32>, vector<16xf32>, vector<16xf32>, vector<16xf32>, vector<16xf32>, vector<16xf32>, vector<16xf32>, vector<16xf32>, vector<16xf32>, vector<16xf32>, vector<16xf32>, vector<16xf32>, vector<16xf32>, vector<16xf32>, vector<16xf32>, vector<16xf32>, vector<16xf32>, vector<16xf32>, vector<16xf32>, vector<16xf32>, vector<16xf32>, vector<16xf32>, vector<16xf32>, vector<16xf32>, vector<16xf32>, vector<16xf32>, vector<16xf32>
        } {sc.loop_unroll_factor = 1 : i64, sc.parallel_access}
        %swap3A = arith.constant 0 : i32
        %swap3A_153 = arith.index_cast %swap3A : i32 to index
        %swap3A_154 = arith.index_cast %mul3A_85 : i32 to index
        %swap3A_155 = tpu.vector_load %arg10[%swap3A_153, %swap3A_154] {strides = array<i32>} : memref<32x128xf32, #tpu.memory_space<vmem>>, vector<16xf32>,
        tpu.vector_store %arg10[%swap3A_153, %swap3A_154], %parallel_loop3A_152#0 {strides = array<i32>} : memref<32x128xf32, #tpu.memory_space<vmem>>, vector<16xf32>,
        %swap3A_156 = arith.constant 1 : i32
        %swap3A_157 = arith.index_cast %swap3A_156 : i32 to index
        %swap3A_158 = arith.index_cast %mul3A_85 : i32 to index
        %swap3A_159 = tpu.vector_load %arg10[%swap3A_157, %swap3A_158] {strides = array<i32>} : memref<32x128xf32, #tpu.memory_space<vmem>>, vector<16xf32>,
        tpu.vector_store %arg10[%swap3A_157, %swap3A_158], %parallel_loop3A_152#1 {strides = array<i32>} : memref<32x128xf32, #tpu.memory_space<vmem>>, vector<16xf32>,
        %swap3A_160 = arith.constant 2 : i32
        %swap3A_161 = arith.index_cast %swap3A_160 : i32 to index
        %swap3A_162 = arith.index_cast %mul3A_85 : i32 to index
        %swap3A_163 = tpu.vector_load %arg10[%swap3A_161, %swap3A_162] {strides = array<i32>} : memref<32x128xf32, #tpu.memory_space<vmem>>, vector<16xf32>,
        tpu.vector_store %arg10[%swap3A_161, %swap3A_162], %parallel_loop3A_152#2 {strides = array<i32>} : memref<32x128xf32, #tpu.memory_space<vmem>>, vector<16xf32>,
        %swap3A_164 = arith.constant 3 : i32
        %swap3A_165 = arith.index_cast %swap3A_164 : i32 to index
        %swap3A_166 = arith.index_cast %mul3A_85 : i32 to index
        %swap3A_167 = tpu.vector_load %arg10[%swap3A_165, %swap3A_166] {strides = array<i32>} : memref<32x128xf32, #tpu.memory_space<vmem>>, vector<16xf32>,
        tpu.vector_store %arg10[%swap3A_165, %swap3A_166], %parallel_loop3A_152#3 {strides = array<i32>} : memref<32x128xf32, #tpu.memory_space<vmem>>, vector<16xf32>,
        %swap3A_168 = arith.constant 4 : i32
        %swap3A_169 = arith.index_cast %swap3A_168 : i32 to index
        %swap3A_170 = arith.index_cast %mul3A_85 : i32 to index
        %swap3A_171 = tpu.vector_load %arg10[%swap3A_169, %swap3A_170] {strides = array<i32>} : memref<32x128xf32, #tpu.memory_space<vmem>>, vector<16xf32>,
        tpu.vector_store %arg10[%swap3A_169, %swap3A_170], %parallel_loop3A_152#4 {strides = array<i32>} : memref<32x128xf32, #tpu.memory_space<vmem>>, vector<16xf32>,
        %swap3A_172 = arith.constant 5 : i32
        %swap3A_173 = arith.index_cast %swap3A_172 : i32 to index
        %swap3A_174 = arith.index_cast %mul3A_85 : i32 to index
        %swap3A_175 = tpu.vector_load %arg10[%swap3A_173, %swap3A_174] {strides = array<i32>} : memref<32x128xf32, #tpu.memory_space<vmem>>, vector<16xf32>,
        tpu.vector_store %arg10[%swap3A_173, %swap3A_174], %parallel_loop3A_152#5 {strides = array<i32>} : memref<32x128xf32, #tpu.memory_space<vmem>>, vector<16xf32>,
        %swap3A_176 = arith.constant 6 : i32
        %swap3A_177 = arith.index_cast %swap3A_176 : i32 to index
        %swap3A_178 = arith.index_cast %mul3A_85 : i32 to index
        %swap3A_179 = tpu.vector_load %arg10[%swap3A_177, %swap3A_178] {strides = array<i32>} : memref<32x128xf32, #tpu.memory_space<vmem>>, vector<16xf32>,
        tpu.vector_store %arg10[%swap3A_177, %swap3A_178], %parallel_loop3A_152#6 {strides = array<i32>} : memref<32x128xf32, #tpu.memory_space<vmem>>, vector<16xf32>,
        %swap3A_180 = arith.constant 7 : i32
        %swap3A_181 = arith.index_cast %swap3A_180 : i32 to index
        %swap3A_182 = arith.index_cast %mul3A_85 : i32 to index
        %swap3A_183 = tpu.vector_load %arg10[%swap3A_181, %swap3A_182] {strides = array<i32>} : memref<32x128xf32, #tpu.memory_space<vmem>>, vector<16xf32>,
        tpu.vector_store %arg10[%swap3A_181, %swap3A_182], %parallel_loop3A_152#7 {strides = array<i32>} : memref<32x128xf32, #tpu.memory_space<vmem>>, vector<16xf32>,
        %swap3A_184 = arith.constant 8 : i32
        %swap3A_185 = arith.index_cast %swap3A_184 : i32 to index
        %swap3A_186 = arith.index_cast %mul3A_85 : i32 to index
        %swap3A_187 = tpu.vector_load %arg10[%swap3A_185, %swap3A_186] {strides = array<i32>} : memref<32x128xf32, #tpu.memory_space<vmem>>, vector<16xf32>,
        tpu.vector_store %arg10[%swap3A_185, %swap3A_186], %parallel_loop3A_152#8 {strides = array<i32>} : memref<32x128xf32, #tpu.memory_space<vmem>>, vector<16xf32>,
        %swap3A_188 = arith.constant 9 : i32
        %swap3A_189 = arith.index_cast %swap3A_188 : i32 to index
        %swap3A_190 = arith.index_cast %mul3A_85 : i32 to index
        %swap3A_191 = tpu.vector_load %arg10[%swap3A_189, %swap3A_190] {strides = array<i32>} : memref<32x128xf32, #tpu.memory_space<vmem>>, vector<16xf32>,
        tpu.vector_store %arg10[%swap3A_189, %swap3A_190], %parallel_loop3A_152#9 {strides = array<i32>} : memref<32x128xf32, #tpu.memory_space<vmem>>, vector<16xf32>,
        %swap3A_192 = arith.constant 10 : i32
        %swap3A_193 = arith.index_cast %swap3A_192 : i32 to index
        %swap3A_194 = arith.index_cast %mul3A_85 : i32 to index
        %swap3A_195 = tpu.vector_load %arg10[%swap3A_193, %swap3A_194] {strides = array<i32>} : memref<32x128xf32, #tpu.memory_space<vmem>>, vector<16xf32>,
        tpu.vector_store %arg10[%swap3A_193, %swap3A_194], %parallel_loop3A_152#10 {strides = array<i32>} : memref<32x128xf32, #tpu.memory_space<vmem>>, vector<16xf32>,
        %swap3A_196 = arith.constant 11 : i32
        %swap3A_197 = arith.index_cast %swap3A_196 : i32 to index
        %swap3A_198 = arith.index_cast %mul3A_85 : i32 to index
        %swap3A_199 = tpu.vector_load %arg10[%swap3A_197, %swap3A_198] {strides = array<i32>} : memref<32x128xf32, #tpu.memory_space<vmem>>, vector<16xf32>,
        tpu.vector_store %arg10[%swap3A_197, %swap3A_198], %parallel_loop3A_152#11 {strides = array<i32>} : memref<32x128xf32, #tpu.memory_space<vmem>>, vector<16xf32>,
        %swap3A_200 = arith.constant 12 : i32
        %swap3A_201 = arith.index_cast %swap3A_200 : i32 to index
        %swap3A_202 = arith.index_cast %mul3A_85 : i32 to index
        %swap3A_203 = tpu.vector_load %arg10[%swap3A_201, %swap3A_202] {strides = array<i32>} : memref<32x128xf32, #tpu.memory_space<vmem>>, vector<16xf32>,
        tpu.vector_store %arg10[%swap3A_201, %swap3A_202], %parallel_loop3A_152#12 {strides = array<i32>} : memref<32x128xf32, #tpu.memory_space<vmem>>, vector<16xf32>,
        %swap3A_204 = arith.constant 13 : i32
        %swap3A_205 = arith.index_cast %swap3A_204 : i32 to index
        %swap3A_206 = arith.index_cast %mul3A_85 : i32 to index
        %swap3A_207 = tpu.vector_load %arg10[%swap3A_205, %swap3A_206] {strides = array<i32>} : memref<32x128xf32, #tpu.memory_space<vmem>>, vector<16xf32>,
        tpu.vector_store %arg10[%swap3A_205, %swap3A_206], %parallel_loop3A_152#13 {strides = array<i32>} : memref<32x128xf32, #tpu.memory_space<vmem>>, vector<16xf32>,
        %swap3A_208 = arith.constant 14 : i32
        %swap3A_209 = arith.index_cast %swap3A_208 : i32 to index
        %swap3A_210 = arith.index_cast %mul3A_85 : i32 to index
        %swap3A_211 = tpu.vector_load %arg10[%swap3A_209, %swap3A_210] {strides = array<i32>} : memref<32x128xf32, #tpu.memory_space<vmem>>, vector<16xf32>,
        tpu.vector_store %arg10[%swap3A_209, %swap3A_210], %parallel_loop3A_152#14 {strides = array<i32>} : memref<32x128xf32, #tpu.memory_space<vmem>>, vector<16xf32>,
        %swap3A_212 = arith.constant 15 : i32
        %swap3A_213 = arith.index_cast %swap3A_212 : i32 to index
        %swap3A_214 = arith.index_cast %mul3A_85 : i32 to index
        %swap3A_215 = tpu.vector_load %arg10[%swap3A_213, %swap3A_214] {strides = array<i32>} : memref<32x128xf32, #tpu.memory_space<vmem>>, vector<16xf32>,
        tpu.vector_store %arg10[%swap3A_213, %swap3A_214], %parallel_loop3A_152#15 {strides = array<i32>} : memref<32x128xf32, #tpu.memory_space<vmem>>, vector<16xf32>,
        %swap3A_216 = arith.constant 16 : i32
        %swap3A_217 = arith.index_cast %swap3A_216 : i32 to index
        %swap3A_218 = arith.index_cast %mul3A_85 : i32 to index
        %swap3A_219 = tpu.vector_load %arg10[%swap3A_217, %swap3A_218] {strides = array<i32>} : memref<32x128xf32, #tpu.memory_space<vmem>>, vector<16xf32>,
        tpu.vector_store %arg10[%swap3A_217, %swap3A_218], %parallel_loop3A_152#16 {strides = array<i32>} : memref<32x128xf32, #tpu.memory_space<vmem>>, vector<16xf32>,
        %swap3A_220 = arith.constant 17 : i32
        %swap3A_221 = arith.index_cast %swap3A_220 : i32 to index
        %swap3A_222 = arith.index_cast %mul3A_85 : i32 to index
        %swap3A_223 = tpu.vector_load %arg10[%swap3A_221, %swap3A_222] {strides = array<i32>} : memref<32x128xf32, #tpu.memory_space<vmem>>, vector<16xf32>,
        tpu.vector_store %arg10[%swap3A_221, %swap3A_222], %parallel_loop3A_152#17 {strides = array<i32>} : memref<32x128xf32, #tpu.memory_space<vmem>>, vector<16xf32>,
        %swap3A_224 = arith.constant 18 : i32
        %swap3A_225 = arith.index_cast %swap3A_224 : i32 to index
        %swap3A_226 = arith.index_cast %mul3A_85 : i32 to index
        %swap3A_227 = tpu.vector_load %arg10[%swap3A_225, %swap3A_226] {strides = array<i32>} : memref<32x128xf32, #tpu.memory_space<vmem>>, vector<16xf32>,
        tpu.vector_store %arg10[%swap3A_225, %swap3A_226], %parallel_loop3A_152#18 {strides = array<i32>} : memref<32x128xf32, #tpu.memory_space<vmem>>, vector<16xf32>,
        %swap3A_228 = arith.constant 19 : i32
        %swap3A_229 = arith.index_cast %swap3A_228 : i32 to index
        %swap3A_230 = arith.index_cast %mul3A_85 : i32 to index
        %swap3A_231 = tpu.vector_load %arg10[%swap3A_229, %swap3A_230] {strides = array<i32>} : memref<32x128xf32, #tpu.memory_space<vmem>>, vector<16xf32>,
        tpu.vector_store %arg10[%swap3A_229, %swap3A_230], %parallel_loop3A_152#19 {strides = array<i32>} : memref<32x128xf32, #tpu.memory_space<vmem>>, vector<16xf32>,
        %swap3A_232 = arith.constant 20 : i32
        %swap3A_233 = arith.index_cast %swap3A_232 : i32 to index
        %swap3A_234 = arith.index_cast %mul3A_85 : i32 to index
        %swap3A_235 = tpu.vector_load %arg10[%swap3A_233, %swap3A_234] {strides = array<i32>} : memref<32x128xf32, #tpu.memory_space<vmem>>, vector<16xf32>,
        tpu.vector_store %arg10[%swap3A_233, %swap3A_234], %parallel_loop3A_152#20 {strides = array<i32>} : memref<32x128xf32, #tpu.memory_space<vmem>>, vector<16xf32>,
        %swap3A_236 = arith.constant 21 : i32
        %swap3A_237 = arith.index_cast %swap3A_236 : i32 to index
        %swap3A_238 = arith.index_cast %mul3A_85 : i32 to index
        %swap3A_239 = tpu.vector_load %arg10[%swap3A_237, %swap3A_238] {strides = array<i32>} : memref<32x128xf32, #tpu.memory_space<vmem>>, vector<16xf32>,
        tpu.vector_store %arg10[%swap3A_237, %swap3A_238], %parallel_loop3A_152#21 {strides = array<i32>} : memref<32x128xf32, #tpu.memory_space<vmem>>, vector<16xf32>,
        %swap3A_240 = arith.constant 22 : i32
        %swap3A_241 = arith.index_cast %swap3A_240 : i32 to index
        %swap3A_242 = arith.index_cast %mul3A_85 : i32 to index
        %swap3A_243 = tpu.vector_load %arg10[%swap3A_241, %swap3A_242] {strides = array<i32>} : memref<32x128xf32, #tpu.memory_space<vmem>>, vector<16xf32>,
        tpu.vector_store %arg10[%swap3A_241, %swap3A_242], %parallel_loop3A_152#22 {strides = array<i32>} : memref<32x128xf32, #tpu.memory_space<vmem>>, vector<16xf32>,
        %swap3A_244 = arith.constant 23 : i32
        %swap3A_245 = arith.index_cast %swap3A_244 : i32 to index
        %swap3A_246 = arith.index_cast %mul3A_85 : i32 to index
        %swap3A_247 = tpu.vector_load %arg10[%swap3A_245, %swap3A_246] {strides = array<i32>} : memref<32x128xf32, #tpu.memory_space<vmem>>, vector<16xf32>,
        tpu.vector_store %arg10[%swap3A_245, %swap3A_246], %parallel_loop3A_152#23 {strides = array<i32>} : memref<32x128xf32, #tpu.memory_space<vmem>>, vector<16xf32>,
        %swap3A_248 = arith.constant 24 : i32
        %swap3A_249 = arith.index_cast %swap3A_248 : i32 to index
        %swap3A_250 = arith.index_cast %mul3A_85 : i32 to index
        %swap3A_251 = tpu.vector_load %arg10[%swap3A_249, %swap3A_250] {strides = array<i32>} : memref<32x128xf32, #tpu.memory_space<vmem>>, vector<16xf32>,
        tpu.vector_store %arg10[%swap3A_249, %swap3A_250], %parallel_loop3A_152#24 {strides = array<i32>} : memref<32x128xf32, #tpu.memory_space<vmem>>, vector<16xf32>,
        %swap3A_252 = arith.constant 25 : i32
        %swap3A_253 = arith.index_cast %swap3A_252 : i32 to index
        %swap3A_254 = arith.index_cast %mul3A_85 : i32 to index
        %swap3A_255 = tpu.vector_load %arg10[%swap3A_253, %swap3A_254] {strides = array<i32>} : memref<32x128xf32, #tpu.memory_space<vmem>>, vector<16xf32>,
        tpu.vector_store %arg10[%swap3A_253, %swap3A_254], %parallel_loop3A_152#25 {strides = array<i32>} : memref<32x128xf32, #tpu.memory_space<vmem>>, vector<16xf32>,
        %swap3A_256 = arith.constant 26 : i32
        %swap3A_257 = arith.index_cast %swap3A_256 : i32 to index
        %swap3A_258 = arith.index_cast %mul3A_85 : i32 to index
        %swap3A_259 = tpu.vector_load %arg10[%swap3A_257, %swap3A_258] {strides = array<i32>} : memref<32x128xf32, #tpu.memory_space<vmem>>, vector<16xf32>,
        tpu.vector_store %arg10[%swap3A_257, %swap3A_258], %parallel_loop3A_152#26 {strides = array<i32>} : memref<32x128xf32, #tpu.memory_space<vmem>>, vector<16xf32>,
        %swap3A_260 = arith.constant 27 : i32
        %swap3A_261 = arith.index_cast %swap3A_260 : i32 to index
        %swap3A_262 = arith.index_cast %mul3A_85 : i32 to index
        %swap3A_263 = tpu.vector_load %arg10[%swap3A_261, %swap3A_262] {strides = array<i32>} : memref<32x128xf32, #tpu.memory_space<vmem>>, vector<16xf32>,
        tpu.vector_store %arg10[%swap3A_261, %swap3A_262], %parallel_loop3A_152#27 {strides = array<i32>} : memref<32x128xf32, #tpu.memory_space<vmem>>, vector<16xf32>,
        %swap3A_264 = arith.constant 28 : i32
        %swap3A_265 = arith.index_cast %swap3A_264 : i32 to index
        %swap3A_266 = arith.index_cast %mul3A_85 : i32 to index
        %swap3A_267 = tpu.vector_load %arg10[%swap3A_265, %swap3A_266] {strides = array<i32>} : memref<32x128xf32, #tpu.memory_space<vmem>>, vector<16xf32>,
        tpu.vector_store %arg10[%swap3A_265, %swap3A_266], %parallel_loop3A_152#28 {strides = array<i32>} : memref<32x128xf32, #tpu.memory_space<vmem>>, vector<16xf32>,
        %swap3A_268 = arith.constant 29 : i32
        %swap3A_269 = arith.index_cast %swap3A_268 : i32 to index
        %swap3A_270 = arith.index_cast %mul3A_85 : i32 to index
        %swap3A_271 = tpu.vector_load %arg10[%swap3A_269, %swap3A_270] {strides = array<i32>} : memref<32x128xf32, #tpu.memory_space<vmem>>, vector<16xf32>,
        tpu.vector_store %arg10[%swap3A_269, %swap3A_270], %parallel_loop3A_152#29 {strides = array<i32>} : memref<32x128xf32, #tpu.memory_space<vmem>>, vector<16xf32>,
        %swap3A_272 = arith.constant 30 : i32
        %swap3A_273 = arith.index_cast %swap3A_272 : i32 to index
        %swap3A_274 = arith.index_cast %mul3A_85 : i32 to index
        %swap3A_275 = tpu.vector_load %arg10[%swap3A_273, %swap3A_274] {strides = array<i32>} : memref<32x128xf32, #tpu.memory_space<vmem>>, vector<16xf32>,
        tpu.vector_store %arg10[%swap3A_273, %swap3A_274], %parallel_loop3A_152#30 {strides = array<i32>} : memref<32x128xf32, #tpu.memory_space<vmem>>, vector<16xf32>,
        %swap3A_276 = arith.constant 31 : i32
        %swap3A_277 = arith.index_cast %swap3A_276 : i32 to index
        %swap3A_278 = arith.index_cast %mul3A_85 : i32 to index
        %swap3A_279 = tpu.vector_load %arg10[%swap3A_277, %swap3A_278] {strides = array<i32>} : memref<32x128xf32, #tpu.memory_space<vmem>>, vector<16xf32>,
        tpu.vector_store %arg10[%swap3A_277, %swap3A_278], %parallel_loop3A_152#31 {strides = array<i32>} : memref<32x128xf32, #tpu.memory_space<vmem>>, vector<16xf32>,
      }
      %scan3A_80 = arith.constant 8 : i32
      %mul3A_81 = arith.constant 16 : i32
      %mul3A_82 = arith.muli %mul3A_61, %mul3A_81 : i32
      "tpu.region"() ({
        %run_scoped3A = tpu.sem_alloc : memref<!tpu.dma_semaphore, #tpu.memory_space<semaphore_mem>>
        %dma_start3A = tpu.memref_slice %arg5[%select_n3A, %mul3A_82, %mul3A_74] : memref<16x64x3072xf32, #tpu.memory_space<hbm>> -> memref<1x32x128xf32, #tpu.memory_space<hbm>>
        %dma_start3A_83 = tpu.memref_squeeze %dma_start3A : memref<1x32x128xf32, #tpu.memory_space<hbm>> -> memref<32x128xf32, #tpu.memory_space<hbm>>
        %dma_start3A_84 = tpu.memref_slice %arg5[%select_n3A, %mul3A_82, %mul3A_74] : memref<16x64x3072xf32, #tpu.memory_space<hbm>> -> memref<1x32x128xf32, #tpu.memory_space<hbm>>
        %dma_start3A_85 = tpu.memref_squeeze %dma_start3A_84 : memref<1x32x128xf32, #tpu.memory_space<hbm>> -> memref<32x128xf32, #tpu.memory_space<hbm>>
        tpu.enqueue_dma source(%arg10 : memref<32x128xf32, #tpu.memory_space<vmem>>) target(%dma_start3A_85 : memref<32x128xf32, #tpu.memory_space<hbm>>) target_semaphore(%run_scoped3A : memref<!tpu.dma_semaphore, #tpu.memory_space<semaphore_mem>>)
        %dma_wait3A = tpu.memref_slice %arg5[%select_n3A, %mul3A_82, %mul3A_74] : memref<16x64x3072xf32, #tpu.memory_space<hbm>> -> memref<1x32x128xf32, #tpu.memory_space<hbm>>
        %dma_wait3A_86 = tpu.memref_squeeze %dma_wait3A : memref<1x32x128xf32, #tpu.memory_space<hbm>> -> memref<32x128xf32, #tpu.memory_space<hbm>>
        %dma_wait3A_87 = tpu.memref_slice %arg5[%select_n3A, %mul3A_82, %mul3A_74] : memref<16x64x3072xf32, #tpu.memory_space<hbm>> -> memref<1x32x128xf32, #tpu.memory_space<hbm>>
        %dma_wait3A_88 = tpu.memref_squeeze %dma_wait3A_87 : memref<1x32x128xf32, #tpu.memory_space<hbm>> -> memref<32x128xf32, #tpu.memory_space<hbm>>
        tpu.wait_dma2 semaphore(%run_scoped3A : memref<!tpu.dma_semaphore, #tpu.memory_space<semaphore_mem>>) src(%arg10 : memref<32x128xf32, #tpu.memory_space<vmem>>) dst(%dma_wait3A_88 : memref<32x128xf32, #tpu.memory_space<hbm>>)
        tpu.yield
      }) : () -> ()
    }
    %scan3A_71 = arith.constant 24 : i32
    return
  }
}

module attributes {stable_mosaic.version = 14 : i64} {
  func.func @_mm_body(%arg0: i32, %arg1: i32, %arg2: memref<512x512xf32, #tpu.memory_space<vmem>>, %arg3: memref<1x512x512xf32, #tpu.memory_space<vmem>>, %arg4: memref<512x1xf32, #tpu.memory_space<vmem>>, %arg5: memref<1x512x512xf32, #tpu.memory_space<vmem>>) attributes {dimension_semantics = [#tpu.dimension_semantics<arbitrary>, #tpu.dimension_semantics<arbitrary>], iteration_bounds = array<i64: 2, 6>, scalar_prefetch = 0 : i64, scratch_operands = 0 : i64, tpu.core_type = #tpu.core_type<tc>, window_params = [{pipeline_mode = #tpu.pipeline_mode<synchronous>, transform_indices = @transform_0, window_bounds = array<i64: 512, 512>}, {transform_indices = @transform_1, window_bounds = array<i64: 1, 512, 512>}, {pipeline_mode = #tpu.pipeline_mode<synchronous>, transform_indices = @transform_2, window_bounds = array<i64: 512, 1>}, {transform_indices = @transform_3, window_bounds = array<i64: 1, 512, 512>}]} {
    %get3A = arith.constant 0 : index
    %get3A_0 = arith.constant 0 : index
    %get3A_1 = vector.load %arg2[%get3A, %get3A_0] : memref<512x512xf32, #tpu.memory_space<vmem>>, vector<512x512xf32>
    %get3A_2 = arith.constant 0 : index
    %get3A_3 = arith.constant 0 : index
    %get3A_4 = arith.constant 0 : index
    %get3A_5 = vector.load %arg3[%get3A_2, %get3A_3, %get3A_4] : memref<1x512x512xf32, #tpu.memory_space<vmem>>, vector<1x512x512xf32>
    %get3A_6 = vector.shape_cast %get3A_5 : vector<1x512x512xf32> to vector<512x512xf32>
    %dot_general3A = arith.constant dense<0.000000e+00> : vector<512x512xf32>
    %dot_general3A_7 = tpu.matmul %get3A_1, %get3A_6, %dot_general3A {dimension_numbers = #tpu.dot_dimension_numbers<[1], [0], [0], [1], [0, 0, 1, 1], [], []>, transpose_lhs_hint = false} : vector<512x512xf32>, vector<512x512xf32>, vector<512x512xf32> -> vector<512x512xf32>
    %get3A_8 = arith.constant 0 : index
    %get3A_9 = arith.constant 0 : index
    %get3A_10 = vector.load %arg4[%get3A_8, %get3A_9] : memref<512x1xf32, #tpu.memory_space<vmem>>, vector<512x1xf32>
    %add3A = vector.broadcast %get3A_10 : vector<512x1xf32> to vector<512x512xf32>
    %add3A_11 = arith.addf %dot_general3A_7, %add3A : vector<512x512xf32>
    %swap3A = arith.constant 0 : index
    %swap3A_12 = arith.constant 0 : index
    %swap3A_13 = arith.constant 0 : index
    %swap3A_14 = vector.load %arg5[%swap3A, %swap3A_12, %swap3A_13] : memref<1x512x512xf32, #tpu.memory_space<vmem>>, vector<1x512x512xf32>
    %swap3A_15 = vector.shape_cast %swap3A_14 : vector<1x512x512xf32> to vector<512x512xf32>
    %swap3A_16 = vector.shape_cast %add3A_11 : vector<512x512xf32> to vector<1x512x512xf32>
    tpu.vector_store %arg5[%swap3A, %swap3A_12, %swap3A_13], %swap3A_16 {strides = array<i32>} : memref<1x512x512xf32, #tpu.memory_space<vmem>>, vector<1x512x512xf32>,
    return
  }
  func.func @transform_0(%arg0: i32, %arg1: i32) -> (i32, i32) {
    %c0_i32 = arith.constant 0 : i32
    %c0_i32_0 = arith.constant 0 : i32
    %c0_i32_1 = arith.constant 0 : i32
    return %c0_i32, %c0_i32_0 : i32, i32
  }
  func.func @transform_1(%arg0: i32, %arg1: i32) -> (i32, i32, i32) {
    %c0_i32 = arith.constant 0 : i32
    %c0_i32_0 = arith.constant 0 : i32
    return %arg0, %c0_i32, %arg1 : i32, i32, i32
  }
  func.func @transform_2(%arg0: i32, %arg1: i32) -> (i32, i32) {
    %c0_i32 = arith.constant 0 : i32
    %c0_i32_0 = arith.constant 0 : i32
    %c0_i32_1 = arith.constant 0 : i32
    return %c0_i32, %c0_i32_0 : i32, i32
  }
  func.func @transform_3(%arg0: i32, %arg1: i32) -> (i32, i32, i32) {
    %c0_i32 = arith.constant 0 : i32
    %c0_i32_0 = arith.constant 0 : i32
    return %arg0, %c0_i32, %arg1 : i32, i32, i32
  }
}

module attributes {stable_mosaic.version = 14 : i64} {
  func.func @_prep_body(%arg0: i32, %arg1: i32, %arg2: memref<1x512x512xf32, #tpu.memory_space<vmem>>, %arg3: memref<256x512xf32, #tpu.memory_space<vmem>>, %arg4: memref<256x1xf32, #tpu.memory_space<vmem>>, %arg5: memref<128x512xf32, #tpu.memory_space<vmem>>, %arg6: memref<128x1xf32, #tpu.memory_space<vmem>>, %arg7: memref<1x4x4x512xf32, #tpu.memory_space<vmem>>, %arg8: memref<1x8x64x512xi32, #tpu.memory_space<vmem>>, %arg9: memref<1x8x64x512xf32, #tpu.memory_space<vmem>>) attributes {dimension_semantics = [#tpu.dimension_semantics<arbitrary>, #tpu.dimension_semantics<arbitrary>], iteration_bounds = array<i64: 2, 6>, scalar_prefetch = 0 : i64, scratch_operands = 0 : i64, tpu.core_type = #tpu.core_type<tc>, window_params = [{transform_indices = @transform_0, window_bounds = array<i64: 1, 512, 512>}, {pipeline_mode = #tpu.pipeline_mode<synchronous>, transform_indices = @transform_1, window_bounds = array<i64: 256, 512>}, {pipeline_mode = #tpu.pipeline_mode<synchronous>, transform_indices = @transform_2, window_bounds = array<i64: 256, 1>}, {pipeline_mode = #tpu.pipeline_mode<synchronous>, transform_indices = @transform_3, window_bounds = array<i64: 128, 512>}, {pipeline_mode = #tpu.pipeline_mode<synchronous>, transform_indices = @transform_4, window_bounds = array<i64: 128, 1>}, {transform_indices = @transform_5, window_bounds = array<i64: 1, 4, 4, 512>}, {transform_indices = @transform_6, window_bounds = array<i64: 1, 8, 64, 512>}, {transform_indices = @transform_7, window_bounds = array<i64: 1, 8, 64, 512>}]} {
    %get3A = arith.constant 0 : index
    %get3A_0 = arith.constant 0 : index
    %get3A_1 = arith.constant 0 : index
    %get3A_2 = vector.load %arg2[%get3A, %get3A_0, %get3A_1] : memref<1x512x512xf32, #tpu.memory_space<vmem>>, vector<1x512x512xf32>
    %get3A_3 = vector.shape_cast %get3A_2 : vector<1x512x512xf32> to vector<512x512xf32>
    %get3A_4 = arith.constant 0 : index
    %get3A_5 = arith.constant 0 : index
    %get3A_6 = vector.load %arg3[%get3A_4, %get3A_5] : memref<256x512xf32, #tpu.memory_space<vmem>>, vector<256x512xf32>
    %dot_general3A = arith.constant dense<0.000000e+00> : vector<256x512xf32>
    %dot_general3A_7 = tpu.matmul %get3A_6, %get3A_3, %dot_general3A {dimension_numbers = #tpu.dot_dimension_numbers<[1], [0], [0], [1], [0, 0, 1, 1], [], []>, transpose_lhs_hint = false} : vector<256x512xf32>, vector<512x512xf32>, vector<256x512xf32> -> vector<256x512xf32>
    %get3A_8 = arith.constant 0 : index
    %get3A_9 = arith.constant 0 : index
    %get3A_10 = vector.load %arg4[%get3A_8, %get3A_9] : memref<256x1xf32, #tpu.memory_space<vmem>>, vector<256x1xf32>
    %add3A = vector.broadcast %get3A_10 : vector<256x1xf32> to vector<256x512xf32>
    %add3A_11 = arith.addf %dot_general3A_7, %add3A : vector<256x512xf32>
    %get3A_12 = arith.constant 0 : index
    %get3A_13 = arith.constant 0 : index
    %get3A_14 = vector.load %arg5[%get3A_12, %get3A_13] : memref<128x512xf32, #tpu.memory_space<vmem>>, vector<128x512xf32>
    %dot_general3A_15 = arith.constant dense<0.000000e+00> : vector<128x512xf32>
    %dot_general3A_16 = tpu.matmul %get3A_14, %get3A_3, %dot_general3A_15 {dimension_numbers = #tpu.dot_dimension_numbers<[1], [0], [0], [1], [0, 0, 1, 1], [], []>, transpose_lhs_hint = false} : vector<128x512xf32>, vector<512x512xf32>, vector<128x512xf32> -> vector<128x512xf32>
    %get3A_17 = arith.constant 0 : index
    %get3A_18 = arith.constant 0 : index
    %get3A_19 = vector.load %arg6[%get3A_17, %get3A_18] : memref<128x1xf32, #tpu.memory_space<vmem>>, vector<128x1xf32>
    %add3A_20 = vector.broadcast %get3A_19 : vector<128x1xf32> to vector<128x512xf32>
    %add3A_21 = arith.addf %dot_general3A_16, %add3A_20 : vector<128x512xf32>
    %reshape3A = vector.shape_cast %add3A_21 : vector<128x512xf32> to vector<8x16x512xf32>
    %reduce_max3A = arith.constant dense<0xFF800000> : vector<8x512xf32>
    %reduce_max3A_22 = vector.multi_reduction <maximumf>, %reshape3A, %reduce_max3A [1] : vector<8x16x512xf32> to vector<8x512xf32>
    %broadcast_in_dim3A = vector.shape_cast %reduce_max3A_22 : vector<8x512xf32> to vector<8x1x512xf32>
    %sub3A = vector.broadcast %broadcast_in_dim3A : vector<8x1x512xf32> to vector<8x16x512xf32>
    %sub3A_23 = arith.subf %reshape3A, %sub3A : vector<8x16x512xf32>
    %exp3A = math.exp %sub3A_23 : vector<8x16x512xf32>
    %reduce_sum3A = arith.constant dense<0.000000e+00> : vector<8x512xf32>
    %reduce_sum3A_24 = vector.multi_reduction <add>, %exp3A, %reduce_sum3A [1] : vector<8x16x512xf32> to vector<8x512xf32>
    %broadcast_in_dim3A_25 = vector.shape_cast %reduce_sum3A_24 : vector<8x512xf32> to vector<8x1x512xf32>
    %div3A = vector.broadcast %broadcast_in_dim3A_25 : vector<8x1x512xf32> to vector<8x16x512xf32>
    %div3A_26 = arith.divf %exp3A, %div3A : vector<8x16x512xf32>
    %reshape3A_27 = vector.shape_cast %div3A_26 : vector<8x16x512xf32> to vector<8x4x4x512xf32>
    %reshape3A_28 = vector.shape_cast %add3A_11 : vector<256x512xf32> to vector<8x4x4x2x512xf32>
    %get3A_29 = arith.constant 0 : index
    %get3A_30 = arith.constant 0 : index
    %get3A_31 = arith.constant 0 : index
    %get3A_32 = arith.constant 0 : index
    %get3A_33 = vector.load %arg7[%get3A_29, %get3A_30, %get3A_31, %get3A_32] : memref<1x4x4x512xf32, #tpu.memory_space<vmem>>, vector<1x4x4x512xf32>
    %get3A_34 = vector.shape_cast %get3A_33 : vector<1x4x4x512xf32> to vector<4x4x512xf32>
    %slice3A = vector.extract_strided_slice %get3A_34 {offsets = [0, 0, 0], sizes = [1, 1, 512], strides = [1, 1, 1]} : vector<4x4x512xf32> to vector<1x1x512xf32>
    %squeeze3A = vector.shape_cast %slice3A : vector<1x1x512xf32> to vector<512xf32>
    %broadcast_in_dim3A_35 = vector.shape_cast %squeeze3A : vector<512xf32> to vector<1x1x512xf32>
    %slice3A_36 = vector.extract_strided_slice %get3A_34 {offsets = [0, 1, 0], sizes = [1, 1, 512], strides = [1, 1, 1]} : vector<4x4x512xf32> to vector<1x1x512xf32>
    %squeeze3A_37 = vector.shape_cast %slice3A_36 : vector<1x1x512xf32> to vector<512xf32>
    %broadcast_in_dim3A_38 = vector.shape_cast %squeeze3A_37 : vector<512xf32> to vector<1x1x512xf32>
    %slice3A_39 = vector.extract_strided_slice %get3A_34 {offsets = [0, 2, 0], sizes = [1, 1, 512], strides = [1, 1, 1]} : vector<4x4x512xf32> to vector<1x1x512xf32>
    %squeeze3A_40 = vector.shape_cast %slice3A_39 : vector<1x1x512xf32> to vector<512xf32>
    %broadcast_in_dim3A_41 = vector.shape_cast %squeeze3A_40 : vector<512xf32> to vector<1x1x512xf32>
    %slice3A_42 = vector.extract_strided_slice %get3A_34 {offsets = [0, 3, 0], sizes = [1, 1, 512], strides = [1, 1, 1]} : vector<4x4x512xf32> to vector<1x1x512xf32>
    %squeeze3A_43 = vector.shape_cast %slice3A_42 : vector<1x1x512xf32> to vector<512xf32>
    %broadcast_in_dim3A_44 = vector.shape_cast %squeeze3A_43 : vector<512xf32> to vector<1x1x512xf32>
    %slice3A_45 = vector.extract_strided_slice %reshape3A_28 {offsets = [0, 0, 0, 0, 0], sizes = [8, 1, 4, 1, 512], strides = [1, 1, 1, 1, 1]} : vector<8x4x4x2x512xf32> to vector<8x1x4x1x512xf32>
    %squeeze3A_46 = vector.shape_cast %slice3A_45 : vector<8x1x4x1x512xf32> to vector<8x4x512xf32>
    %mul3A = vector.broadcast %broadcast_in_dim3A_35 : vector<1x1x512xf32> to vector<8x4x512xf32>
    %mul3A_47 = arith.mulf %squeeze3A_46, %mul3A : vector<8x4x512xf32>
    %add3A_48 = vector.broadcast %broadcast_in_dim3A_38 : vector<1x1x512xf32> to vector<8x4x512xf32>
    %add3A_49 = arith.addf %mul3A_47, %add3A_48 : vector<8x4x512xf32>
    %slice3A_50 = vector.extract_strided_slice %reshape3A_28 {offsets = [0, 0, 0, 1, 0], sizes = [8, 1, 4, 1, 512], strides = [1, 1, 1, 1, 1]} : vector<8x4x4x2x512xf32> to vector<8x1x4x1x512xf32>
    %squeeze3A_51 = vector.shape_cast %slice3A_50 : vector<8x1x4x1x512xf32> to vector<8x4x512xf32>
    %mul3A_52 = vector.broadcast %broadcast_in_dim3A_41 : vector<1x1x512xf32> to vector<8x4x512xf32>
    %mul3A_53 = arith.mulf %squeeze3A_51, %mul3A_52 : vector<8x4x512xf32>
    %add3A_54 = vector.broadcast %broadcast_in_dim3A_44 : vector<1x1x512xf32> to vector<8x4x512xf32>
    %add3A_55 = arith.addf %mul3A_53, %add3A_54 : vector<8x4x512xf32>
    %floor3A = math.floor %add3A_49 : vector<8x4x512xf32>
    %floor3A_56 = math.floor %add3A_55 : vector<8x4x512xf32>
    %sub3A_57 = arith.subf %add3A_49, %floor3A : vector<8x4x512xf32>
    %sub3A_58 = arith.subf %add3A_55, %floor3A_56 : vector<8x4x512xf32>
    %slice3A_59 = vector.extract_strided_slice %reshape3A_27 {offsets = [0, 0, 0, 0], sizes = [8, 1, 4, 512], strides = [1, 1, 1, 1]} : vector<8x4x4x512xf32> to vector<8x1x4x512xf32>
    %squeeze3A_60 = vector.shape_cast %slice3A_59 : vector<8x1x4x512xf32> to vector<8x4x512xf32>
    %add3A_61 = arith.constant 0.000000e+00 : f32
    %add3A_62 = vector.broadcast %add3A_61 : f32 to vector<8x4x512xf32>
    %add3A_63 = arith.addf %floor3A, %add3A_62 : vector<8x4x512xf32>
    %add3A_64 = arith.constant 0.000000e+00 : f32
    %add3A_65 = vector.broadcast %add3A_64 : f32 to vector<8x4x512xf32>
    %add3A_66 = arith.addf %floor3A_56, %add3A_65 : vector<8x4x512xf32>
    %sub3A_67 = arith.constant 1.000000e+00 : f32
    %sub3A_68 = vector.broadcast %sub3A_67 : f32 to vector<8x4x512xf32>
    %sub3A_69 = arith.subf %sub3A_68, %sub3A_57 : vector<8x4x512xf32>
    %sub3A_70 = arith.constant 1.000000e+00 : f32
    %sub3A_71 = vector.broadcast %sub3A_70 : f32 to vector<8x4x512xf32>
    %sub3A_72 = arith.subf %sub3A_71, %sub3A_58 : vector<8x4x512xf32>
    %ge3A = arith.constant 0.000000e+00 : f32
    %ge3A_73 = vector.broadcast %ge3A : f32 to vector<8x4x512xf32>
    %ge3A_74 = arith.cmpf oge, %add3A_63, %ge3A_73 : vector<8x4x512xf32>
    %le3A = arith.constant 4.700000e+01 : f32
    %le3A_75 = vector.broadcast %le3A : f32 to vector<8x4x512xf32>
    %le3A_76 = arith.cmpf ole, %add3A_63, %le3A_75 : vector<8x4x512xf32>
    %and3A = arith.andi %ge3A_74, %le3A_76 : vector<8x4x512xi1>
    %ge3A_77 = arith.constant 0.000000e+00 : f32
    %ge3A_78 = vector.broadcast %ge3A_77 : f32 to vector<8x4x512xf32>
    %ge3A_79 = arith.cmpf oge, %add3A_66, %ge3A_78 : vector<8x4x512xf32>
    %and3A_80 = arith.andi %and3A, %ge3A_79 : vector<8x4x512xi1>
    %le3A_81 = arith.constant 4.700000e+01 : f32
    %le3A_82 = vector.broadcast %le3A_81 : f32 to vector<8x4x512xf32>
    %le3A_83 = arith.cmpf ole, %add3A_66, %le3A_82 : vector<8x4x512xf32>
    %and3A_84 = arith.andi %and3A_80, %le3A_83 : vector<8x4x512xi1>
    %jit3A = arith.constant 0 : i32
    %jit3A_85 = arith.constant 47 : i32
    %convert_element_type3A = arith.sitofp %jit3A : i32 to f32
    %max3A = vector.broadcast %convert_element_type3A : f32 to vector<8x4x512xf32>
    %max3A_86 = arith.maximumf %max3A, %add3A_63 : vector<8x4x512xf32>
    %convert_element_type3A_87 = arith.sitofp %jit3A_85 : i32 to f32
    %min3A = vector.broadcast %convert_element_type3A_87 : f32 to vector<8x4x512xf32>
    %min3A_88 = arith.minimumf %min3A, %max3A_86 : vector<8x4x512xf32>
    %convert_element_type3A_89 = arith.fptosi %min3A_88 : vector<8x4x512xf32> to vector<8x4x512xi32>
    %jit3A_90 = arith.constant 0 : i32
    %jit3A_91 = arith.constant 47 : i32
    %convert_element_type3A_92 = arith.sitofp %jit3A_90 : i32 to f32
    %max3A_93 = vector.broadcast %convert_element_type3A_92 : f32 to vector<8x4x512xf32>
    %max3A_94 = arith.maximumf %max3A_93, %add3A_66 : vector<8x4x512xf32>
    %convert_element_type3A_95 = arith.sitofp %jit3A_91 : i32 to f32
    %min3A_96 = vector.broadcast %convert_element_type3A_95 : f32 to vector<8x4x512xf32>
    %min3A_97 = arith.minimumf %min3A_96, %max3A_94 : vector<8x4x512xf32>
    %convert_element_type3A_98 = arith.fptosi %min3A_97 : vector<8x4x512xf32> to vector<8x4x512xi32>
    %mul3A_99 = arith.constant 48 : i32
    %mul3A_100 = vector.broadcast %mul3A_99 : i32 to vector<8x4x512xi32>
    %mul3A_101 = arith.muli %convert_element_type3A_98, %mul3A_100 : vector<8x4x512xi32>
    %add3A_102 = arith.constant 0 : i32
    %add3A_103 = vector.broadcast %add3A_102 : i32 to vector<8x4x512xi32>
    %add3A_104 = arith.addi %add3A_103, %mul3A_101 : vector<8x4x512xi32>
    %add3A_105 = arith.addi %add3A_104, %convert_element_type3A_89 : vector<8x4x512xi32>
    %mul3A_106 = arith.constant 17 : i32
    %mul3A_107 = vector.broadcast %mul3A_106 : i32 to vector<8x4x512xi32>
    %mul3A_108 = arith.muli %add3A_105, %mul3A_107 : vector<8x4x512xi32>
    %mul3A_109 = arith.mulf %squeeze3A_60, %sub3A_69 : vector<8x4x512xf32>
    %mul3A_110 = arith.mulf %mul3A_109, %sub3A_72 : vector<8x4x512xf32>
    %convert_element_type3A_111 = arith.extui %and3A_84 : vector<8x4x512xi1> to vector<8x4x512xi32>
    %convert_element_type3A_112 = arith.sitofp %convert_element_type3A_111 : vector<8x4x512xi32> to vector<8x4x512xf32>
    %mul3A_113 = arith.mulf %mul3A_110, %convert_element_type3A_112 : vector<8x4x512xf32>
    %swap3A = arith.constant 0 : index
    %swap3A_114 = arith.constant 0 : index
    %swap3A_115 = arith.constant 0 : index
    %swap3A_116 = arith.constant 0 : index
    %swap3A_117 = vector.load %arg8[%swap3A, %swap3A_114, %swap3A_115, %swap3A_116] : memref<1x8x64x512xi32, #tpu.memory_space<vmem>>, vector<1x8x4x512xi32>
    %swap3A_118 = vector.shape_cast %swap3A_117 : vector<1x8x4x512xi32> to vector<8x4x512xi32>
    %swap3A_119 = vector.shape_cast %mul3A_108 : vector<8x4x512xi32> to vector<1x8x4x512xi32>
    tpu.vector_store %arg8[%swap3A, %swap3A_114, %swap3A_115, %swap3A_116], %swap3A_119 {strides = array<i32>} : memref<1x8x64x512xi32, #tpu.memory_space<vmem>>, vector<1x8x4x512xi32>,
    %swap3A_120 = arith.constant 0 : index
    %swap3A_121 = arith.constant 0 : index
    %swap3A_122 = arith.constant 0 : index
    %swap3A_123 = arith.constant 0 : index
    %swap3A_124 = vector.load %arg9[%swap3A_120, %swap3A_121, %swap3A_122, %swap3A_123] : memref<1x8x64x512xf32, #tpu.memory_space<vmem>>, vector<1x8x4x512xf32>
    %swap3A_125 = vector.shape_cast %swap3A_124 : vector<1x8x4x512xf32> to vector<8x4x512xf32>
    %swap3A_126 = vector.shape_cast %mul3A_113 : vector<8x4x512xf32> to vector<1x8x4x512xf32>
    tpu.vector_store %arg9[%swap3A_120, %swap3A_121, %swap3A_122, %swap3A_123], %swap3A_126 {strides = array<i32>} : memref<1x8x64x512xf32, #tpu.memory_space<vmem>>, vector<1x8x4x512xf32>,
    %add3A_127 = arith.constant 1.000000e+00 : f32
    %add3A_128 = vector.broadcast %add3A_127 : f32 to vector<8x4x512xf32>
    %add3A_129 = arith.addf %floor3A, %add3A_128 : vector<8x4x512xf32>
    %add3A_130 = arith.constant 0.000000e+00 : f32
    %add3A_131 = vector.broadcast %add3A_130 : f32 to vector<8x4x512xf32>
    %add3A_132 = arith.addf %floor3A_56, %add3A_131 : vector<8x4x512xf32>
    %sub3A_133 = arith.constant 1.000000e+00 : f32
    %sub3A_134 = vector.broadcast %sub3A_133 : f32 to vector<8x4x512xf32>
    %sub3A_135 = arith.subf %sub3A_134, %sub3A_58 : vector<8x4x512xf32>
    %ge3A_136 = arith.constant 0.000000e+00 : f32
    %ge3A_137 = vector.broadcast %ge3A_136 : f32 to vector<8x4x512xf32>
    %ge3A_138 = arith.cmpf oge, %add3A_129, %ge3A_137 : vector<8x4x512xf32>
    %le3A_139 = arith.constant 4.700000e+01 : f32
    %le3A_140 = vector.broadcast %le3A_139 : f32 to vector<8x4x512xf32>
    %le3A_141 = arith.cmpf ole, %add3A_129, %le3A_140 : vector<8x4x512xf32>
    %and3A_142 = arith.andi %ge3A_138, %le3A_141 : vector<8x4x512xi1>
    %ge3A_143 = arith.constant 0.000000e+00 : f32
    %ge3A_144 = vector.broadcast %ge3A_143 : f32 to vector<8x4x512xf32>
    %ge3A_145 = arith.cmpf oge, %add3A_132, %ge3A_144 : vector<8x4x512xf32>
    %and3A_146 = arith.andi %and3A_142, %ge3A_145 : vector<8x4x512xi1>
    %le3A_147 = arith.constant 4.700000e+01 : f32
    %le3A_148 = vector.broadcast %le3A_147 : f32 to vector<8x4x512xf32>
    %le3A_149 = arith.cmpf ole, %add3A_132, %le3A_148 : vector<8x4x512xf32>
    %and3A_150 = arith.andi %and3A_146, %le3A_149 : vector<8x4x512xi1>
    %jit3A_151 = arith.constant 0 : i32
    %jit3A_152 = arith.constant 47 : i32
    %convert_element_type3A_153 = arith.sitofp %jit3A_151 : i32 to f32
    %max3A_154 = vector.broadcast %convert_element_type3A_153 : f32 to vector<8x4x512xf32>
    %max3A_155 = arith.maximumf %max3A_154, %add3A_129 : vector<8x4x512xf32>
    %convert_element_type3A_156 = arith.sitofp %jit3A_152 : i32 to f32
    %min3A_157 = vector.broadcast %convert_element_type3A_156 : f32 to vector<8x4x512xf32>
    %min3A_158 = arith.minimumf %min3A_157, %max3A_155 : vector<8x4x512xf32>
    %convert_element_type3A_159 = arith.fptosi %min3A_158 : vector<8x4x512xf32> to vector<8x4x512xi32>
    %jit3A_160 = arith.constant 0 : i32
    %jit3A_161 = arith.constant 47 : i32
    %convert_element_type3A_162 = arith.sitofp %jit3A_160 : i32 to f32
    %max3A_163 = vector.broadcast %convert_element_type3A_162 : f32 to vector<8x4x512xf32>
    %max3A_164 = arith.maximumf %max3A_163, %add3A_132 : vector<8x4x512xf32>
    %convert_element_type3A_165 = arith.sitofp %jit3A_161 : i32 to f32
    %min3A_166 = vector.broadcast %convert_element_type3A_165 : f32 to vector<8x4x512xf32>
    %min3A_167 = arith.minimumf %min3A_166, %max3A_164 : vector<8x4x512xf32>
    %convert_element_type3A_168 = arith.fptosi %min3A_167 : vector<8x4x512xf32> to vector<8x4x512xi32>
    %mul3A_169 = arith.constant 48 : i32
    %mul3A_170 = vector.broadcast %mul3A_169 : i32 to vector<8x4x512xi32>
    %mul3A_171 = arith.muli %convert_element_type3A_168, %mul3A_170 : vector<8x4x512xi32>
    %add3A_172 = arith.constant 0 : i32
    %add3A_173 = vector.broadcast %add3A_172 : i32 to vector<8x4x512xi32>
    %add3A_174 = arith.addi %add3A_173, %mul3A_171 : vector<8x4x512xi32>
    %add3A_175 = arith.addi %add3A_174, %convert_element_type3A_159 : vector<8x4x512xi32>
    %mul3A_176 = arith.constant 17 : i32
    %mul3A_177 = vector.broadcast %mul3A_176 : i32 to vector<8x4x512xi32>
    %mul3A_178 = arith.muli %add3A_175, %mul3A_177 : vector<8x4x512xi32>
    %mul3A_179 = arith.mulf %squeeze3A_60, %sub3A_57 : vector<8x4x512xf32>
    %mul3A_180 = arith.mulf %mul3A_179, %sub3A_135 : vector<8x4x512xf32>
    %convert_element_type3A_181 = arith.extui %and3A_150 : vector<8x4x512xi1> to vector<8x4x512xi32>
    %convert_element_type3A_182 = arith.sitofp %convert_element_type3A_181 : vector<8x4x512xi32> to vector<8x4x512xf32>
    %mul3A_183 = arith.mulf %mul3A_180, %convert_element_type3A_182 : vector<8x4x512xf32>
    %swap3A_184 = arith.constant 0 : index
    %swap3A_185 = arith.constant 0 : index
    %swap3A_186 = arith.constant 4 : index
    %swap3A_187 = arith.constant 0 : index
    %swap3A_188 = vector.load %arg8[%swap3A_184, %swap3A_185, %swap3A_186, %swap3A_187] : memref<1x8x64x512xi32, #tpu.memory_space<vmem>>, vector<1x8x4x512xi32>
    %swap3A_189 = vector.shape_cast %swap3A_188 : vector<1x8x4x512xi32> to vector<8x4x512xi32>
    %swap3A_190 = vector.shape_cast %mul3A_178 : vector<8x4x512xi32> to vector<1x8x4x512xi32>
    tpu.vector_store %arg8[%swap3A_184, %swap3A_185, %swap3A_186, %swap3A_187], %swap3A_190 {strides = array<i32>} : memref<1x8x64x512xi32, #tpu.memory_space<vmem>>, vector<1x8x4x512xi32>,
    %swap3A_191 = arith.constant 0 : index
    %swap3A_192 = arith.constant 0 : index
    %swap3A_193 = arith.constant 4 : index
    %swap3A_194 = arith.constant 0 : index
    %swap3A_195 = vector.load %arg9[%swap3A_191, %swap3A_192, %swap3A_193, %swap3A_194] : memref<1x8x64x512xf32, #tpu.memory_space<vmem>>, vector<1x8x4x512xf32>
    %swap3A_196 = vector.shape_cast %swap3A_195 : vector<1x8x4x512xf32> to vector<8x4x512xf32>
    %swap3A_197 = vector.shape_cast %mul3A_183 : vector<8x4x512xf32> to vector<1x8x4x512xf32>
    tpu.vector_store %arg9[%swap3A_191, %swap3A_192, %swap3A_193, %swap3A_194], %swap3A_197 {strides = array<i32>} : memref<1x8x64x512xf32, #tpu.memory_space<vmem>>, vector<1x8x4x512xf32>,
    %add3A_198 = arith.constant 0.000000e+00 : f32
    %add3A_199 = vector.broadcast %add3A_198 : f32 to vector<8x4x512xf32>
    %add3A_200 = arith.addf %floor3A, %add3A_199 : vector<8x4x512xf32>
    %add3A_201 = arith.constant 1.000000e+00 : f32
    %add3A_202 = vector.broadcast %add3A_201 : f32 to vector<8x4x512xf32>
    %add3A_203 = arith.addf %floor3A_56, %add3A_202 : vector<8x4x512xf32>
    %sub3A_204 = arith.constant 1.000000e+00 : f32
    %sub3A_205 = vector.broadcast %sub3A_204 : f32 to vector<8x4x512xf32>
    %sub3A_206 = arith.subf %sub3A_205, %sub3A_57 : vector<8x4x512xf32>
    %ge3A_207 = arith.constant 0.000000e+00 : f32
    %ge3A_208 = vector.broadcast %ge3A_207 : f32 to vector<8x4x512xf32>
    %ge3A_209 = arith.cmpf oge, %add3A_200, %ge3A_208 : vector<8x4x512xf32>
    %le3A_210 = arith.constant 4.700000e+01 : f32
    %le3A_211 = vector.broadcast %le3A_210 : f32 to vector<8x4x512xf32>
    %le3A_212 = arith.cmpf ole, %add3A_200, %le3A_211 : vector<8x4x512xf32>
    %and3A_213 = arith.andi %ge3A_209, %le3A_212 : vector<8x4x512xi1>
    %ge3A_214 = arith.constant 0.000000e+00 : f32
    %ge3A_215 = vector.broadcast %ge3A_214 : f32 to vector<8x4x512xf32>
    %ge3A_216 = arith.cmpf oge, %add3A_203, %ge3A_215 : vector<8x4x512xf32>
    %and3A_217 = arith.andi %and3A_213, %ge3A_216 : vector<8x4x512xi1>
    %le3A_218 = arith.constant 4.700000e+01 : f32
    %le3A_219 = vector.broadcast %le3A_218 : f32 to vector<8x4x512xf32>
    %le3A_220 = arith.cmpf ole, %add3A_203, %le3A_219 : vector<8x4x512xf32>
    %and3A_221 = arith.andi %and3A_217, %le3A_220 : vector<8x4x512xi1>
    %jit3A_222 = arith.constant 0 : i32
    %jit3A_223 = arith.constant 47 : i32
    %convert_element_type3A_224 = arith.sitofp %jit3A_222 : i32 to f32
    %max3A_225 = vector.broadcast %convert_element_type3A_224 : f32 to vector<8x4x512xf32>
    %max3A_226 = arith.maximumf %max3A_225, %add3A_200 : vector<8x4x512xf32>
    %convert_element_type3A_227 = arith.sitofp %jit3A_223 : i32 to f32
    %min3A_228 = vector.broadcast %convert_element_type3A_227 : f32 to vector<8x4x512xf32>
    %min3A_229 = arith.minimumf %min3A_228, %max3A_226 : vector<8x4x512xf32>
    %convert_element_type3A_230 = arith.fptosi %min3A_229 : vector<8x4x512xf32> to vector<8x4x512xi32>
    %jit3A_231 = arith.constant 0 : i32
    %jit3A_232 = arith.constant 47 : i32
    %convert_element_type3A_233 = arith.sitofp %jit3A_231 : i32 to f32
    %max3A_234 = vector.broadcast %convert_element_type3A_233 : f32 to vector<8x4x512xf32>
    %max3A_235 = arith.maximumf %max3A_234, %add3A_203 : vector<8x4x512xf32>
    %convert_element_type3A_236 = arith.sitofp %jit3A_232 : i32 to f32
    %min3A_237 = vector.broadcast %convert_element_type3A_236 : f32 to vector<8x4x512xf32>
    %min3A_238 = arith.minimumf %min3A_237, %max3A_235 : vector<8x4x512xf32>
    %convert_element_type3A_239 = arith.fptosi %min3A_238 : vector<8x4x512xf32> to vector<8x4x512xi32>
    %mul3A_240 = arith.constant 48 : i32
    %mul3A_241 = vector.broadcast %mul3A_240 : i32 to vector<8x4x512xi32>
    %mul3A_242 = arith.muli %convert_element_type3A_239, %mul3A_241 : vector<8x4x512xi32>
    %add3A_243 = arith.constant 0 : i32
    %add3A_244 = vector.broadcast %add3A_243 : i32 to vector<8x4x512xi32>
    %add3A_245 = arith.addi %add3A_244, %mul3A_242 : vector<8x4x512xi32>
    %add3A_246 = arith.addi %add3A_245, %convert_element_type3A_230 : vector<8x4x512xi32>
    %mul3A_247 = arith.constant 17 : i32
    %mul3A_248 = vector.broadcast %mul3A_247 : i32 to vector<8x4x512xi32>
    %mul3A_249 = arith.muli %add3A_246, %mul3A_248 : vector<8x4x512xi32>
    %mul3A_250 = arith.mulf %squeeze3A_60, %sub3A_206 : vector<8x4x512xf32>
    %mul3A_251 = arith.mulf %mul3A_250, %sub3A_58 : vector<8x4x512xf32>
    %convert_element_type3A_252 = arith.extui %and3A_221 : vector<8x4x512xi1> to vector<8x4x512xi32>
    %convert_element_type3A_253 = arith.sitofp %convert_element_type3A_252 : vector<8x4x512xi32> to vector<8x4x512xf32>
    %mul3A_254 = arith.mulf %mul3A_251, %convert_element_type3A_253 : vector<8x4x512xf32>
    %swap3A_255 = arith.constant 0 : index
    %swap3A_256 = arith.constant 0 : index
    %swap3A_257 = arith.constant 8 : index
    %swap3A_258 = arith.constant 0 : index
    %swap3A_259 = vector.load %arg8[%swap3A_255, %swap3A_256, %swap3A_257, %swap3A_258] : memref<1x8x64x512xi32, #tpu.memory_space<vmem>>, vector<1x8x4x512xi32>
    %swap3A_260 = vector.shape_cast %swap3A_259 : vector<1x8x4x512xi32> to vector<8x4x512xi32>
    %swap3A_261 = vector.shape_cast %mul3A_249 : vector<8x4x512xi32> to vector<1x8x4x512xi32>
    tpu.vector_store %arg8[%swap3A_255, %swap3A_256, %swap3A_257, %swap3A_258], %swap3A_261 {strides = array<i32>} : memref<1x8x64x512xi32, #tpu.memory_space<vmem>>, vector<1x8x4x512xi32>,
    %swap3A_262 = arith.constant 0 : index
    %swap3A_263 = arith.constant 0 : index
    %swap3A_264 = arith.constant 8 : index
    %swap3A_265 = arith.constant 0 : index
    %swap3A_266 = vector.load %arg9[%swap3A_262, %swap3A_263, %swap3A_264, %swap3A_265] : memref<1x8x64x512xf32, #tpu.memory_space<vmem>>, vector<1x8x4x512xf32>
    %swap3A_267 = vector.shape_cast %swap3A_266 : vector<1x8x4x512xf32> to vector<8x4x512xf32>
    %swap3A_268 = vector.shape_cast %mul3A_254 : vector<8x4x512xf32> to vector<1x8x4x512xf32>
    tpu.vector_store %arg9[%swap3A_262, %swap3A_263, %swap3A_264, %swap3A_265], %swap3A_268 {strides = array<i32>} : memref<1x8x64x512xf32, #tpu.memory_space<vmem>>, vector<1x8x4x512xf32>,
    %add3A_269 = arith.constant 1.000000e+00 : f32
    %add3A_270 = vector.broadcast %add3A_269 : f32 to vector<8x4x512xf32>
    %add3A_271 = arith.addf %floor3A, %add3A_270 : vector<8x4x512xf32>
    %add3A_272 = arith.constant 1.000000e+00 : f32
    %add3A_273 = vector.broadcast %add3A_272 : f32 to vector<8x4x512xf32>
    %add3A_274 = arith.addf %floor3A_56, %add3A_273 : vector<8x4x512xf32>
    %ge3A_275 = arith.constant 0.000000e+00 : f32
    %ge3A_276 = vector.broadcast %ge3A_275 : f32 to vector<8x4x512xf32>
    %ge3A_277 = arith.cmpf oge, %add3A_271, %ge3A_276 : vector<8x4x512xf32>
    %le3A_278 = arith.constant 4.700000e+01 : f32
    %le3A_279 = vector.broadcast %le3A_278 : f32 to vector<8x4x512xf32>
    %le3A_280 = arith.cmpf ole, %add3A_271, %le3A_279 : vector<8x4x512xf32>
    %and3A_281 = arith.andi %ge3A_277, %le3A_280 : vector<8x4x512xi1>
    %ge3A_282 = arith.constant 0.000000e+00 : f32
    %ge3A_283 = vector.broadcast %ge3A_282 : f32 to vector<8x4x512xf32>
    %ge3A_284 = arith.cmpf oge, %add3A_274, %ge3A_283 : vector<8x4x512xf32>
    %and3A_285 = arith.andi %and3A_281, %ge3A_284 : vector<8x4x512xi1>
    %le3A_286 = arith.constant 4.700000e+01 : f32
    %le3A_287 = vector.broadcast %le3A_286 : f32 to vector<8x4x512xf32>
    %le3A_288 = arith.cmpf ole, %add3A_274, %le3A_287 : vector<8x4x512xf32>
    %and3A_289 = arith.andi %and3A_285, %le3A_288 : vector<8x4x512xi1>
    %jit3A_290 = arith.constant 0 : i32
    %jit3A_291 = arith.constant 47 : i32
    %convert_element_type3A_292 = arith.sitofp %jit3A_290 : i32 to f32
    %max3A_293 = vector.broadcast %convert_element_type3A_292 : f32 to vector<8x4x512xf32>
    %max3A_294 = arith.maximumf %max3A_293, %add3A_271 : vector<8x4x512xf32>
    %convert_element_type3A_295 = arith.sitofp %jit3A_291 : i32 to f32
    %min3A_296 = vector.broadcast %convert_element_type3A_295 : f32 to vector<8x4x512xf32>
    %min3A_297 = arith.minimumf %min3A_296, %max3A_294 : vector<8x4x512xf32>
    %convert_element_type3A_298 = arith.fptosi %min3A_297 : vector<8x4x512xf32> to vector<8x4x512xi32>
    %jit3A_299 = arith.constant 0 : i32
    %jit3A_300 = arith.constant 47 : i32
    %convert_element_type3A_301 = arith.sitofp %jit3A_299 : i32 to f32
    %max3A_302 = vector.broadcast %convert_element_type3A_301 : f32 to vector<8x4x512xf32>
    %max3A_303 = arith.maximumf %max3A_302, %add3A_274 : vector<8x4x512xf32>
    %convert_element_type3A_304 = arith.sitofp %jit3A_300 : i32 to f32
    %min3A_305 = vector.broadcast %convert_element_type3A_304 : f32 to vector<8x4x512xf32>
    %min3A_306 = arith.minimumf %min3A_305, %max3A_303 : vector<8x4x512xf32>
    %convert_element_type3A_307 = arith.fptosi %min3A_306 : vector<8x4x512xf32> to vector<8x4x512xi32>
    %mul3A_308 = arith.constant 48 : i32
    %mul3A_309 = vector.broadcast %mul3A_308 : i32 to vector<8x4x512xi32>
    %mul3A_310 = arith.muli %convert_element_type3A_307, %mul3A_309 : vector<8x4x512xi32>
    %add3A_311 = arith.constant 0 : i32
    %add3A_312 = vector.broadcast %add3A_311 : i32 to vector<8x4x512xi32>
    %add3A_313 = arith.addi %add3A_312, %mul3A_310 : vector<8x4x512xi32>
    %add3A_314 = arith.addi %add3A_313, %convert_element_type3A_298 : vector<8x4x512xi32>
    %mul3A_315 = arith.constant 17 : i32
    %mul3A_316 = vector.broadcast %mul3A_315 : i32 to vector<8x4x512xi32>
    %mul3A_317 = arith.muli %add3A_314, %mul3A_316 : vector<8x4x512xi32>
    %mul3A_318 = arith.mulf %squeeze3A_60, %sub3A_57 : vector<8x4x512xf32>
    %mul3A_319 = arith.mulf %mul3A_318, %sub3A_58 : vector<8x4x512xf32>
    %convert_element_type3A_320 = arith.extui %and3A_289 : vector<8x4x512xi1> to vector<8x4x512xi32>
    %convert_element_type3A_321 = arith.sitofp %convert_element_type3A_320 : vector<8x4x512xi32> to vector<8x4x512xf32>
    %mul3A_322 = arith.mulf %mul3A_319, %convert_element_type3A_321 : vector<8x4x512xf32>
    %swap3A_323 = arith.constant 0 : index
    %swap3A_324 = arith.constant 0 : index
    %swap3A_325 = arith.constant 12 : index
    %swap3A_326 = arith.constant 0 : index
    %swap3A_327 = vector.load %arg8[%swap3A_323, %swap3A_324, %swap3A_325, %swap3A_326] : memref<1x8x64x512xi32, #tpu.memory_space<vmem>>, vector<1x8x4x512xi32>
    %swap3A_328 = vector.shape_cast %swap3A_327 : vector<1x8x4x512xi32> to vector<8x4x512xi32>
    %swap3A_329 = vector.shape_cast %mul3A_317 : vector<8x4x512xi32> to vector<1x8x4x512xi32>
    tpu.vector_store %arg8[%swap3A_323, %swap3A_324, %swap3A_325, %swap3A_326], %swap3A_329 {strides = array<i32>} : memref<1x8x64x512xi32, #tpu.memory_space<vmem>>, vector<1x8x4x512xi32>,
    %swap3A_330 = arith.constant 0 : index
    %swap3A_331 = arith.constant 0 : index
    %swap3A_332 = arith.constant 12 : index
    %swap3A_333 = arith.constant 0 : index
    %swap3A_334 = vector.load %arg9[%swap3A_330, %swap3A_331, %swap3A_332, %swap3A_333] : memref<1x8x64x512xf32, #tpu.memory_space<vmem>>, vector<1x8x4x512xf32>
    %swap3A_335 = vector.shape_cast %swap3A_334 : vector<1x8x4x512xf32> to vector<8x4x512xf32>
    %swap3A_336 = vector.shape_cast %mul3A_322 : vector<8x4x512xf32> to vector<1x8x4x512xf32>
    tpu.vector_store %arg9[%swap3A_330, %swap3A_331, %swap3A_332, %swap3A_333], %swap3A_336 {strides = array<i32>} : memref<1x8x64x512xf32, #tpu.memory_space<vmem>>, vector<1x8x4x512xf32>,
    %slice3A_337 = vector.extract_strided_slice %get3A_34 {offsets = [1, 0, 0], sizes = [1, 1, 512], strides = [1, 1, 1]} : vector<4x4x512xf32> to vector<1x1x512xf32>
    %squeeze3A_338 = vector.shape_cast %slice3A_337 : vector<1x1x512xf32> to vector<512xf32>
    %broadcast_in_dim3A_339 = vector.shape_cast %squeeze3A_338 : vector<512xf32> to vector<1x1x512xf32>
    %slice3A_340 = vector.extract_strided_slice %get3A_34 {offsets = [1, 1, 0], sizes = [1, 1, 512], strides = [1, 1, 1]} : vector<4x4x512xf32> to vector<1x1x512xf32>
    %squeeze3A_341 = vector.shape_cast %slice3A_340 : vector<1x1x512xf32> to vector<512xf32>
    %broadcast_in_dim3A_342 = vector.shape_cast %squeeze3A_341 : vector<512xf32> to vector<1x1x512xf32>
    %slice3A_343 = vector.extract_strided_slice %get3A_34 {offsets = [1, 2, 0], sizes = [1, 1, 512], strides = [1, 1, 1]} : vector<4x4x512xf32> to vector<1x1x512xf32>
    %squeeze3A_344 = vector.shape_cast %slice3A_343 : vector<1x1x512xf32> to vector<512xf32>
    %broadcast_in_dim3A_345 = vector.shape_cast %squeeze3A_344 : vector<512xf32> to vector<1x1x512xf32>
    %slice3A_346 = vector.extract_strided_slice %get3A_34 {offsets = [1, 3, 0], sizes = [1, 1, 512], strides = [1, 1, 1]} : vector<4x4x512xf32> to vector<1x1x512xf32>
    %squeeze3A_347 = vector.shape_cast %slice3A_346 : vector<1x1x512xf32> to vector<512xf32>
    %broadcast_in_dim3A_348 = vector.shape_cast %squeeze3A_347 : vector<512xf32> to vector<1x1x512xf32>
    %slice3A_349 = vector.extract_strided_slice %reshape3A_28 {offsets = [0, 1, 0, 0, 0], sizes = [8, 1, 4, 1, 512], strides = [1, 1, 1, 1, 1]} : vector<8x4x4x2x512xf32> to vector<8x1x4x1x512xf32>
    %squeeze3A_350 = vector.shape_cast %slice3A_349 : vector<8x1x4x1x512xf32> to vector<8x4x512xf32>
    %mul3A_351 = vector.broadcast %broadcast_in_dim3A_339 : vector<1x1x512xf32> to vector<8x4x512xf32>
    %mul3A_352 = arith.mulf %squeeze3A_350, %mul3A_351 : vector<8x4x512xf32>
    %add3A_353 = vector.broadcast %broadcast_in_dim3A_342 : vector<1x1x512xf32> to vector<8x4x512xf32>
    %add3A_354 = arith.addf %mul3A_352, %add3A_353 : vector<8x4x512xf32>
    %slice3A_355 = vector.extract_strided_slice %reshape3A_28 {offsets = [0, 1, 0, 1, 0], sizes = [8, 1, 4, 1, 512], strides = [1, 1, 1, 1, 1]} : vector<8x4x4x2x512xf32> to vector<8x1x4x1x512xf32>
    %squeeze3A_356 = vector.shape_cast %slice3A_355 : vector<8x1x4x1x512xf32> to vector<8x4x512xf32>
    %mul3A_357 = vector.broadcast %broadcast_in_dim3A_345 : vector<1x1x512xf32> to vector<8x4x512xf32>
    %mul3A_358 = arith.mulf %squeeze3A_356, %mul3A_357 : vector<8x4x512xf32>
    %add3A_359 = vector.broadcast %broadcast_in_dim3A_348 : vector<1x1x512xf32> to vector<8x4x512xf32>
    %add3A_360 = arith.addf %mul3A_358, %add3A_359 : vector<8x4x512xf32>
    %floor3A_361 = math.floor %add3A_354 : vector<8x4x512xf32>
    %floor3A_362 = math.floor %add3A_360 : vector<8x4x512xf32>
    %sub3A_363 = arith.subf %add3A_354, %floor3A_361 : vector<8x4x512xf32>
    %sub3A_364 = arith.subf %add3A_360, %floor3A_362 : vector<8x4x512xf32>
    %slice3A_365 = vector.extract_strided_slice %reshape3A_27 {offsets = [0, 1, 0, 0], sizes = [8, 1, 4, 512], strides = [1, 1, 1, 1]} : vector<8x4x4x512xf32> to vector<8x1x4x512xf32>
    %squeeze3A_366 = vector.shape_cast %slice3A_365 : vector<8x1x4x512xf32> to vector<8x4x512xf32>
    %add3A_367 = arith.constant 0.000000e+00 : f32
    %add3A_368 = vector.broadcast %add3A_367 : f32 to vector<8x4x512xf32>
    %add3A_369 = arith.addf %floor3A_361, %add3A_368 : vector<8x4x512xf32>
    %add3A_370 = arith.constant 0.000000e+00 : f32
    %add3A_371 = vector.broadcast %add3A_370 : f32 to vector<8x4x512xf32>
    %add3A_372 = arith.addf %floor3A_362, %add3A_371 : vector<8x4x512xf32>
    %sub3A_373 = arith.constant 1.000000e+00 : f32
    %sub3A_374 = vector.broadcast %sub3A_373 : f32 to vector<8x4x512xf32>
    %sub3A_375 = arith.subf %sub3A_374, %sub3A_363 : vector<8x4x512xf32>
    %sub3A_376 = arith.constant 1.000000e+00 : f32
    %sub3A_377 = vector.broadcast %sub3A_376 : f32 to vector<8x4x512xf32>
    %sub3A_378 = arith.subf %sub3A_377, %sub3A_364 : vector<8x4x512xf32>
    %ge3A_379 = arith.constant 0.000000e+00 : f32
    %ge3A_380 = vector.broadcast %ge3A_379 : f32 to vector<8x4x512xf32>
    %ge3A_381 = arith.cmpf oge, %add3A_369, %ge3A_380 : vector<8x4x512xf32>
    %le3A_382 = arith.constant 2.300000e+01 : f32
    %le3A_383 = vector.broadcast %le3A_382 : f32 to vector<8x4x512xf32>
    %le3A_384 = arith.cmpf ole, %add3A_369, %le3A_383 : vector<8x4x512xf32>
    %and3A_385 = arith.andi %ge3A_381, %le3A_384 : vector<8x4x512xi1>
    %ge3A_386 = arith.constant 0.000000e+00 : f32
    %ge3A_387 = vector.broadcast %ge3A_386 : f32 to vector<8x4x512xf32>
    %ge3A_388 = arith.cmpf oge, %add3A_372, %ge3A_387 : vector<8x4x512xf32>
    %and3A_389 = arith.andi %and3A_385, %ge3A_388 : vector<8x4x512xi1>
    %le3A_390 = arith.constant 2.300000e+01 : f32
    %le3A_391 = vector.broadcast %le3A_390 : f32 to vector<8x4x512xf32>
    %le3A_392 = arith.cmpf ole, %add3A_372, %le3A_391 : vector<8x4x512xf32>
    %and3A_393 = arith.andi %and3A_389, %le3A_392 : vector<8x4x512xi1>
    %jit3A_394 = arith.constant 0 : i32
    %jit3A_395 = arith.constant 23 : i32
    %convert_element_type3A_396 = arith.sitofp %jit3A_394 : i32 to f32
    %max3A_397 = vector.broadcast %convert_element_type3A_396 : f32 to vector<8x4x512xf32>
    %max3A_398 = arith.maximumf %max3A_397, %add3A_369 : vector<8x4x512xf32>
    %convert_element_type3A_399 = arith.sitofp %jit3A_395 : i32 to f32
    %min3A_400 = vector.broadcast %convert_element_type3A_399 : f32 to vector<8x4x512xf32>
    %min3A_401 = arith.minimumf %min3A_400, %max3A_398 : vector<8x4x512xf32>
    %convert_element_type3A_402 = arith.fptosi %min3A_401 : vector<8x4x512xf32> to vector<8x4x512xi32>
    %jit3A_403 = arith.constant 0 : i32
    %jit3A_404 = arith.constant 23 : i32
    %convert_element_type3A_405 = arith.sitofp %jit3A_403 : i32 to f32
    %max3A_406 = vector.broadcast %convert_element_type3A_405 : f32 to vector<8x4x512xf32>
    %max3A_407 = arith.maximumf %max3A_406, %add3A_372 : vector<8x4x512xf32>
    %convert_element_type3A_408 = arith.sitofp %jit3A_404 : i32 to f32
    %min3A_409 = vector.broadcast %convert_element_type3A_408 : f32 to vector<8x4x512xf32>
    %min3A_410 = arith.minimumf %min3A_409, %max3A_407 : vector<8x4x512xf32>
    %convert_element_type3A_411 = arith.fptosi %min3A_410 : vector<8x4x512xf32> to vector<8x4x512xi32>
    %mul3A_412 = arith.constant 24 : i32
    %mul3A_413 = vector.broadcast %mul3A_412 : i32 to vector<8x4x512xi32>
    %mul3A_414 = arith.muli %convert_element_type3A_411, %mul3A_413 : vector<8x4x512xi32>
    %add3A_415 = arith.constant 2304 : i32
    %add3A_416 = vector.broadcast %add3A_415 : i32 to vector<8x4x512xi32>
    %add3A_417 = arith.addi %add3A_416, %mul3A_414 : vector<8x4x512xi32>
    %add3A_418 = arith.addi %add3A_417, %convert_element_type3A_402 : vector<8x4x512xi32>
    %mul3A_419 = arith.constant 17 : i32
    %mul3A_420 = vector.broadcast %mul3A_419 : i32 to vector<8x4x512xi32>
    %mul3A_421 = arith.muli %add3A_418, %mul3A_420 : vector<8x4x512xi32>
    %mul3A_422 = arith.mulf %squeeze3A_366, %sub3A_375 : vector<8x4x512xf32>
    %mul3A_423 = arith.mulf %mul3A_422, %sub3A_378 : vector<8x4x512xf32>
    %convert_element_type3A_424 = arith.extui %and3A_393 : vector<8x4x512xi1> to vector<8x4x512xi32>
    %convert_element_type3A_425 = arith.sitofp %convert_element_type3A_424 : vector<8x4x512xi32> to vector<8x4x512xf32>
    %mul3A_426 = arith.mulf %mul3A_423, %convert_element_type3A_425 : vector<8x4x512xf32>
    %swap3A_427 = arith.constant 0 : index
    %swap3A_428 = arith.constant 0 : index
    %swap3A_429 = arith.constant 16 : index
    %swap3A_430 = arith.constant 0 : index
    %swap3A_431 = vector.load %arg8[%swap3A_427, %swap3A_428, %swap3A_429, %swap3A_430] : memref<1x8x64x512xi32, #tpu.memory_space<vmem>>, vector<1x8x4x512xi32>
    %swap3A_432 = vector.shape_cast %swap3A_431 : vector<1x8x4x512xi32> to vector<8x4x512xi32>
    %swap3A_433 = vector.shape_cast %mul3A_421 : vector<8x4x512xi32> to vector<1x8x4x512xi32>
    tpu.vector_store %arg8[%swap3A_427, %swap3A_428, %swap3A_429, %swap3A_430], %swap3A_433 {strides = array<i32>} : memref<1x8x64x512xi32, #tpu.memory_space<vmem>>, vector<1x8x4x512xi32>,
    %swap3A_434 = arith.constant 0 : index
    %swap3A_435 = arith.constant 0 : index
    %swap3A_436 = arith.constant 16 : index
    %swap3A_437 = arith.constant 0 : index
    %swap3A_438 = vector.load %arg9[%swap3A_434, %swap3A_435, %swap3A_436, %swap3A_437] : memref<1x8x64x512xf32, #tpu.memory_space<vmem>>, vector<1x8x4x512xf32>
    %swap3A_439 = vector.shape_cast %swap3A_438 : vector<1x8x4x512xf32> to vector<8x4x512xf32>
    %swap3A_440 = vector.shape_cast %mul3A_426 : vector<8x4x512xf32> to vector<1x8x4x512xf32>
    tpu.vector_store %arg9[%swap3A_434, %swap3A_435, %swap3A_436, %swap3A_437], %swap3A_440 {strides = array<i32>} : memref<1x8x64x512xf32, #tpu.memory_space<vmem>>, vector<1x8x4x512xf32>,
    %add3A_441 = arith.constant 1.000000e+00 : f32
    %add3A_442 = vector.broadcast %add3A_441 : f32 to vector<8x4x512xf32>
    %add3A_443 = arith.addf %floor3A_361, %add3A_442 : vector<8x4x512xf32>
    %add3A_444 = arith.constant 0.000000e+00 : f32
    %add3A_445 = vector.broadcast %add3A_444 : f32 to vector<8x4x512xf32>
    %add3A_446 = arith.addf %floor3A_362, %add3A_445 : vector<8x4x512xf32>
    %sub3A_447 = arith.constant 1.000000e+00 : f32
    %sub3A_448 = vector.broadcast %sub3A_447 : f32 to vector<8x4x512xf32>
    %sub3A_449 = arith.subf %sub3A_448, %sub3A_364 : vector<8x4x512xf32>
    %ge3A_450 = arith.constant 0.000000e+00 : f32
    %ge3A_451 = vector.broadcast %ge3A_450 : f32 to vector<8x4x512xf32>
    %ge3A_452 = arith.cmpf oge, %add3A_443, %ge3A_451 : vector<8x4x512xf32>
    %le3A_453 = arith.constant 2.300000e+01 : f32
    %le3A_454 = vector.broadcast %le3A_453 : f32 to vector<8x4x512xf32>
    %le3A_455 = arith.cmpf ole, %add3A_443, %le3A_454 : vector<8x4x512xf32>
    %and3A_456 = arith.andi %ge3A_452, %le3A_455 : vector<8x4x512xi1>
    %ge3A_457 = arith.constant 0.000000e+00 : f32
    %ge3A_458 = vector.broadcast %ge3A_457 : f32 to vector<8x4x512xf32>
    %ge3A_459 = arith.cmpf oge, %add3A_446, %ge3A_458 : vector<8x4x512xf32>
    %and3A_460 = arith.andi %and3A_456, %ge3A_459 : vector<8x4x512xi1>
    %le3A_461 = arith.constant 2.300000e+01 : f32
    %le3A_462 = vector.broadcast %le3A_461 : f32 to vector<8x4x512xf32>
    %le3A_463 = arith.cmpf ole, %add3A_446, %le3A_462 : vector<8x4x512xf32>
    %and3A_464 = arith.andi %and3A_460, %le3A_463 : vector<8x4x512xi1>
    %jit3A_465 = arith.constant 0 : i32
    %jit3A_466 = arith.constant 23 : i32
    %convert_element_type3A_467 = arith.sitofp %jit3A_465 : i32 to f32
    %max3A_468 = vector.broadcast %convert_element_type3A_467 : f32 to vector<8x4x512xf32>
    %max3A_469 = arith.maximumf %max3A_468, %add3A_443 : vector<8x4x512xf32>
    %convert_element_type3A_470 = arith.sitofp %jit3A_466 : i32 to f32
    %min3A_471 = vector.broadcast %convert_element_type3A_470 : f32 to vector<8x4x512xf32>
    %min3A_472 = arith.minimumf %min3A_471, %max3A_469 : vector<8x4x512xf32>
    %convert_element_type3A_473 = arith.fptosi %min3A_472 : vector<8x4x512xf32> to vector<8x4x512xi32>
    %jit3A_474 = arith.constant 0 : i32
    %jit3A_475 = arith.constant 23 : i32
    %convert_element_type3A_476 = arith.sitofp %jit3A_474 : i32 to f32
    %max3A_477 = vector.broadcast %convert_element_type3A_476 : f32 to vector<8x4x512xf32>
    %max3A_478 = arith.maximumf %max3A_477, %add3A_446 : vector<8x4x512xf32>
    %convert_element_type3A_479 = arith.sitofp %jit3A_475 : i32 to f32
    %min3A_480 = vector.broadcast %convert_element_type3A_479 : f32 to vector<8x4x512xf32>
    %min3A_481 = arith.minimumf %min3A_480, %max3A_478 : vector<8x4x512xf32>
    %convert_element_type3A_482 = arith.fptosi %min3A_481 : vector<8x4x512xf32> to vector<8x4x512xi32>
    %mul3A_483 = arith.constant 24 : i32
    %mul3A_484 = vector.broadcast %mul3A_483 : i32 to vector<8x4x512xi32>
    %mul3A_485 = arith.muli %convert_element_type3A_482, %mul3A_484 : vector<8x4x512xi32>
    %add3A_486 = arith.constant 2304 : i32
    %add3A_487 = vector.broadcast %add3A_486 : i32 to vector<8x4x512xi32>
    %add3A_488 = arith.addi %add3A_487, %mul3A_485 : vector<8x4x512xi32>
    %add3A_489 = arith.addi %add3A_488, %convert_element_type3A_473 : vector<8x4x512xi32>
    %mul3A_490 = arith.constant 17 : i32
    %mul3A_491 = vector.broadcast %mul3A_490 : i32 to vector<8x4x512xi32>
    %mul3A_492 = arith.muli %add3A_489, %mul3A_491 : vector<8x4x512xi32>
    %mul3A_493 = arith.mulf %squeeze3A_366, %sub3A_363 : vector<8x4x512xf32>
    %mul3A_494 = arith.mulf %mul3A_493, %sub3A_449 : vector<8x4x512xf32>
    %convert_element_type3A_495 = arith.extui %and3A_464 : vector<8x4x512xi1> to vector<8x4x512xi32>
    %convert_element_type3A_496 = arith.sitofp %convert_element_type3A_495 : vector<8x4x512xi32> to vector<8x4x512xf32>
    %mul3A_497 = arith.mulf %mul3A_494, %convert_element_type3A_496 : vector<8x4x512xf32>
    %swap3A_498 = arith.constant 0 : index
    %swap3A_499 = arith.constant 0 : index
    %swap3A_500 = arith.constant 20 : index
    %swap3A_501 = arith.constant 0 : index
    %swap3A_502 = vector.load %arg8[%swap3A_498, %swap3A_499, %swap3A_500, %swap3A_501] : memref<1x8x64x512xi32, #tpu.memory_space<vmem>>, vector<1x8x4x512xi32>
    %swap3A_503 = vector.shape_cast %swap3A_502 : vector<1x8x4x512xi32> to vector<8x4x512xi32>
    %swap3A_504 = vector.shape_cast %mul3A_492 : vector<8x4x512xi32> to vector<1x8x4x512xi32>
    tpu.vector_store %arg8[%swap3A_498, %swap3A_499, %swap3A_500, %swap3A_501], %swap3A_504 {strides = array<i32>} : memref<1x8x64x512xi32, #tpu.memory_space<vmem>>, vector<1x8x4x512xi32>,
    %swap3A_505 = arith.constant 0 : index
    %swap3A_506 = arith.constant 0 : index
    %swap3A_507 = arith.constant 20 : index
    %swap3A_508 = arith.constant 0 : index
    %swap3A_509 = vector.load %arg9[%swap3A_505, %swap3A_506, %swap3A_507, %swap3A_508] : memref<1x8x64x512xf32, #tpu.memory_space<vmem>>, vector<1x8x4x512xf32>
    %swap3A_510 = vector.shape_cast %swap3A_509 : vector<1x8x4x512xf32> to vector<8x4x512xf32>
    %swap3A_511 = vector.shape_cast %mul3A_497 : vector<8x4x512xf32> to vector<1x8x4x512xf32>
    tpu.vector_store %arg9[%swap3A_505, %swap3A_506, %swap3A_507, %swap3A_508], %swap3A_511 {strides = array<i32>} : memref<1x8x64x512xf32, #tpu.memory_space<vmem>>, vector<1x8x4x512xf32>,
    %add3A_512 = arith.constant 0.000000e+00 : f32
    %add3A_513 = vector.broadcast %add3A_512 : f32 to vector<8x4x512xf32>
    %add3A_514 = arith.addf %floor3A_361, %add3A_513 : vector<8x4x512xf32>
    %add3A_515 = arith.constant 1.000000e+00 : f32
    %add3A_516 = vector.broadcast %add3A_515 : f32 to vector<8x4x512xf32>
    %add3A_517 = arith.addf %floor3A_362, %add3A_516 : vector<8x4x512xf32>
    %sub3A_518 = arith.constant 1.000000e+00 : f32
    %sub3A_519 = vector.broadcast %sub3A_518 : f32 to vector<8x4x512xf32>
    %sub3A_520 = arith.subf %sub3A_519, %sub3A_363 : vector<8x4x512xf32>
    %ge3A_521 = arith.constant 0.000000e+00 : f32
    %ge3A_522 = vector.broadcast %ge3A_521 : f32 to vector<8x4x512xf32>
    %ge3A_523 = arith.cmpf oge, %add3A_514, %ge3A_522 : vector<8x4x512xf32>
    %le3A_524 = arith.constant 2.300000e+01 : f32
    %le3A_525 = vector.broadcast %le3A_524 : f32 to vector<8x4x512xf32>
    %le3A_526 = arith.cmpf ole, %add3A_514, %le3A_525 : vector<8x4x512xf32>
    %and3A_527 = arith.andi %ge3A_523, %le3A_526 : vector<8x4x512xi1>
    %ge3A_528 = arith.constant 0.000000e+00 : f32
    %ge3A_529 = vector.broadcast %ge3A_528 : f32 to vector<8x4x512xf32>
    %ge3A_530 = arith.cmpf oge, %add3A_517, %ge3A_529 : vector<8x4x512xf32>
    %and3A_531 = arith.andi %and3A_527, %ge3A_530 : vector<8x4x512xi1>
    %le3A_532 = arith.constant 2.300000e+01 : f32
    %le3A_533 = vector.broadcast %le3A_532 : f32 to vector<8x4x512xf32>
    %le3A_534 = arith.cmpf ole, %add3A_517, %le3A_533 : vector<8x4x512xf32>
    %and3A_535 = arith.andi %and3A_531, %le3A_534 : vector<8x4x512xi1>
    %jit3A_536 = arith.constant 0 : i32
    %jit3A_537 = arith.constant 23 : i32
    %convert_element_type3A_538 = arith.sitofp %jit3A_536 : i32 to f32
    %max3A_539 = vector.broadcast %convert_element_type3A_538 : f32 to vector<8x4x512xf32>
    %max3A_540 = arith.maximumf %max3A_539, %add3A_514 : vector<8x4x512xf32>
    %convert_element_type3A_541 = arith.sitofp %jit3A_537 : i32 to f32
    %min3A_542 = vector.broadcast %convert_element_type3A_541 : f32 to vector<8x4x512xf32>
    %min3A_543 = arith.minimumf %min3A_542, %max3A_540 : vector<8x4x512xf32>
    %convert_element_type3A_544 = arith.fptosi %min3A_543 : vector<8x4x512xf32> to vector<8x4x512xi32>
    %jit3A_545 = arith.constant 0 : i32
    %jit3A_546 = arith.constant 23 : i32
    %convert_element_type3A_547 = arith.sitofp %jit3A_545 : i32 to f32
    %max3A_548 = vector.broadcast %convert_element_type3A_547 : f32 to vector<8x4x512xf32>
    %max3A_549 = arith.maximumf %max3A_548, %add3A_517 : vector<8x4x512xf32>
    %convert_element_type3A_550 = arith.sitofp %jit3A_546 : i32 to f32
    %min3A_551 = vector.broadcast %convert_element_type3A_550 : f32 to vector<8x4x512xf32>
    %min3A_552 = arith.minimumf %min3A_551, %max3A_549 : vector<8x4x512xf32>
    %convert_element_type3A_553 = arith.fptosi %min3A_552 : vector<8x4x512xf32> to vector<8x4x512xi32>
    %mul3A_554 = arith.constant 24 : i32
    %mul3A_555 = vector.broadcast %mul3A_554 : i32 to vector<8x4x512xi32>
    %mul3A_556 = arith.muli %convert_element_type3A_553, %mul3A_555 : vector<8x4x512xi32>
    %add3A_557 = arith.constant 2304 : i32
    %add3A_558 = vector.broadcast %add3A_557 : i32 to vector<8x4x512xi32>
    %add3A_559 = arith.addi %add3A_558, %mul3A_556 : vector<8x4x512xi32>
    %add3A_560 = arith.addi %add3A_559, %convert_element_type3A_544 : vector<8x4x512xi32>
    %mul3A_561 = arith.constant 17 : i32
    %mul3A_562 = vector.broadcast %mul3A_561 : i32 to vector<8x4x512xi32>
    %mul3A_563 = arith.muli %add3A_560, %mul3A_562 : vector<8x4x512xi32>
    %mul3A_564 = arith.mulf %squeeze3A_366, %sub3A_520 : vector<8x4x512xf32>
    %mul3A_565 = arith.mulf %mul3A_564, %sub3A_364 : vector<8x4x512xf32>
    %convert_element_type3A_566 = arith.extui %and3A_535 : vector<8x4x512xi1> to vector<8x4x512xi32>
    %convert_element_type3A_567 = arith.sitofp %convert_element_type3A_566 : vector<8x4x512xi32> to vector<8x4x512xf32>
    %mul3A_568 = arith.mulf %mul3A_565, %convert_element_type3A_567 : vector<8x4x512xf32>
    %swap3A_569 = arith.constant 0 : index
    %swap3A_570 = arith.constant 0 : index
    %swap3A_571 = arith.constant 24 : index
    %swap3A_572 = arith.constant 0 : index
    %swap3A_573 = vector.load %arg8[%swap3A_569, %swap3A_570, %swap3A_571, %swap3A_572] : memref<1x8x64x512xi32, #tpu.memory_space<vmem>>, vector<1x8x4x512xi32>
    %swap3A_574 = vector.shape_cast %swap3A_573 : vector<1x8x4x512xi32> to vector<8x4x512xi32>
    %swap3A_575 = vector.shape_cast %mul3A_563 : vector<8x4x512xi32> to vector<1x8x4x512xi32>
    tpu.vector_store %arg8[%swap3A_569, %swap3A_570, %swap3A_571, %swap3A_572], %swap3A_575 {strides = array<i32>} : memref<1x8x64x512xi32, #tpu.memory_space<vmem>>, vector<1x8x4x512xi32>,
    %swap3A_576 = arith.constant 0 : index
    %swap3A_577 = arith.constant 0 : index
    %swap3A_578 = arith.constant 24 : index
    %swap3A_579 = arith.constant 0 : index
    %swap3A_580 = vector.load %arg9[%swap3A_576, %swap3A_577, %swap3A_578, %swap3A_579] : memref<1x8x64x512xf32, #tpu.memory_space<vmem>>, vector<1x8x4x512xf32>
    %swap3A_581 = vector.shape_cast %swap3A_580 : vector<1x8x4x512xf32> to vector<8x4x512xf32>
    %swap3A_582 = vector.shape_cast %mul3A_568 : vector<8x4x512xf32> to vector<1x8x4x512xf32>
    tpu.vector_store %arg9[%swap3A_576, %swap3A_577, %swap3A_578, %swap3A_579], %swap3A_582 {strides = array<i32>} : memref<1x8x64x512xf32, #tpu.memory_space<vmem>>, vector<1x8x4x512xf32>,
    %add3A_583 = arith.constant 1.000000e+00 : f32
    %add3A_584 = vector.broadcast %add3A_583 : f32 to vector<8x4x512xf32>
    %add3A_585 = arith.addf %floor3A_361, %add3A_584 : vector<8x4x512xf32>
    %add3A_586 = arith.constant 1.000000e+00 : f32
    %add3A_587 = vector.broadcast %add3A_586 : f32 to vector<8x4x512xf32>
    %add3A_588 = arith.addf %floor3A_362, %add3A_587 : vector<8x4x512xf32>
    %ge3A_589 = arith.constant 0.000000e+00 : f32
    %ge3A_590 = vector.broadcast %ge3A_589 : f32 to vector<8x4x512xf32>
    %ge3A_591 = arith.cmpf oge, %add3A_585, %ge3A_590 : vector<8x4x512xf32>
    %le3A_592 = arith.constant 2.300000e+01 : f32
    %le3A_593 = vector.broadcast %le3A_592 : f32 to vector<8x4x512xf32>
    %le3A_594 = arith.cmpf ole, %add3A_585, %le3A_593 : vector<8x4x512xf32>
    %and3A_595 = arith.andi %ge3A_591, %le3A_594 : vector<8x4x512xi1>
    %ge3A_596 = arith.constant 0.000000e+00 : f32
    %ge3A_597 = vector.broadcast %ge3A_596 : f32 to vector<8x4x512xf32>
    %ge3A_598 = arith.cmpf oge, %add3A_588, %ge3A_597 : vector<8x4x512xf32>
    %and3A_599 = arith.andi %and3A_595, %ge3A_598 : vector<8x4x512xi1>
    %le3A_600 = arith.constant 2.300000e+01 : f32
    %le3A_601 = vector.broadcast %le3A_600 : f32 to vector<8x4x512xf32>
    %le3A_602 = arith.cmpf ole, %add3A_588, %le3A_601 : vector<8x4x512xf32>
    %and3A_603 = arith.andi %and3A_599, %le3A_602 : vector<8x4x512xi1>
    %jit3A_604 = arith.constant 0 : i32
    %jit3A_605 = arith.constant 23 : i32
    %convert_element_type3A_606 = arith.sitofp %jit3A_604 : i32 to f32
    %max3A_607 = vector.broadcast %convert_element_type3A_606 : f32 to vector<8x4x512xf32>
    %max3A_608 = arith.maximumf %max3A_607, %add3A_585 : vector<8x4x512xf32>
    %convert_element_type3A_609 = arith.sitofp %jit3A_605 : i32 to f32
    %min3A_610 = vector.broadcast %convert_element_type3A_609 : f32 to vector<8x4x512xf32>
    %min3A_611 = arith.minimumf %min3A_610, %max3A_608 : vector<8x4x512xf32>
    %convert_element_type3A_612 = arith.fptosi %min3A_611 : vector<8x4x512xf32> to vector<8x4x512xi32>
    %jit3A_613 = arith.constant 0 : i32
    %jit3A_614 = arith.constant 23 : i32
    %convert_element_type3A_615 = arith.sitofp %jit3A_613 : i32 to f32
    %max3A_616 = vector.broadcast %convert_element_type3A_615 : f32 to vector<8x4x512xf32>
    %max3A_617 = arith.maximumf %max3A_616, %add3A_588 : vector<8x4x512xf32>
    %convert_element_type3A_618 = arith.sitofp %jit3A_614 : i32 to f32
    %min3A_619 = vector.broadcast %convert_element_type3A_618 : f32 to vector<8x4x512xf32>
    %min3A_620 = arith.minimumf %min3A_619, %max3A_617 : vector<8x4x512xf32>
    %convert_element_type3A_621 = arith.fptosi %min3A_620 : vector<8x4x512xf32> to vector<8x4x512xi32>
    %mul3A_622 = arith.constant 24 : i32
    %mul3A_623 = vector.broadcast %mul3A_622 : i32 to vector<8x4x512xi32>
    %mul3A_624 = arith.muli %convert_element_type3A_621, %mul3A_623 : vector<8x4x512xi32>
    %add3A_625 = arith.constant 2304 : i32
    %add3A_626 = vector.broadcast %add3A_625 : i32 to vector<8x4x512xi32>
    %add3A_627 = arith.addi %add3A_626, %mul3A_624 : vector<8x4x512xi32>
    %add3A_628 = arith.addi %add3A_627, %convert_element_type3A_612 : vector<8x4x512xi32>
    %mul3A_629 = arith.constant 17 : i32
    %mul3A_630 = vector.broadcast %mul3A_629 : i32 to vector<8x4x512xi32>
    %mul3A_631 = arith.muli %add3A_628, %mul3A_630 : vector<8x4x512xi32>
    %mul3A_632 = arith.mulf %squeeze3A_366, %sub3A_363 : vector<8x4x512xf32>
    %mul3A_633 = arith.mulf %mul3A_632, %sub3A_364 : vector<8x4x512xf32>
    %convert_element_type3A_634 = arith.extui %and3A_603 : vector<8x4x512xi1> to vector<8x4x512xi32>
    %convert_element_type3A_635 = arith.sitofp %convert_element_type3A_634 : vector<8x4x512xi32> to vector<8x4x512xf32>
    %mul3A_636 = arith.mulf %mul3A_633, %convert_element_type3A_635 : vector<8x4x512xf32>
    %swap3A_637 = arith.constant 0 : index
    %swap3A_638 = arith.constant 0 : index
    %swap3A_639 = arith.constant 28 : index
    %swap3A_640 = arith.constant 0 : index
    %swap3A_641 = vector.load %arg8[%swap3A_637, %swap3A_638, %swap3A_639, %swap3A_640] : memref<1x8x64x512xi32, #tpu.memory_space<vmem>>, vector<1x8x4x512xi32>
    %swap3A_642 = vector.shape_cast %swap3A_641 : vector<1x8x4x512xi32> to vector<8x4x512xi32>
    %swap3A_643 = vector.shape_cast %mul3A_631 : vector<8x4x512xi32> to vector<1x8x4x512xi32>
    tpu.vector_store %arg8[%swap3A_637, %swap3A_638, %swap3A_639, %swap3A_640], %swap3A_643 {strides = array<i32>} : memref<1x8x64x512xi32, #tpu.memory_space<vmem>>, vector<1x8x4x512xi32>,
    %swap3A_644 = arith.constant 0 : index
    %swap3A_645 = arith.constant 0 : index
    %swap3A_646 = arith.constant 28 : index
    %swap3A_647 = arith.constant 0 : index
    %swap3A_648 = vector.load %arg9[%swap3A_644, %swap3A_645, %swap3A_646, %swap3A_647] : memref<1x8x64x512xf32, #tpu.memory_space<vmem>>, vector<1x8x4x512xf32>
    %swap3A_649 = vector.shape_cast %swap3A_648 : vector<1x8x4x512xf32> to vector<8x4x512xf32>
    %swap3A_650 = vector.shape_cast %mul3A_636 : vector<8x4x512xf32> to vector<1x8x4x512xf32>
    tpu.vector_store %arg9[%swap3A_644, %swap3A_645, %swap3A_646, %swap3A_647], %swap3A_650 {strides = array<i32>} : memref<1x8x64x512xf32, #tpu.memory_space<vmem>>, vector<1x8x4x512xf32>,
    %slice3A_651 = vector.extract_strided_slice %get3A_34 {offsets = [2, 0, 0], sizes = [1, 1, 512], strides = [1, 1, 1]} : vector<4x4x512xf32> to vector<1x1x512xf32>
    %squeeze3A_652 = vector.shape_cast %slice3A_651 : vector<1x1x512xf32> to vector<512xf32>
    %broadcast_in_dim3A_653 = vector.shape_cast %squeeze3A_652 : vector<512xf32> to vector<1x1x512xf32>
    %slice3A_654 = vector.extract_strided_slice %get3A_34 {offsets = [2, 1, 0], sizes = [1, 1, 512], strides = [1, 1, 1]} : vector<4x4x512xf32> to vector<1x1x512xf32>
    %squeeze3A_655 = vector.shape_cast %slice3A_654 : vector<1x1x512xf32> to vector<512xf32>
    %broadcast_in_dim3A_656 = vector.shape_cast %squeeze3A_655 : vector<512xf32> to vector<1x1x512xf32>
    %slice3A_657 = vector.extract_strided_slice %get3A_34 {offsets = [2, 2, 0], sizes = [1, 1, 512], strides = [1, 1, 1]} : vector<4x4x512xf32> to vector<1x1x512xf32>
    %squeeze3A_658 = vector.shape_cast %slice3A_657 : vector<1x1x512xf32> to vector<512xf32>
    %broadcast_in_dim3A_659 = vector.shape_cast %squeeze3A_658 : vector<512xf32> to vector<1x1x512xf32>
    %slice3A_660 = vector.extract_strided_slice %get3A_34 {offsets = [2, 3, 0], sizes = [1, 1, 512], strides = [1, 1, 1]} : vector<4x4x512xf32> to vector<1x1x512xf32>
    %squeeze3A_661 = vector.shape_cast %slice3A_660 : vector<1x1x512xf32> to vector<512xf32>
    %broadcast_in_dim3A_662 = vector.shape_cast %squeeze3A_661 : vector<512xf32> to vector<1x1x512xf32>
    %slice3A_663 = vector.extract_strided_slice %reshape3A_28 {offsets = [0, 2, 0, 0, 0], sizes = [8, 1, 4, 1, 512], strides = [1, 1, 1, 1, 1]} : vector<8x4x4x2x512xf32> to vector<8x1x4x1x512xf32>
    %squeeze3A_664 = vector.shape_cast %slice3A_663 : vector<8x1x4x1x512xf32> to vector<8x4x512xf32>
    %mul3A_665 = vector.broadcast %broadcast_in_dim3A_653 : vector<1x1x512xf32> to vector<8x4x512xf32>
    %mul3A_666 = arith.mulf %squeeze3A_664, %mul3A_665 : vector<8x4x512xf32>
    %add3A_667 = vector.broadcast %broadcast_in_dim3A_656 : vector<1x1x512xf32> to vector<8x4x512xf32>
    %add3A_668 = arith.addf %mul3A_666, %add3A_667 : vector<8x4x512xf32>
    %slice3A_669 = vector.extract_strided_slice %reshape3A_28 {offsets = [0, 2, 0, 1, 0], sizes = [8, 1, 4, 1, 512], strides = [1, 1, 1, 1, 1]} : vector<8x4x4x2x512xf32> to vector<8x1x4x1x512xf32>
    %squeeze3A_670 = vector.shape_cast %slice3A_669 : vector<8x1x4x1x512xf32> to vector<8x4x512xf32>
    %mul3A_671 = vector.broadcast %broadcast_in_dim3A_659 : vector<1x1x512xf32> to vector<8x4x512xf32>
    %mul3A_672 = arith.mulf %squeeze3A_670, %mul3A_671 : vector<8x4x512xf32>
    %add3A_673 = vector.broadcast %broadcast_in_dim3A_662 : vector<1x1x512xf32> to vector<8x4x512xf32>
    %add3A_674 = arith.addf %mul3A_672, %add3A_673 : vector<8x4x512xf32>
    %floor3A_675 = math.floor %add3A_668 : vector<8x4x512xf32>
    %floor3A_676 = math.floor %add3A_674 : vector<8x4x512xf32>
    %sub3A_677 = arith.subf %add3A_668, %floor3A_675 : vector<8x4x512xf32>
    %sub3A_678 = arith.subf %add3A_674, %floor3A_676 : vector<8x4x512xf32>
    %slice3A_679 = vector.extract_strided_slice %reshape3A_27 {offsets = [0, 2, 0, 0], sizes = [8, 1, 4, 512], strides = [1, 1, 1, 1]} : vector<8x4x4x512xf32> to vector<8x1x4x512xf32>
    %squeeze3A_680 = vector.shape_cast %slice3A_679 : vector<8x1x4x512xf32> to vector<8x4x512xf32>
    %add3A_681 = arith.constant 0.000000e+00 : f32
    %add3A_682 = vector.broadcast %add3A_681 : f32 to vector<8x4x512xf32>
    %add3A_683 = arith.addf %floor3A_675, %add3A_682 : vector<8x4x512xf32>
    %add3A_684 = arith.constant 0.000000e+00 : f32
    %add3A_685 = vector.broadcast %add3A_684 : f32 to vector<8x4x512xf32>
    %add3A_686 = arith.addf %floor3A_676, %add3A_685 : vector<8x4x512xf32>
    %sub3A_687 = arith.constant 1.000000e+00 : f32
    %sub3A_688 = vector.broadcast %sub3A_687 : f32 to vector<8x4x512xf32>
    %sub3A_689 = arith.subf %sub3A_688, %sub3A_677 : vector<8x4x512xf32>
    %sub3A_690 = arith.constant 1.000000e+00 : f32
    %sub3A_691 = vector.broadcast %sub3A_690 : f32 to vector<8x4x512xf32>
    %sub3A_692 = arith.subf %sub3A_691, %sub3A_678 : vector<8x4x512xf32>
    %ge3A_693 = arith.constant 0.000000e+00 : f32
    %ge3A_694 = vector.broadcast %ge3A_693 : f32 to vector<8x4x512xf32>
    %ge3A_695 = arith.cmpf oge, %add3A_683, %ge3A_694 : vector<8x4x512xf32>
    %le3A_696 = arith.constant 1.100000e+01 : f32
    %le3A_697 = vector.broadcast %le3A_696 : f32 to vector<8x4x512xf32>
    %le3A_698 = arith.cmpf ole, %add3A_683, %le3A_697 : vector<8x4x512xf32>
    %and3A_699 = arith.andi %ge3A_695, %le3A_698 : vector<8x4x512xi1>
    %ge3A_700 = arith.constant 0.000000e+00 : f32
    %ge3A_701 = vector.broadcast %ge3A_700 : f32 to vector<8x4x512xf32>
    %ge3A_702 = arith.cmpf oge, %add3A_686, %ge3A_701 : vector<8x4x512xf32>
    %and3A_703 = arith.andi %and3A_699, %ge3A_702 : vector<8x4x512xi1>
    %le3A_704 = arith.constant 1.100000e+01 : f32
    %le3A_705 = vector.broadcast %le3A_704 : f32 to vector<8x4x512xf32>
    %le3A_706 = arith.cmpf ole, %add3A_686, %le3A_705 : vector<8x4x512xf32>
    %and3A_707 = arith.andi %and3A_703, %le3A_706 : vector<8x4x512xi1>
    %jit3A_708 = arith.constant 0 : i32
    %jit3A_709 = arith.constant 11 : i32
    %convert_element_type3A_710 = arith.sitofp %jit3A_708 : i32 to f32
    %max3A_711 = vector.broadcast %convert_element_type3A_710 : f32 to vector<8x4x512xf32>
    %max3A_712 = arith.maximumf %max3A_711, %add3A_683 : vector<8x4x512xf32>
    %convert_element_type3A_713 = arith.sitofp %jit3A_709 : i32 to f32
    %min3A_714 = vector.broadcast %convert_element_type3A_713 : f32 to vector<8x4x512xf32>
    %min3A_715 = arith.minimumf %min3A_714, %max3A_712 : vector<8x4x512xf32>
    %convert_element_type3A_716 = arith.fptosi %min3A_715 : vector<8x4x512xf32> to vector<8x4x512xi32>
    %jit3A_717 = arith.constant 0 : i32
    %jit3A_718 = arith.constant 11 : i32
    %convert_element_type3A_719 = arith.sitofp %jit3A_717 : i32 to f32
    %max3A_720 = vector.broadcast %convert_element_type3A_719 : f32 to vector<8x4x512xf32>
    %max3A_721 = arith.maximumf %max3A_720, %add3A_686 : vector<8x4x512xf32>
    %convert_element_type3A_722 = arith.sitofp %jit3A_718 : i32 to f32
    %min3A_723 = vector.broadcast %convert_element_type3A_722 : f32 to vector<8x4x512xf32>
    %min3A_724 = arith.minimumf %min3A_723, %max3A_721 : vector<8x4x512xf32>
    %convert_element_type3A_725 = arith.fptosi %min3A_724 : vector<8x4x512xf32> to vector<8x4x512xi32>
    %mul3A_726 = arith.constant 12 : i32
    %mul3A_727 = vector.broadcast %mul3A_726 : i32 to vector<8x4x512xi32>
    %mul3A_728 = arith.muli %convert_element_type3A_725, %mul3A_727 : vector<8x4x512xi32>
    %add3A_729 = arith.constant 2880 : i32
    %add3A_730 = vector.broadcast %add3A_729 : i32 to vector<8x4x512xi32>
    %add3A_731 = arith.addi %add3A_730, %mul3A_728 : vector<8x4x512xi32>
    %add3A_732 = arith.addi %add3A_731, %convert_element_type3A_716 : vector<8x4x512xi32>
    %mul3A_733 = arith.constant 17 : i32
    %mul3A_734 = vector.broadcast %mul3A_733 : i32 to vector<8x4x512xi32>
    %mul3A_735 = arith.muli %add3A_732, %mul3A_734 : vector<8x4x512xi32>
    %mul3A_736 = arith.mulf %squeeze3A_680, %sub3A_689 : vector<8x4x512xf32>
    %mul3A_737 = arith.mulf %mul3A_736, %sub3A_692 : vector<8x4x512xf32>
    %convert_element_type3A_738 = arith.extui %and3A_707 : vector<8x4x512xi1> to vector<8x4x512xi32>
    %convert_element_type3A_739 = arith.sitofp %convert_element_type3A_738 : vector<8x4x512xi32> to vector<8x4x512xf32>
    %mul3A_740 = arith.mulf %mul3A_737, %convert_element_type3A_739 : vector<8x4x512xf32>
    %swap3A_741 = arith.constant 0 : index
    %swap3A_742 = arith.constant 0 : index
    %swap3A_743 = arith.constant 32 : index
    %swap3A_744 = arith.constant 0 : index
    %swap3A_745 = vector.load %arg8[%swap3A_741, %swap3A_742, %swap3A_743, %swap3A_744] : memref<1x8x64x512xi32, #tpu.memory_space<vmem>>, vector<1x8x4x512xi32>
    %swap3A_746 = vector.shape_cast %swap3A_745 : vector<1x8x4x512xi32> to vector<8x4x512xi32>
    %swap3A_747 = vector.shape_cast %mul3A_735 : vector<8x4x512xi32> to vector<1x8x4x512xi32>
    tpu.vector_store %arg8[%swap3A_741, %swap3A_742, %swap3A_743, %swap3A_744], %swap3A_747 {strides = array<i32>} : memref<1x8x64x512xi32, #tpu.memory_space<vmem>>, vector<1x8x4x512xi32>,
    %swap3A_748 = arith.constant 0 : index
    %swap3A_749 = arith.constant 0 : index
    %swap3A_750 = arith.constant 32 : index
    %swap3A_751 = arith.constant 0 : index
    %swap3A_752 = vector.load %arg9[%swap3A_748, %swap3A_749, %swap3A_750, %swap3A_751] : memref<1x8x64x512xf32, #tpu.memory_space<vmem>>, vector<1x8x4x512xf32>
    %swap3A_753 = vector.shape_cast %swap3A_752 : vector<1x8x4x512xf32> to vector<8x4x512xf32>
    %swap3A_754 = vector.shape_cast %mul3A_740 : vector<8x4x512xf32> to vector<1x8x4x512xf32>
    tpu.vector_store %arg9[%swap3A_748, %swap3A_749, %swap3A_750, %swap3A_751], %swap3A_754 {strides = array<i32>} : memref<1x8x64x512xf32, #tpu.memory_space<vmem>>, vector<1x8x4x512xf32>,
    %add3A_755 = arith.constant 1.000000e+00 : f32
    %add3A_756 = vector.broadcast %add3A_755 : f32 to vector<8x4x512xf32>
    %add3A_757 = arith.addf %floor3A_675, %add3A_756 : vector<8x4x512xf32>
    %add3A_758 = arith.constant 0.000000e+00 : f32
    %add3A_759 = vector.broadcast %add3A_758 : f32 to vector<8x4x512xf32>
    %add3A_760 = arith.addf %floor3A_676, %add3A_759 : vector<8x4x512xf32>
    %sub3A_761 = arith.constant 1.000000e+00 : f32
    %sub3A_762 = vector.broadcast %sub3A_761 : f32 to vector<8x4x512xf32>
    %sub3A_763 = arith.subf %sub3A_762, %sub3A_678 : vector<8x4x512xf32>
    %ge3A_764 = arith.constant 0.000000e+00 : f32
    %ge3A_765 = vector.broadcast %ge3A_764 : f32 to vector<8x4x512xf32>
    %ge3A_766 = arith.cmpf oge, %add3A_757, %ge3A_765 : vector<8x4x512xf32>
    %le3A_767 = arith.constant 1.100000e+01 : f32
    %le3A_768 = vector.broadcast %le3A_767 : f32 to vector<8x4x512xf32>
    %le3A_769 = arith.cmpf ole, %add3A_757, %le3A_768 : vector<8x4x512xf32>
    %and3A_770 = arith.andi %ge3A_766, %le3A_769 : vector<8x4x512xi1>
    %ge3A_771 = arith.constant 0.000000e+00 : f32
    %ge3A_772 = vector.broadcast %ge3A_771 : f32 to vector<8x4x512xf32>
    %ge3A_773 = arith.cmpf oge, %add3A_760, %ge3A_772 : vector<8x4x512xf32>
    %and3A_774 = arith.andi %and3A_770, %ge3A_773 : vector<8x4x512xi1>
    %le3A_775 = arith.constant 1.100000e+01 : f32
    %le3A_776 = vector.broadcast %le3A_775 : f32 to vector<8x4x512xf32>
    %le3A_777 = arith.cmpf ole, %add3A_760, %le3A_776 : vector<8x4x512xf32>
    %and3A_778 = arith.andi %and3A_774, %le3A_777 : vector<8x4x512xi1>
    %jit3A_779 = arith.constant 0 : i32
    %jit3A_780 = arith.constant 11 : i32
    %convert_element_type3A_781 = arith.sitofp %jit3A_779 : i32 to f32
    %max3A_782 = vector.broadcast %convert_element_type3A_781 : f32 to vector<8x4x512xf32>
    %max3A_783 = arith.maximumf %max3A_782, %add3A_757 : vector<8x4x512xf32>
    %convert_element_type3A_784 = arith.sitofp %jit3A_780 : i32 to f32
    %min3A_785 = vector.broadcast %convert_element_type3A_784 : f32 to vector<8x4x512xf32>
    %min3A_786 = arith.minimumf %min3A_785, %max3A_783 : vector<8x4x512xf32>
    %convert_element_type3A_787 = arith.fptosi %min3A_786 : vector<8x4x512xf32> to vector<8x4x512xi32>
    %jit3A_788 = arith.constant 0 : i32
    %jit3A_789 = arith.constant 11 : i32
    %convert_element_type3A_790 = arith.sitofp %jit3A_788 : i32 to f32
    %max3A_791 = vector.broadcast %convert_element_type3A_790 : f32 to vector<8x4x512xf32>
    %max3A_792 = arith.maximumf %max3A_791, %add3A_760 : vector<8x4x512xf32>
    %convert_element_type3A_793 = arith.sitofp %jit3A_789 : i32 to f32
    %min3A_794 = vector.broadcast %convert_element_type3A_793 : f32 to vector<8x4x512xf32>
    %min3A_795 = arith.minimumf %min3A_794, %max3A_792 : vector<8x4x512xf32>
    %convert_element_type3A_796 = arith.fptosi %min3A_795 : vector<8x4x512xf32> to vector<8x4x512xi32>
    %mul3A_797 = arith.constant 12 : i32
    %mul3A_798 = vector.broadcast %mul3A_797 : i32 to vector<8x4x512xi32>
    %mul3A_799 = arith.muli %convert_element_type3A_796, %mul3A_798 : vector<8x4x512xi32>
    %add3A_800 = arith.constant 2880 : i32
    %add3A_801 = vector.broadcast %add3A_800 : i32 to vector<8x4x512xi32>
    %add3A_802 = arith.addi %add3A_801, %mul3A_799 : vector<8x4x512xi32>
    %add3A_803 = arith.addi %add3A_802, %convert_element_type3A_787 : vector<8x4x512xi32>
    %mul3A_804 = arith.constant 17 : i32
    %mul3A_805 = vector.broadcast %mul3A_804 : i32 to vector<8x4x512xi32>
    %mul3A_806 = arith.muli %add3A_803, %mul3A_805 : vector<8x4x512xi32>
    %mul3A_807 = arith.mulf %squeeze3A_680, %sub3A_677 : vector<8x4x512xf32>
    %mul3A_808 = arith.mulf %mul3A_807, %sub3A_763 : vector<8x4x512xf32>
    %convert_element_type3A_809 = arith.extui %and3A_778 : vector<8x4x512xi1> to vector<8x4x512xi32>
    %convert_element_type3A_810 = arith.sitofp %convert_element_type3A_809 : vector<8x4x512xi32> to vector<8x4x512xf32>
    %mul3A_811 = arith.mulf %mul3A_808, %convert_element_type3A_810 : vector<8x4x512xf32>
    %swap3A_812 = arith.constant 0 : index
    %swap3A_813 = arith.constant 0 : index
    %swap3A_814 = arith.constant 36 : index
    %swap3A_815 = arith.constant 0 : index
    %swap3A_816 = vector.load %arg8[%swap3A_812, %swap3A_813, %swap3A_814, %swap3A_815] : memref<1x8x64x512xi32, #tpu.memory_space<vmem>>, vector<1x8x4x512xi32>
    %swap3A_817 = vector.shape_cast %swap3A_816 : vector<1x8x4x512xi32> to vector<8x4x512xi32>
    %swap3A_818 = vector.shape_cast %mul3A_806 : vector<8x4x512xi32> to vector<1x8x4x512xi32>
    tpu.vector_store %arg8[%swap3A_812, %swap3A_813, %swap3A_814, %swap3A_815], %swap3A_818 {strides = array<i32>} : memref<1x8x64x512xi32, #tpu.memory_space<vmem>>, vector<1x8x4x512xi32>,
    %swap3A_819 = arith.constant 0 : index
    %swap3A_820 = arith.constant 0 : index
    %swap3A_821 = arith.constant 36 : index
    %swap3A_822 = arith.constant 0 : index
    %swap3A_823 = vector.load %arg9[%swap3A_819, %swap3A_820, %swap3A_821, %swap3A_822] : memref<1x8x64x512xf32, #tpu.memory_space<vmem>>, vector<1x8x4x512xf32>
    %swap3A_824 = vector.shape_cast %swap3A_823 : vector<1x8x4x512xf32> to vector<8x4x512xf32>
    %swap3A_825 = vector.shape_cast %mul3A_811 : vector<8x4x512xf32> to vector<1x8x4x512xf32>
    tpu.vector_store %arg9[%swap3A_819, %swap3A_820, %swap3A_821, %swap3A_822], %swap3A_825 {strides = array<i32>} : memref<1x8x64x512xf32, #tpu.memory_space<vmem>>, vector<1x8x4x512xf32>,
    %add3A_826 = arith.constant 0.000000e+00 : f32
    %add3A_827 = vector.broadcast %add3A_826 : f32 to vector<8x4x512xf32>
    %add3A_828 = arith.addf %floor3A_675, %add3A_827 : vector<8x4x512xf32>
    %add3A_829 = arith.constant 1.000000e+00 : f32
    %add3A_830 = vector.broadcast %add3A_829 : f32 to vector<8x4x512xf32>
    %add3A_831 = arith.addf %floor3A_676, %add3A_830 : vector<8x4x512xf32>
    %sub3A_832 = arith.constant 1.000000e+00 : f32
    %sub3A_833 = vector.broadcast %sub3A_832 : f32 to vector<8x4x512xf32>
    %sub3A_834 = arith.subf %sub3A_833, %sub3A_677 : vector<8x4x512xf32>
    %ge3A_835 = arith.constant 0.000000e+00 : f32
    %ge3A_836 = vector.broadcast %ge3A_835 : f32 to vector<8x4x512xf32>
    %ge3A_837 = arith.cmpf oge, %add3A_828, %ge3A_836 : vector<8x4x512xf32>
    %le3A_838 = arith.constant 1.100000e+01 : f32
    %le3A_839 = vector.broadcast %le3A_838 : f32 to vector<8x4x512xf32>
    %le3A_840 = arith.cmpf ole, %add3A_828, %le3A_839 : vector<8x4x512xf32>
    %and3A_841 = arith.andi %ge3A_837, %le3A_840 : vector<8x4x512xi1>
    %ge3A_842 = arith.constant 0.000000e+00 : f32
    %ge3A_843 = vector.broadcast %ge3A_842 : f32 to vector<8x4x512xf32>
    %ge3A_844 = arith.cmpf oge, %add3A_831, %ge3A_843 : vector<8x4x512xf32>
    %and3A_845 = arith.andi %and3A_841, %ge3A_844 : vector<8x4x512xi1>
    %le3A_846 = arith.constant 1.100000e+01 : f32
    %le3A_847 = vector.broadcast %le3A_846 : f32 to vector<8x4x512xf32>
    %le3A_848 = arith.cmpf ole, %add3A_831, %le3A_847 : vector<8x4x512xf32>
    %and3A_849 = arith.andi %and3A_845, %le3A_848 : vector<8x4x512xi1>
    %jit3A_850 = arith.constant 0 : i32
    %jit3A_851 = arith.constant 11 : i32
    %convert_element_type3A_852 = arith.sitofp %jit3A_850 : i32 to f32
    %max3A_853 = vector.broadcast %convert_element_type3A_852 : f32 to vector<8x4x512xf32>
    %max3A_854 = arith.maximumf %max3A_853, %add3A_828 : vector<8x4x512xf32>
    %convert_element_type3A_855 = arith.sitofp %jit3A_851 : i32 to f32
    %min3A_856 = vector.broadcast %convert_element_type3A_855 : f32 to vector<8x4x512xf32>
    %min3A_857 = arith.minimumf %min3A_856, %max3A_854 : vector<8x4x512xf32>
    %convert_element_type3A_858 = arith.fptosi %min3A_857 : vector<8x4x512xf32> to vector<8x4x512xi32>
    %jit3A_859 = arith.constant 0 : i32
    %jit3A_860 = arith.constant 11 : i32
    %convert_element_type3A_861 = arith.sitofp %jit3A_859 : i32 to f32
    %max3A_862 = vector.broadcast %convert_element_type3A_861 : f32 to vector<8x4x512xf32>
    %max3A_863 = arith.maximumf %max3A_862, %add3A_831 : vector<8x4x512xf32>
    %convert_element_type3A_864 = arith.sitofp %jit3A_860 : i32 to f32
    %min3A_865 = vector.broadcast %convert_element_type3A_864 : f32 to vector<8x4x512xf32>
    %min3A_866 = arith.minimumf %min3A_865, %max3A_863 : vector<8x4x512xf32>
    %convert_element_type3A_867 = arith.fptosi %min3A_866 : vector<8x4x512xf32> to vector<8x4x512xi32>
    %mul3A_868 = arith.constant 12 : i32
    %mul3A_869 = vector.broadcast %mul3A_868 : i32 to vector<8x4x512xi32>
    %mul3A_870 = arith.muli %convert_element_type3A_867, %mul3A_869 : vector<8x4x512xi32>
    %add3A_871 = arith.constant 2880 : i32
    %add3A_872 = vector.broadcast %add3A_871 : i32 to vector<8x4x512xi32>
    %add3A_873 = arith.addi %add3A_872, %mul3A_870 : vector<8x4x512xi32>
    %add3A_874 = arith.addi %add3A_873, %convert_element_type3A_858 : vector<8x4x512xi32>
    %mul3A_875 = arith.constant 17 : i32
    %mul3A_876 = vector.broadcast %mul3A_875 : i32 to vector<8x4x512xi32>
    %mul3A_877 = arith.muli %add3A_874, %mul3A_876 : vector<8x4x512xi32>
    %mul3A_878 = arith.mulf %squeeze3A_680, %sub3A_834 : vector<8x4x512xf32>
    %mul3A_879 = arith.mulf %mul3A_878, %sub3A_678 : vector<8x4x512xf32>
    %convert_element_type3A_880 = arith.extui %and3A_849 : vector<8x4x512xi1> to vector<8x4x512xi32>
    %convert_element_type3A_881 = arith.sitofp %convert_element_type3A_880 : vector<8x4x512xi32> to vector<8x4x512xf32>
    %mul3A_882 = arith.mulf %mul3A_879, %convert_element_type3A_881 : vector<8x4x512xf32>
    %swap3A_883 = arith.constant 0 : index
    %swap3A_884 = arith.constant 0 : index
    %swap3A_885 = arith.constant 40 : index
    %swap3A_886 = arith.constant 0 : index
    %swap3A_887 = vector.load %arg8[%swap3A_883, %swap3A_884, %swap3A_885, %swap3A_886] : memref<1x8x64x512xi32, #tpu.memory_space<vmem>>, vector<1x8x4x512xi32>
    %swap3A_888 = vector.shape_cast %swap3A_887 : vector<1x8x4x512xi32> to vector<8x4x512xi32>
    %swap3A_889 = vector.shape_cast %mul3A_877 : vector<8x4x512xi32> to vector<1x8x4x512xi32>
    tpu.vector_store %arg8[%swap3A_883, %swap3A_884, %swap3A_885, %swap3A_886], %swap3A_889 {strides = array<i32>} : memref<1x8x64x512xi32, #tpu.memory_space<vmem>>, vector<1x8x4x512xi32>,
    %swap3A_890 = arith.constant 0 : index
    %swap3A_891 = arith.constant 0 : index
    %swap3A_892 = arith.constant 40 : index
    %swap3A_893 = arith.constant 0 : index
    %swap3A_894 = vector.load %arg9[%swap3A_890, %swap3A_891, %swap3A_892, %swap3A_893] : memref<1x8x64x512xf32, #tpu.memory_space<vmem>>, vector<1x8x4x512xf32>
    %swap3A_895 = vector.shape_cast %swap3A_894 : vector<1x8x4x512xf32> to vector<8x4x512xf32>
    %swap3A_896 = vector.shape_cast %mul3A_882 : vector<8x4x512xf32> to vector<1x8x4x512xf32>
    tpu.vector_store %arg9[%swap3A_890, %swap3A_891, %swap3A_892, %swap3A_893], %swap3A_896 {strides = array<i32>} : memref<1x8x64x512xf32, #tpu.memory_space<vmem>>, vector<1x8x4x512xf32>,
    %add3A_897 = arith.constant 1.000000e+00 : f32
    %add3A_898 = vector.broadcast %add3A_897 : f32 to vector<8x4x512xf32>
    %add3A_899 = arith.addf %floor3A_675, %add3A_898 : vector<8x4x512xf32>
    %add3A_900 = arith.constant 1.000000e+00 : f32
    %add3A_901 = vector.broadcast %add3A_900 : f32 to vector<8x4x512xf32>
    %add3A_902 = arith.addf %floor3A_676, %add3A_901 : vector<8x4x512xf32>
    %ge3A_903 = arith.constant 0.000000e+00 : f32
    %ge3A_904 = vector.broadcast %ge3A_903 : f32 to vector<8x4x512xf32>
    %ge3A_905 = arith.cmpf oge, %add3A_899, %ge3A_904 : vector<8x4x512xf32>
    %le3A_906 = arith.constant 1.100000e+01 : f32
    %le3A_907 = vector.broadcast %le3A_906 : f32 to vector<8x4x512xf32>
    %le3A_908 = arith.cmpf ole, %add3A_899, %le3A_907 : vector<8x4x512xf32>
    %and3A_909 = arith.andi %ge3A_905, %le3A_908 : vector<8x4x512xi1>
    %ge3A_910 = arith.constant 0.000000e+00 : f32
    %ge3A_911 = vector.broadcast %ge3A_910 : f32 to vector<8x4x512xf32>
    %ge3A_912 = arith.cmpf oge, %add3A_902, %ge3A_911 : vector<8x4x512xf32>
    %and3A_913 = arith.andi %and3A_909, %ge3A_912 : vector<8x4x512xi1>
    %le3A_914 = arith.constant 1.100000e+01 : f32
    %le3A_915 = vector.broadcast %le3A_914 : f32 to vector<8x4x512xf32>
    %le3A_916 = arith.cmpf ole, %add3A_902, %le3A_915 : vector<8x4x512xf32>
    %and3A_917 = arith.andi %and3A_913, %le3A_916 : vector<8x4x512xi1>
    %jit3A_918 = arith.constant 0 : i32
    %jit3A_919 = arith.constant 11 : i32
    %convert_element_type3A_920 = arith.sitofp %jit3A_918 : i32 to f32
    %max3A_921 = vector.broadcast %convert_element_type3A_920 : f32 to vector<8x4x512xf32>
    %max3A_922 = arith.maximumf %max3A_921, %add3A_899 : vector<8x4x512xf32>
    %convert_element_type3A_923 = arith.sitofp %jit3A_919 : i32 to f32
    %min3A_924 = vector.broadcast %convert_element_type3A_923 : f32 to vector<8x4x512xf32>
    %min3A_925 = arith.minimumf %min3A_924, %max3A_922 : vector<8x4x512xf32>
    %convert_element_type3A_926 = arith.fptosi %min3A_925 : vector<8x4x512xf32> to vector<8x4x512xi32>
    %jit3A_927 = arith.constant 0 : i32
    %jit3A_928 = arith.constant 11 : i32
    %convert_element_type3A_929 = arith.sitofp %jit3A_927 : i32 to f32
    %max3A_930 = vector.broadcast %convert_element_type3A_929 : f32 to vector<8x4x512xf32>
    %max3A_931 = arith.maximumf %max3A_930, %add3A_902 : vector<8x4x512xf32>
    %convert_element_type3A_932 = arith.sitofp %jit3A_928 : i32 to f32
    %min3A_933 = vector.broadcast %convert_element_type3A_932 : f32 to vector<8x4x512xf32>
    %min3A_934 = arith.minimumf %min3A_933, %max3A_931 : vector<8x4x512xf32>
    %convert_element_type3A_935 = arith.fptosi %min3A_934 : vector<8x4x512xf32> to vector<8x4x512xi32>
    %mul3A_936 = arith.constant 12 : i32
    %mul3A_937 = vector.broadcast %mul3A_936 : i32 to vector<8x4x512xi32>
    %mul3A_938 = arith.muli %convert_element_type3A_935, %mul3A_937 : vector<8x4x512xi32>
    %add3A_939 = arith.constant 2880 : i32
    %add3A_940 = vector.broadcast %add3A_939 : i32 to vector<8x4x512xi32>
    %add3A_941 = arith.addi %add3A_940, %mul3A_938 : vector<8x4x512xi32>
    %add3A_942 = arith.addi %add3A_941, %convert_element_type3A_926 : vector<8x4x512xi32>
    %mul3A_943 = arith.constant 17 : i32
    %mul3A_944 = vector.broadcast %mul3A_943 : i32 to vector<8x4x512xi32>
    %mul3A_945 = arith.muli %add3A_942, %mul3A_944 : vector<8x4x512xi32>
    %mul3A_946 = arith.mulf %squeeze3A_680, %sub3A_677 : vector<8x4x512xf32>
    %mul3A_947 = arith.mulf %mul3A_946, %sub3A_678 : vector<8x4x512xf32>
    %convert_element_type3A_948 = arith.extui %and3A_917 : vector<8x4x512xi1> to vector<8x4x512xi32>
    %convert_element_type3A_949 = arith.sitofp %convert_element_type3A_948 : vector<8x4x512xi32> to vector<8x4x512xf32>
    %mul3A_950 = arith.mulf %mul3A_947, %convert_element_type3A_949 : vector<8x4x512xf32>
    %swap3A_951 = arith.constant 0 : index
    %swap3A_952 = arith.constant 0 : index
    %swap3A_953 = arith.constant 44 : index
    %swap3A_954 = arith.constant 0 : index
    %swap3A_955 = vector.load %arg8[%swap3A_951, %swap3A_952, %swap3A_953, %swap3A_954] : memref<1x8x64x512xi32, #tpu.memory_space<vmem>>, vector<1x8x4x512xi32>
    %swap3A_956 = vector.shape_cast %swap3A_955 : vector<1x8x4x512xi32> to vector<8x4x512xi32>
    %swap3A_957 = vector.shape_cast %mul3A_945 : vector<8x4x512xi32> to vector<1x8x4x512xi32>
    tpu.vector_store %arg8[%swap3A_951, %swap3A_952, %swap3A_953, %swap3A_954], %swap3A_957 {strides = array<i32>} : memref<1x8x64x512xi32, #tpu.memory_space<vmem>>, vector<1x8x4x512xi32>,
    %swap3A_958 = arith.constant 0 : index
    %swap3A_959 = arith.constant 0 : index
    %swap3A_960 = arith.constant 44 : index
    %swap3A_961 = arith.constant 0 : index
    %swap3A_962 = vector.load %arg9[%swap3A_958, %swap3A_959, %swap3A_960, %swap3A_961] : memref<1x8x64x512xf32, #tpu.memory_space<vmem>>, vector<1x8x4x512xf32>
    %swap3A_963 = vector.shape_cast %swap3A_962 : vector<1x8x4x512xf32> to vector<8x4x512xf32>
    %swap3A_964 = vector.shape_cast %mul3A_950 : vector<8x4x512xf32> to vector<1x8x4x512xf32>
    tpu.vector_store %arg9[%swap3A_958, %swap3A_959, %swap3A_960, %swap3A_961], %swap3A_964 {strides = array<i32>} : memref<1x8x64x512xf32, #tpu.memory_space<vmem>>, vector<1x8x4x512xf32>,
    %slice3A_965 = vector.extract_strided_slice %get3A_34 {offsets = [3, 0, 0], sizes = [1, 1, 512], strides = [1, 1, 1]} : vector<4x4x512xf32> to vector<1x1x512xf32>
    %squeeze3A_966 = vector.shape_cast %slice3A_965 : vector<1x1x512xf32> to vector<512xf32>
    %broadcast_in_dim3A_967 = vector.shape_cast %squeeze3A_966 : vector<512xf32> to vector<1x1x512xf32>
    %slice3A_968 = vector.extract_strided_slice %get3A_34 {offsets = [3, 1, 0], sizes = [1, 1, 512], strides = [1, 1, 1]} : vector<4x4x512xf32> to vector<1x1x512xf32>
    %squeeze3A_969 = vector.shape_cast %slice3A_968 : vector<1x1x512xf32> to vector<512xf32>
    %broadcast_in_dim3A_970 = vector.shape_cast %squeeze3A_969 : vector<512xf32> to vector<1x1x512xf32>
    %slice3A_971 = vector.extract_strided_slice %get3A_34 {offsets = [3, 2, 0], sizes = [1, 1, 512], strides = [1, 1, 1]} : vector<4x4x512xf32> to vector<1x1x512xf32>
    %squeeze3A_972 = vector.shape_cast %slice3A_971 : vector<1x1x512xf32> to vector<512xf32>
    %broadcast_in_dim3A_973 = vector.shape_cast %squeeze3A_972 : vector<512xf32> to vector<1x1x512xf32>
    %slice3A_974 = vector.extract_strided_slice %get3A_34 {offsets = [3, 3, 0], sizes = [1, 1, 512], strides = [1, 1, 1]} : vector<4x4x512xf32> to vector<1x1x512xf32>
    %squeeze3A_975 = vector.shape_cast %slice3A_974 : vector<1x1x512xf32> to vector<512xf32>
    %broadcast_in_dim3A_976 = vector.shape_cast %squeeze3A_975 : vector<512xf32> to vector<1x1x512xf32>
    %slice3A_977 = vector.extract_strided_slice %reshape3A_28 {offsets = [0, 3, 0, 0, 0], sizes = [8, 1, 4, 1, 512], strides = [1, 1, 1, 1, 1]} : vector<8x4x4x2x512xf32> to vector<8x1x4x1x512xf32>
    %squeeze3A_978 = vector.shape_cast %slice3A_977 : vector<8x1x4x1x512xf32> to vector<8x4x512xf32>
    %mul3A_979 = vector.broadcast %broadcast_in_dim3A_967 : vector<1x1x512xf32> to vector<8x4x512xf32>
    %mul3A_980 = arith.mulf %squeeze3A_978, %mul3A_979 : vector<8x4x512xf32>
    %add3A_981 = vector.broadcast %broadcast_in_dim3A_970 : vector<1x1x512xf32> to vector<8x4x512xf32>
    %add3A_982 = arith.addf %mul3A_980, %add3A_981 : vector<8x4x512xf32>
    %slice3A_983 = vector.extract_strided_slice %reshape3A_28 {offsets = [0, 3, 0, 1, 0], sizes = [8, 1, 4, 1, 512], strides = [1, 1, 1, 1, 1]} : vector<8x4x4x2x512xf32> to vector<8x1x4x1x512xf32>
    %squeeze3A_984 = vector.shape_cast %slice3A_983 : vector<8x1x4x1x512xf32> to vector<8x4x512xf32>
    %mul3A_985 = vector.broadcast %broadcast_in_dim3A_973 : vector<1x1x512xf32> to vector<8x4x512xf32>
    %mul3A_986 = arith.mulf %squeeze3A_984, %mul3A_985 : vector<8x4x512xf32>
    %add3A_987 = vector.broadcast %broadcast_in_dim3A_976 : vector<1x1x512xf32> to vector<8x4x512xf32>
    %add3A_988 = arith.addf %mul3A_986, %add3A_987 : vector<8x4x512xf32>
    %floor3A_989 = math.floor %add3A_982 : vector<8x4x512xf32>
    %floor3A_990 = math.floor %add3A_988 : vector<8x4x512xf32>
    %sub3A_991 = arith.subf %add3A_982, %floor3A_989 : vector<8x4x512xf32>
    %sub3A_992 = arith.subf %add3A_988, %floor3A_990 : vector<8x4x512xf32>
    %slice3A_993 = vector.extract_strided_slice %reshape3A_27 {offsets = [0, 3, 0, 0], sizes = [8, 1, 4, 512], strides = [1, 1, 1, 1]} : vector<8x4x4x512xf32> to vector<8x1x4x512xf32>
    %squeeze3A_994 = vector.shape_cast %slice3A_993 : vector<8x1x4x512xf32> to vector<8x4x512xf32>
    %add3A_995 = arith.constant 0.000000e+00 : f32
    %add3A_996 = vector.broadcast %add3A_995 : f32 to vector<8x4x512xf32>
    %add3A_997 = arith.addf %floor3A_989, %add3A_996 : vector<8x4x512xf32>
    %add3A_998 = arith.constant 0.000000e+00 : f32
    %add3A_999 = vector.broadcast %add3A_998 : f32 to vector<8x4x512xf32>
    %add3A_1000 = arith.addf %floor3A_990, %add3A_999 : vector<8x4x512xf32>
    %sub3A_1001 = arith.constant 1.000000e+00 : f32
    %sub3A_1002 = vector.broadcast %sub3A_1001 : f32 to vector<8x4x512xf32>
    %sub3A_1003 = arith.subf %sub3A_1002, %sub3A_991 : vector<8x4x512xf32>
    %sub3A_1004 = arith.constant 1.000000e+00 : f32
    %sub3A_1005 = vector.broadcast %sub3A_1004 : f32 to vector<8x4x512xf32>
    %sub3A_1006 = arith.subf %sub3A_1005, %sub3A_992 : vector<8x4x512xf32>
    %ge3A_1007 = arith.constant 0.000000e+00 : f32
    %ge3A_1008 = vector.broadcast %ge3A_1007 : f32 to vector<8x4x512xf32>
    %ge3A_1009 = arith.cmpf oge, %add3A_997, %ge3A_1008 : vector<8x4x512xf32>
    %le3A_1010 = arith.constant 5.000000e+00 : f32
    %le3A_1011 = vector.broadcast %le3A_1010 : f32 to vector<8x4x512xf32>
    %le3A_1012 = arith.cmpf ole, %add3A_997, %le3A_1011 : vector<8x4x512xf32>
    %and3A_1013 = arith.andi %ge3A_1009, %le3A_1012 : vector<8x4x512xi1>
    %ge3A_1014 = arith.constant 0.000000e+00 : f32
    %ge3A_1015 = vector.broadcast %ge3A_1014 : f32 to vector<8x4x512xf32>
    %ge3A_1016 = arith.cmpf oge, %add3A_1000, %ge3A_1015 : vector<8x4x512xf32>
    %and3A_1017 = arith.andi %and3A_1013, %ge3A_1016 : vector<8x4x512xi1>
    %le3A_1018 = arith.constant 5.000000e+00 : f32
    %le3A_1019 = vector.broadcast %le3A_1018 : f32 to vector<8x4x512xf32>
    %le3A_1020 = arith.cmpf ole, %add3A_1000, %le3A_1019 : vector<8x4x512xf32>
    %and3A_1021 = arith.andi %and3A_1017, %le3A_1020 : vector<8x4x512xi1>
    %jit3A_1022 = arith.constant 0 : i32
    %jit3A_1023 = arith.constant 5 : i32
    %convert_element_type3A_1024 = arith.sitofp %jit3A_1022 : i32 to f32
    %max3A_1025 = vector.broadcast %convert_element_type3A_1024 : f32 to vector<8x4x512xf32>
    %max3A_1026 = arith.maximumf %max3A_1025, %add3A_997 : vector<8x4x512xf32>
    %convert_element_type3A_1027 = arith.sitofp %jit3A_1023 : i32 to f32
    %min3A_1028 = vector.broadcast %convert_element_type3A_1027 : f32 to vector<8x4x512xf32>
    %min3A_1029 = arith.minimumf %min3A_1028, %max3A_1026 : vector<8x4x512xf32>
    %convert_element_type3A_1030 = arith.fptosi %min3A_1029 : vector<8x4x512xf32> to vector<8x4x512xi32>
    %jit3A_1031 = arith.constant 0 : i32
    %jit3A_1032 = arith.constant 5 : i32
    %convert_element_type3A_1033 = arith.sitofp %jit3A_1031 : i32 to f32
    %max3A_1034 = vector.broadcast %convert_element_type3A_1033 : f32 to vector<8x4x512xf32>
    %max3A_1035 = arith.maximumf %max3A_1034, %add3A_1000 : vector<8x4x512xf32>
    %convert_element_type3A_1036 = arith.sitofp %jit3A_1032 : i32 to f32
    %min3A_1037 = vector.broadcast %convert_element_type3A_1036 : f32 to vector<8x4x512xf32>
    %min3A_1038 = arith.minimumf %min3A_1037, %max3A_1035 : vector<8x4x512xf32>
    %convert_element_type3A_1039 = arith.fptosi %min3A_1038 : vector<8x4x512xf32> to vector<8x4x512xi32>
    %mul3A_1040 = arith.constant 6 : i32
    %mul3A_1041 = vector.broadcast %mul3A_1040 : i32 to vector<8x4x512xi32>
    %mul3A_1042 = arith.muli %convert_element_type3A_1039, %mul3A_1041 : vector<8x4x512xi32>
    %add3A_1043 = arith.constant 3024 : i32
    %add3A_1044 = vector.broadcast %add3A_1043 : i32 to vector<8x4x512xi32>
    %add3A_1045 = arith.addi %add3A_1044, %mul3A_1042 : vector<8x4x512xi32>
    %add3A_1046 = arith.addi %add3A_1045, %convert_element_type3A_1030 : vector<8x4x512xi32>
    %mul3A_1047 = arith.constant 17 : i32
    %mul3A_1048 = vector.broadcast %mul3A_1047 : i32 to vector<8x4x512xi32>
    %mul3A_1049 = arith.muli %add3A_1046, %mul3A_1048 : vector<8x4x512xi32>
    %mul3A_1050 = arith.mulf %squeeze3A_994, %sub3A_1003 : vector<8x4x512xf32>
    %mul3A_1051 = arith.mulf %mul3A_1050, %sub3A_1006 : vector<8x4x512xf32>
    %convert_element_type3A_1052 = arith.extui %and3A_1021 : vector<8x4x512xi1> to vector<8x4x512xi32>
    %convert_element_type3A_1053 = arith.sitofp %convert_element_type3A_1052 : vector<8x4x512xi32> to vector<8x4x512xf32>
    %mul3A_1054 = arith.mulf %mul3A_1051, %convert_element_type3A_1053 : vector<8x4x512xf32>
    %swap3A_1055 = arith.constant 0 : index
    %swap3A_1056 = arith.constant 0 : index
    %swap3A_1057 = arith.constant 48 : index
    %swap3A_1058 = arith.constant 0 : index
    %swap3A_1059 = vector.load %arg8[%swap3A_1055, %swap3A_1056, %swap3A_1057, %swap3A_1058] : memref<1x8x64x512xi32, #tpu.memory_space<vmem>>, vector<1x8x4x512xi32>
    %swap3A_1060 = vector.shape_cast %swap3A_1059 : vector<1x8x4x512xi32> to vector<8x4x512xi32>
    %swap3A_1061 = vector.shape_cast %mul3A_1049 : vector<8x4x512xi32> to vector<1x8x4x512xi32>
    tpu.vector_store %arg8[%swap3A_1055, %swap3A_1056, %swap3A_1057, %swap3A_1058], %swap3A_1061 {strides = array<i32>} : memref<1x8x64x512xi32, #tpu.memory_space<vmem>>, vector<1x8x4x512xi32>,
    %swap3A_1062 = arith.constant 0 : index
    %swap3A_1063 = arith.constant 0 : index
    %swap3A_1064 = arith.constant 48 : index
    %swap3A_1065 = arith.constant 0 : index
    %swap3A_1066 = vector.load %arg9[%swap3A_1062, %swap3A_1063, %swap3A_1064, %swap3A_1065] : memref<1x8x64x512xf32, #tpu.memory_space<vmem>>, vector<1x8x4x512xf32>
    %swap3A_1067 = vector.shape_cast %swap3A_1066 : vector<1x8x4x512xf32> to vector<8x4x512xf32>
    %swap3A_1068 = vector.shape_cast %mul3A_1054 : vector<8x4x512xf32> to vector<1x8x4x512xf32>
    tpu.vector_store %arg9[%swap3A_1062, %swap3A_1063, %swap3A_1064, %swap3A_1065], %swap3A_1068 {strides = array<i32>} : memref<1x8x64x512xf32, #tpu.memory_space<vmem>>, vector<1x8x4x512xf32>,
    %add3A_1069 = arith.constant 1.000000e+00 : f32
    %add3A_1070 = vector.broadcast %add3A_1069 : f32 to vector<8x4x512xf32>
    %add3A_1071 = arith.addf %floor3A_989, %add3A_1070 : vector<8x4x512xf32>
    %add3A_1072 = arith.constant 0.000000e+00 : f32
    %add3A_1073 = vector.broadcast %add3A_1072 : f32 to vector<8x4x512xf32>
    %add3A_1074 = arith.addf %floor3A_990, %add3A_1073 : vector<8x4x512xf32>
    %sub3A_1075 = arith.constant 1.000000e+00 : f32
    %sub3A_1076 = vector.broadcast %sub3A_1075 : f32 to vector<8x4x512xf32>
    %sub3A_1077 = arith.subf %sub3A_1076, %sub3A_992 : vector<8x4x512xf32>
    %ge3A_1078 = arith.constant 0.000000e+00 : f32
    %ge3A_1079 = vector.broadcast %ge3A_1078 : f32 to vector<8x4x512xf32>
    %ge3A_1080 = arith.cmpf oge, %add3A_1071, %ge3A_1079 : vector<8x4x512xf32>
    %le3A_1081 = arith.constant 5.000000e+00 : f32
    %le3A_1082 = vector.broadcast %le3A_1081 : f32 to vector<8x4x512xf32>
    %le3A_1083 = arith.cmpf ole, %add3A_1071, %le3A_1082 : vector<8x4x512xf32>
    %and3A_1084 = arith.andi %ge3A_1080, %le3A_1083 : vector<8x4x512xi1>
    %ge3A_1085 = arith.constant 0.000000e+00 : f32
    %ge3A_1086 = vector.broadcast %ge3A_1085 : f32 to vector<8x4x512xf32>
    %ge3A_1087 = arith.cmpf oge, %add3A_1074, %ge3A_1086 : vector<8x4x512xf32>
    %and3A_1088 = arith.andi %and3A_1084, %ge3A_1087 : vector<8x4x512xi1>
    %le3A_1089 = arith.constant 5.000000e+00 : f32
    %le3A_1090 = vector.broadcast %le3A_1089 : f32 to vector<8x4x512xf32>
    %le3A_1091 = arith.cmpf ole, %add3A_1074, %le3A_1090 : vector<8x4x512xf32>
    %and3A_1092 = arith.andi %and3A_1088, %le3A_1091 : vector<8x4x512xi1>
    %jit3A_1093 = arith.constant 0 : i32
    %jit3A_1094 = arith.constant 5 : i32
    %convert_element_type3A_1095 = arith.sitofp %jit3A_1093 : i32 to f32
    %max3A_1096 = vector.broadcast %convert_element_type3A_1095 : f32 to vector<8x4x512xf32>
    %max3A_1097 = arith.maximumf %max3A_1096, %add3A_1071 : vector<8x4x512xf32>
    %convert_element_type3A_1098 = arith.sitofp %jit3A_1094 : i32 to f32
    %min3A_1099 = vector.broadcast %convert_element_type3A_1098 : f32 to vector<8x4x512xf32>
    %min3A_1100 = arith.minimumf %min3A_1099, %max3A_1097 : vector<8x4x512xf32>
    %convert_element_type3A_1101 = arith.fptosi %min3A_1100 : vector<8x4x512xf32> to vector<8x4x512xi32>
    %jit3A_1102 = arith.constant 0 : i32
    %jit3A_1103 = arith.constant 5 : i32
    %convert_element_type3A_1104 = arith.sitofp %jit3A_1102 : i32 to f32
    %max3A_1105 = vector.broadcast %convert_element_type3A_1104 : f32 to vector<8x4x512xf32>
    %max3A_1106 = arith.maximumf %max3A_1105, %add3A_1074 : vector<8x4x512xf32>
    %convert_element_type3A_1107 = arith.sitofp %jit3A_1103 : i32 to f32
    %min3A_1108 = vector.broadcast %convert_element_type3A_1107 : f32 to vector<8x4x512xf32>
    %min3A_1109 = arith.minimumf %min3A_1108, %max3A_1106 : vector<8x4x512xf32>
    %convert_element_type3A_1110 = arith.fptosi %min3A_1109 : vector<8x4x512xf32> to vector<8x4x512xi32>
    %mul3A_1111 = arith.constant 6 : i32
    %mul3A_1112 = vector.broadcast %mul3A_1111 : i32 to vector<8x4x512xi32>
    %mul3A_1113 = arith.muli %convert_element_type3A_1110, %mul3A_1112 : vector<8x4x512xi32>
    %add3A_1114 = arith.constant 3024 : i32
    %add3A_1115 = vector.broadcast %add3A_1114 : i32 to vector<8x4x512xi32>
    %add3A_1116 = arith.addi %add3A_1115, %mul3A_1113 : vector<8x4x512xi32>
    %add3A_1117 = arith.addi %add3A_1116, %convert_element_type3A_1101 : vector<8x4x512xi32>
    %mul3A_1118 = arith.constant 17 : i32
    %mul3A_1119 = vector.broadcast %mul3A_1118 : i32 to vector<8x4x512xi32>
    %mul3A_1120 = arith.muli %add3A_1117, %mul3A_1119 : vector<8x4x512xi32>
    %mul3A_1121 = arith.mulf %squeeze3A_994, %sub3A_991 : vector<8x4x512xf32>
    %mul3A_1122 = arith.mulf %mul3A_1121, %sub3A_1077 : vector<8x4x512xf32>
    %convert_element_type3A_1123 = arith.extui %and3A_1092 : vector<8x4x512xi1> to vector<8x4x512xi32>
    %convert_element_type3A_1124 = arith.sitofp %convert_element_type3A_1123 : vector<8x4x512xi32> to vector<8x4x512xf32>
    %mul3A_1125 = arith.mulf %mul3A_1122, %convert_element_type3A_1124 : vector<8x4x512xf32>
    %swap3A_1126 = arith.constant 0 : index
    %swap3A_1127 = arith.constant 0 : index
    %swap3A_1128 = arith.constant 52 : index
    %swap3A_1129 = arith.constant 0 : index
    %swap3A_1130 = vector.load %arg8[%swap3A_1126, %swap3A_1127, %swap3A_1128, %swap3A_1129] : memref<1x8x64x512xi32, #tpu.memory_space<vmem>>, vector<1x8x4x512xi32>
    %swap3A_1131 = vector.shape_cast %swap3A_1130 : vector<1x8x4x512xi32> to vector<8x4x512xi32>
    %swap3A_1132 = vector.shape_cast %mul3A_1120 : vector<8x4x512xi32> to vector<1x8x4x512xi32>
    tpu.vector_store %arg8[%swap3A_1126, %swap3A_1127, %swap3A_1128, %swap3A_1129], %swap3A_1132 {strides = array<i32>} : memref<1x8x64x512xi32, #tpu.memory_space<vmem>>, vector<1x8x4x512xi32>,
    %swap3A_1133 = arith.constant 0 : index
    %swap3A_1134 = arith.constant 0 : index
    %swap3A_1135 = arith.constant 52 : index
    %swap3A_1136 = arith.constant 0 : index
    %swap3A_1137 = vector.load %arg9[%swap3A_1133, %swap3A_1134, %swap3A_1135, %swap3A_1136] : memref<1x8x64x512xf32, #tpu.memory_space<vmem>>, vector<1x8x4x512xf32>
    %swap3A_1138 = vector.shape_cast %swap3A_1137 : vector<1x8x4x512xf32> to vector<8x4x512xf32>
    %swap3A_1139 = vector.shape_cast %mul3A_1125 : vector<8x4x512xf32> to vector<1x8x4x512xf32>
    tpu.vector_store %arg9[%swap3A_1133, %swap3A_1134, %swap3A_1135, %swap3A_1136], %swap3A_1139 {strides = array<i32>} : memref<1x8x64x512xf32, #tpu.memory_space<vmem>>, vector<1x8x4x512xf32>,
    %add3A_1140 = arith.constant 0.000000e+00 : f32
    %add3A_1141 = vector.broadcast %add3A_1140 : f32 to vector<8x4x512xf32>
    %add3A_1142 = arith.addf %floor3A_989, %add3A_1141 : vector<8x4x512xf32>
    %add3A_1143 = arith.constant 1.000000e+00 : f32
    %add3A_1144 = vector.broadcast %add3A_1143 : f32 to vector<8x4x512xf32>
    %add3A_1145 = arith.addf %floor3A_990, %add3A_1144 : vector<8x4x512xf32>
    %sub3A_1146 = arith.constant 1.000000e+00 : f32
    %sub3A_1147 = vector.broadcast %sub3A_1146 : f32 to vector<8x4x512xf32>
    %sub3A_1148 = arith.subf %sub3A_1147, %sub3A_991 : vector<8x4x512xf32>
    %ge3A_1149 = arith.constant 0.000000e+00 : f32
    %ge3A_1150 = vector.broadcast %ge3A_1149 : f32 to vector<8x4x512xf32>
    %ge3A_1151 = arith.cmpf oge, %add3A_1142, %ge3A_1150 : vector<8x4x512xf32>
    %le3A_1152 = arith.constant 5.000000e+00 : f32
    %le3A_1153 = vector.broadcast %le3A_1152 : f32 to vector<8x4x512xf32>
    %le3A_1154 = arith.cmpf ole, %add3A_1142, %le3A_1153 : vector<8x4x512xf32>
    %and3A_1155 = arith.andi %ge3A_1151, %le3A_1154 : vector<8x4x512xi1>
    %ge3A_1156 = arith.constant 0.000000e+00 : f32
    %ge3A_1157 = vector.broadcast %ge3A_1156 : f32 to vector<8x4x512xf32>
    %ge3A_1158 = arith.cmpf oge, %add3A_1145, %ge3A_1157 : vector<8x4x512xf32>
    %and3A_1159 = arith.andi %and3A_1155, %ge3A_1158 : vector<8x4x512xi1>
    %le3A_1160 = arith.constant 5.000000e+00 : f32
    %le3A_1161 = vector.broadcast %le3A_1160 : f32 to vector<8x4x512xf32>
    %le3A_1162 = arith.cmpf ole, %add3A_1145, %le3A_1161 : vector<8x4x512xf32>
    %and3A_1163 = arith.andi %and3A_1159, %le3A_1162 : vector<8x4x512xi1>
    %jit3A_1164 = arith.constant 0 : i32
    %jit3A_1165 = arith.constant 5 : i32
    %convert_element_type3A_1166 = arith.sitofp %jit3A_1164 : i32 to f32
    %max3A_1167 = vector.broadcast %convert_element_type3A_1166 : f32 to vector<8x4x512xf32>
    %max3A_1168 = arith.maximumf %max3A_1167, %add3A_1142 : vector<8x4x512xf32>
    %convert_element_type3A_1169 = arith.sitofp %jit3A_1165 : i32 to f32
    %min3A_1170 = vector.broadcast %convert_element_type3A_1169 : f32 to vector<8x4x512xf32>
    %min3A_1171 = arith.minimumf %min3A_1170, %max3A_1168 : vector<8x4x512xf32>
    %convert_element_type3A_1172 = arith.fptosi %min3A_1171 : vector<8x4x512xf32> to vector<8x4x512xi32>
    %jit3A_1173 = arith.constant 0 : i32
    %jit3A_1174 = arith.constant 5 : i32
    %convert_element_type3A_1175 = arith.sitofp %jit3A_1173 : i32 to f32
    %max3A_1176 = vector.broadcast %convert_element_type3A_1175 : f32 to vector<8x4x512xf32>
    %max3A_1177 = arith.maximumf %max3A_1176, %add3A_1145 : vector<8x4x512xf32>
    %convert_element_type3A_1178 = arith.sitofp %jit3A_1174 : i32 to f32
    %min3A_1179 = vector.broadcast %convert_element_type3A_1178 : f32 to vector<8x4x512xf32>
    %min3A_1180 = arith.minimumf %min3A_1179, %max3A_1177 : vector<8x4x512xf32>
    %convert_element_type3A_1181 = arith.fptosi %min3A_1180 : vector<8x4x512xf32> to vector<8x4x512xi32>
    %mul3A_1182 = arith.constant 6 : i32
    %mul3A_1183 = vector.broadcast %mul3A_1182 : i32 to vector<8x4x512xi32>
    %mul3A_1184 = arith.muli %convert_element_type3A_1181, %mul3A_1183 : vector<8x4x512xi32>
    %add3A_1185 = arith.constant 3024 : i32
    %add3A_1186 = vector.broadcast %add3A_1185 : i32 to vector<8x4x512xi32>
    %add3A_1187 = arith.addi %add3A_1186, %mul3A_1184 : vector<8x4x512xi32>
    %add3A_1188 = arith.addi %add3A_1187, %convert_element_type3A_1172 : vector<8x4x512xi32>
    %mul3A_1189 = arith.constant 17 : i32
    %mul3A_1190 = vector.broadcast %mul3A_1189 : i32 to vector<8x4x512xi32>
    %mul3A_1191 = arith.muli %add3A_1188, %mul3A_1190 : vector<8x4x512xi32>
    %mul3A_1192 = arith.mulf %squeeze3A_994, %sub3A_1148 : vector<8x4x512xf32>
    %mul3A_1193 = arith.mulf %mul3A_1192, %sub3A_992 : vector<8x4x512xf32>
    %convert_element_type3A_1194 = arith.extui %and3A_1163 : vector<8x4x512xi1> to vector<8x4x512xi32>
    %convert_element_type3A_1195 = arith.sitofp %convert_element_type3A_1194 : vector<8x4x512xi32> to vector<8x4x512xf32>
    %mul3A_1196 = arith.mulf %mul3A_1193, %convert_element_type3A_1195 : vector<8x4x512xf32>
    %swap3A_1197 = arith.constant 0 : index
    %swap3A_1198 = arith.constant 0 : index
    %swap3A_1199 = arith.constant 56 : index
    %swap3A_1200 = arith.constant 0 : index
    %swap3A_1201 = vector.load %arg8[%swap3A_1197, %swap3A_1198, %swap3A_1199, %swap3A_1200] : memref<1x8x64x512xi32, #tpu.memory_space<vmem>>, vector<1x8x4x512xi32>
    %swap3A_1202 = vector.shape_cast %swap3A_1201 : vector<1x8x4x512xi32> to vector<8x4x512xi32>
    %swap3A_1203 = vector.shape_cast %mul3A_1191 : vector<8x4x512xi32> to vector<1x8x4x512xi32>
    tpu.vector_store %arg8[%swap3A_1197, %swap3A_1198, %swap3A_1199, %swap3A_1200], %swap3A_1203 {strides = array<i32>} : memref<1x8x64x512xi32, #tpu.memory_space<vmem>>, vector<1x8x4x512xi32>,
    %swap3A_1204 = arith.constant 0 : index
    %swap3A_1205 = arith.constant 0 : index
    %swap3A_1206 = arith.constant 56 : index
    %swap3A_1207 = arith.constant 0 : index
    %swap3A_1208 = vector.load %arg9[%swap3A_1204, %swap3A_1205, %swap3A_1206, %swap3A_1207] : memref<1x8x64x512xf32, #tpu.memory_space<vmem>>, vector<1x8x4x512xf32>
    %swap3A_1209 = vector.shape_cast %swap3A_1208 : vector<1x8x4x512xf32> to vector<8x4x512xf32>
    %swap3A_1210 = vector.shape_cast %mul3A_1196 : vector<8x4x512xf32> to vector<1x8x4x512xf32>
    tpu.vector_store %arg9[%swap3A_1204, %swap3A_1205, %swap3A_1206, %swap3A_1207], %swap3A_1210 {strides = array<i32>} : memref<1x8x64x512xf32, #tpu.memory_space<vmem>>, vector<1x8x4x512xf32>,
    %add3A_1211 = arith.constant 1.000000e+00 : f32
    %add3A_1212 = vector.broadcast %add3A_1211 : f32 to vector<8x4x512xf32>
    %add3A_1213 = arith.addf %floor3A_989, %add3A_1212 : vector<8x4x512xf32>
    %add3A_1214 = arith.constant 1.000000e+00 : f32
    %add3A_1215 = vector.broadcast %add3A_1214 : f32 to vector<8x4x512xf32>
    %add3A_1216 = arith.addf %floor3A_990, %add3A_1215 : vector<8x4x512xf32>
    %ge3A_1217 = arith.constant 0.000000e+00 : f32
    %ge3A_1218 = vector.broadcast %ge3A_1217 : f32 to vector<8x4x512xf32>
    %ge3A_1219 = arith.cmpf oge, %add3A_1213, %ge3A_1218 : vector<8x4x512xf32>
    %le3A_1220 = arith.constant 5.000000e+00 : f32
    %le3A_1221 = vector.broadcast %le3A_1220 : f32 to vector<8x4x512xf32>
    %le3A_1222 = arith.cmpf ole, %add3A_1213, %le3A_1221 : vector<8x4x512xf32>
    %and3A_1223 = arith.andi %ge3A_1219, %le3A_1222 : vector<8x4x512xi1>
    %ge3A_1224 = arith.constant 0.000000e+00 : f32
    %ge3A_1225 = vector.broadcast %ge3A_1224 : f32 to vector<8x4x512xf32>
    %ge3A_1226 = arith.cmpf oge, %add3A_1216, %ge3A_1225 : vector<8x4x512xf32>
    %and3A_1227 = arith.andi %and3A_1223, %ge3A_1226 : vector<8x4x512xi1>
    %le3A_1228 = arith.constant 5.000000e+00 : f32
    %le3A_1229 = vector.broadcast %le3A_1228 : f32 to vector<8x4x512xf32>
    %le3A_1230 = arith.cmpf ole, %add3A_1216, %le3A_1229 : vector<8x4x512xf32>
    %and3A_1231 = arith.andi %and3A_1227, %le3A_1230 : vector<8x4x512xi1>
    %jit3A_1232 = arith.constant 0 : i32
    %jit3A_1233 = arith.constant 5 : i32
    %convert_element_type3A_1234 = arith.sitofp %jit3A_1232 : i32 to f32
    %max3A_1235 = vector.broadcast %convert_element_type3A_1234 : f32 to vector<8x4x512xf32>
    %max3A_1236 = arith.maximumf %max3A_1235, %add3A_1213 : vector<8x4x512xf32>
    %convert_element_type3A_1237 = arith.sitofp %jit3A_1233 : i32 to f32
    %min3A_1238 = vector.broadcast %convert_element_type3A_1237 : f32 to vector<8x4x512xf32>
    %min3A_1239 = arith.minimumf %min3A_1238, %max3A_1236 : vector<8x4x512xf32>
    %convert_element_type3A_1240 = arith.fptosi %min3A_1239 : vector<8x4x512xf32> to vector<8x4x512xi32>
    %jit3A_1241 = arith.constant 0 : i32
    %jit3A_1242 = arith.constant 5 : i32
    %convert_element_type3A_1243 = arith.sitofp %jit3A_1241 : i32 to f32
    %max3A_1244 = vector.broadcast %convert_element_type3A_1243 : f32 to vector<8x4x512xf32>
    %max3A_1245 = arith.maximumf %max3A_1244, %add3A_1216 : vector<8x4x512xf32>
    %convert_element_type3A_1246 = arith.sitofp %jit3A_1242 : i32 to f32
    %min3A_1247 = vector.broadcast %convert_element_type3A_1246 : f32 to vector<8x4x512xf32>
    %min3A_1248 = arith.minimumf %min3A_1247, %max3A_1245 : vector<8x4x512xf32>
    %convert_element_type3A_1249 = arith.fptosi %min3A_1248 : vector<8x4x512xf32> to vector<8x4x512xi32>
    %mul3A_1250 = arith.constant 6 : i32
    %mul3A_1251 = vector.broadcast %mul3A_1250 : i32 to vector<8x4x512xi32>
    %mul3A_1252 = arith.muli %convert_element_type3A_1249, %mul3A_1251 : vector<8x4x512xi32>
    %add3A_1253 = arith.constant 3024 : i32
    %add3A_1254 = vector.broadcast %add3A_1253 : i32 to vector<8x4x512xi32>
    %add3A_1255 = arith.addi %add3A_1254, %mul3A_1252 : vector<8x4x512xi32>
    %add3A_1256 = arith.addi %add3A_1255, %convert_element_type3A_1240 : vector<8x4x512xi32>
    %mul3A_1257 = arith.constant 17 : i32
    %mul3A_1258 = vector.broadcast %mul3A_1257 : i32 to vector<8x4x512xi32>
    %mul3A_1259 = arith.muli %add3A_1256, %mul3A_1258 : vector<8x4x512xi32>
    %mul3A_1260 = arith.mulf %squeeze3A_994, %sub3A_991 : vector<8x4x512xf32>
    %mul3A_1261 = arith.mulf %mul3A_1260, %sub3A_992 : vector<8x4x512xf32>
    %convert_element_type3A_1262 = arith.extui %and3A_1231 : vector<8x4x512xi1> to vector<8x4x512xi32>
    %convert_element_type3A_1263 = arith.sitofp %convert_element_type3A_1262 : vector<8x4x512xi32> to vector<8x4x512xf32>
    %mul3A_1264 = arith.mulf %mul3A_1261, %convert_element_type3A_1263 : vector<8x4x512xf32>
    %swap3A_1265 = arith.constant 0 : index
    %swap3A_1266 = arith.constant 0 : index
    %swap3A_1267 = arith.constant 60 : index
    %swap3A_1268 = arith.constant 0 : index
    %swap3A_1269 = vector.load %arg8[%swap3A_1265, %swap3A_1266, %swap3A_1267, %swap3A_1268] : memref<1x8x64x512xi32, #tpu.memory_space<vmem>>, vector<1x8x4x512xi32>
    %swap3A_1270 = vector.shape_cast %swap3A_1269 : vector<1x8x4x512xi32> to vector<8x4x512xi32>
    %swap3A_1271 = vector.shape_cast %mul3A_1259 : vector<8x4x512xi32> to vector<1x8x4x512xi32>
    tpu.vector_store %arg8[%swap3A_1265, %swap3A_1266, %swap3A_1267, %swap3A_1268], %swap3A_1271 {strides = array<i32>} : memref<1x8x64x512xi32, #tpu.memory_space<vmem>>, vector<1x8x4x512xi32>,
    %swap3A_1272 = arith.constant 0 : index
    %swap3A_1273 = arith.constant 0 : index
    %swap3A_1274 = arith.constant 60 : index
    %swap3A_1275 = arith.constant 0 : index
    %swap3A_1276 = vector.load %arg9[%swap3A_1272, %swap3A_1273, %swap3A_1274, %swap3A_1275] : memref<1x8x64x512xf32, #tpu.memory_space<vmem>>, vector<1x8x4x512xf32>
    %swap3A_1277 = vector.shape_cast %swap3A_1276 : vector<1x8x4x512xf32> to vector<8x4x512xf32>
    %swap3A_1278 = vector.shape_cast %mul3A_1264 : vector<8x4x512xf32> to vector<1x8x4x512xf32>
    tpu.vector_store %arg9[%swap3A_1272, %swap3A_1273, %swap3A_1274, %swap3A_1275], %swap3A_1278 {strides = array<i32>} : memref<1x8x64x512xf32, #tpu.memory_space<vmem>>, vector<1x8x4x512xf32>,
    return
  }
  func.func @transform_0(%arg0: i32, %arg1: i32) -> (i32, i32, i32) {
    %c0_i32 = arith.constant 0 : i32
    %c0_i32_0 = arith.constant 0 : i32
    return %arg0, %c0_i32, %arg1 : i32, i32, i32
  }
  func.func @transform_1(%arg0: i32, %arg1: i32) -> (i32, i32) {
    %c0_i32 = arith.constant 0 : i32
    %c0_i32_0 = arith.constant 0 : i32
    %c0_i32_1 = arith.constant 0 : i32
    return %c0_i32, %c0_i32_0 : i32, i32
  }
  func.func @transform_2(%arg0: i32, %arg1: i32) -> (i32, i32) {
    %c0_i32 = arith.constant 0 : i32
    %c0_i32_0 = arith.constant 0 : i32
    %c0_i32_1 = arith.constant 0 : i32
    return %c0_i32, %c0_i32_0 : i32, i32
  }
  func.func @transform_3(%arg0: i32, %arg1: i32) -> (i32, i32) {
    %c0_i32 = arith.constant 0 : i32
    %c0_i32_0 = arith.constant 0 : i32
    %c0_i32_1 = arith.constant 0 : i32
    return %c0_i32, %c0_i32_0 : i32, i32
  }
  func.func @transform_4(%arg0: i32, %arg1: i32) -> (i32, i32) {
    %c0_i32 = arith.constant 0 : i32
    %c0_i32_0 = arith.constant 0 : i32
    %c0_i32_1 = arith.constant 0 : i32
    return %c0_i32, %c0_i32_0 : i32, i32
  }
  func.func @transform_5(%arg0: i32, %arg1: i32) -> (i32, i32, i32, i32) {
    %c0_i32 = arith.constant 0 : i32
    %c0_i32_0 = arith.constant 0 : i32
    %c0_i32_1 = arith.constant 0 : i32
    return %arg0, %c0_i32, %c0_i32_0, %arg1 : i32, i32, i32, i32
  }
  func.func @transform_6(%arg0: i32, %arg1: i32) -> (i32, i32, i32, i32) {
    %c0_i32 = arith.constant 0 : i32
    %c0_i32_0 = arith.constant 0 : i32
    %c0_i32_1 = arith.constant 0 : i32
    return %arg0, %c0_i32, %c0_i32_0, %arg1 : i32, i32, i32, i32
  }
  func.func @transform_7(%arg0: i32, %arg1: i32) -> (i32, i32, i32, i32) {
    %c0_i32 = arith.constant 0 : i32
    %c0_i32_0 = arith.constant 0 : i32
    %c0_i32_1 = arith.constant 0 : i32
    return %arg0, %c0_i32, %c0_i32_0, %arg1 : i32, i32, i32, i32
  }
}

</mosaic_0001>

<sc_bundles>
// kernel: kernel.6.cloned.1.call-start
scs
__scs_entry_jumppad:
0x0: {  	(pc) =	sbr.rel $0x88, $3  }
0x1: {  	(tag) =	ssettag $0x0;
	lr =	simm.s32 $0x1  }
0x2: {  	[smem:$0x3F93] =	sst lr;
	_ =	strace $0xD0000000  }
0x3: {  	_ = 	snop  }
0x4: {  	_ = 	snop  }
0x5: {  	_ = 	snop  }
0x6: {  	_ = 	snop  }
0x7: {  	_ = 	snop  }
__scs_overlays_trampoline_lowered:
0x8: {  	[smem:$0x3FA2] =	sst s0  }
0x9: {  	[smem:$0x3FA3] =	sst s1  }
0xa: {  	[smem:$0x3FA4] =	sst s2  }
0xb: {  	[smem:$0x3FA5] =	sst s3  }
0xc: {  	[smem:$0x3FA6] =	sst s4  }
0xd: {  	[smem:$0x3FA7] =	sst s5  }
0xe: {  	[smem:$0x3FA8] =	sst s6  }
0xf: {  	[smem:$0x3FA9] =	sst s7  }
0x10: {  	[smem:$0x3FAA] =	sst s8  }
0x11: {  	[smem:$0x3FAB] =	sst s9;
	s0 =	simm.s32 @!p0 $0x0  }
0x12: {  	s1 =	sld [smem:$0x3F91];
	s0 =	simm.s32 @p0 $0x1  }
0x13: {  	[smem:$0x3FAC] =	sst s0;
	s0 =	simm.s32 @!p1 $0x0  }
0x14: {  	s2 =	sld [smem:$0x3F90];
	s0 =	simm.s32 @p1 $0x1  }
0x15: {  	[smem:$0x3FAD] =	sst s0;
	s0 =	simm.s32 @!p2 $0x0  }
0x16: {  	s3 =	sld [smem:$0x3FDB];
	s0 =	simm.s32 @p2 $0x1  }
0x17: {  	s4 =	simm.s32 $0x1BF5;
	[smem:$0x3FAF] =	sst s0  }
0x18: {  	s0 =	sld [smem:$0x3F92];
	_ =	swait.ge [sflag:s4], $0x0  }
0x19: {  	s7 =	sld [smem:$0x3F93]  }
0x1a: {  	s8 =	sadd.s32 $0xFFFFE003, lr  }
0x1b: {  	s9 =	sadd.s32 $0xFFFFFEF7, lr;
	s5 =	simm.s32 $0xFFFFFFFF;
	p2 =	slt.u32 s8, $0xFFFFF086  }
0x1c: {  	p1 =	slt.u32 s9, $0xF7A;
	s5 =	simm.s32 @!p2 $0x0  }
0x1d: {  	s5 =	simm.s32 @p1 $0x1;
	p0 =	seq.s32 s7, s2  }
0x1e: {  	s7 =	smul.u32 @!p0 $0xF7A, s2;
	p2 =	seq.s32 @!p0 s5, $0x0  }
0x1f: {  	s9 =	smul.u32 $0xF7A, s1;
	s8 =	simm.s32 @!p0 $0x1BF5;
	p2 =	por !p2, p0  }
0x20: {  	[sflag:s8] =	ssyncset.s32 @!p0 $0xFFFFF086;
	s6 =	sadd.s32 @!p0 s3, s7;
	s7 =	simm.s32 @!p0 $0x108  }
0x21: {  	s3 =	sadd.s32 s3, s9;
	s6 =	sadd.s32 @!p0 $0x88, s6;
	s7 =	simm.s32 @p2 $0x1082  }
0x22: {  	[simem:s7], [sflag:s8] =	dma.local @!p0 [hbm:s6], $0xF7A  }
0x23: {  	s9 =	sor.u32 $0xD0000000, s2;
	s6 =	simm.s32 $0x108;
	_ =	swait.ge @!p0 [sflag:s8], $0x0  }
0x24: {  	s3 =	sadd.s32 $0x88, s3;
	s6 =	simm.s32 @!p1 $0x1082;
	[sflag:s4] =	ssyncset.s32 $0xFFFFF086  }
0x25: {  	[simem:s6], [sflag:s4] =	dma.local [hbm:s3], $0xF7A  }
0x26: {  	[smem:$0x3F93] =	sst s1;
	(tag) =	ssettag s2;
	_ =	strace s9  }
0x27: {  	s1 =	sld [smem:$0x3FA3]  }
0x28: {  	s2 =	sld [smem:$0x3FA4]  }
0x29: {  	s4 =	sld [smem:$0x3FA6]  }
0x2a: {  	p0 =	seq.s32 s5, $0x0;
	s5 =	sld [smem:$0x3FA7]  }
0x2b: {  	s6 =	sld [smem:$0x3FA8]  }
0x2c: {  	s7 =	sld [smem:$0x3FA9]  }
0x2d: {  	s3 =	simm.s32 $0x108;
	s8 =	sld [smem:$0x3FAA]  }
0x2e: {  	s3 =	simm.s32 @!p0 $0x1082;
	s9 =	sld [smem:$0x3FAB]  }
0x2f: {  	lr =	sadd.s32 s0, s3;
	s0 =	sld [smem:$0x3FA2]  }
0x30: {  	s3 =	sld [smem:$0x3FA5]  }
0x31: {  	[smem:$0x3FAE] =	sst s10  }
0x32: {  	s10 =	sld [smem:$0x3FAC];
	_ =	sdelay $0x3  }
0x33: {  	p0 =	seq.s32 s10, $0x1;
	s10 =	sld [smem:$0x3FAE];
	_ =	sdelay $0x3  }
0x34: {  	[smem:$0x3FAE] =	sst s10  }
0x35: {  	s10 =	sld [smem:$0x3FAD];
	_ =	sdelay $0x3  }
0x36: {  	p1 =	seq.s32 s10, $0x1;
	s10 =	sld [smem:$0x3FAE];
	_ =	sdelay $0x3  }
0x37: {  	[smem:$0x3FAE] =	sst s10  }
0x38: {  	s10 =	sld [smem:$0x3FAF]  }
0x39: {  	_ = 	snop;
	(pc) =	sbr.ind lr, $3  }
0x3a: {  	_ = 	snop  }
0x3b: {  	_ = 	snop  }
0x3c: {  	p2 =	seq.s32 s10, $0x1;
	s10 =	sld [smem:$0x3FAE]  }
0x3d: {  	_ =	shalt  }
0x3e: {  	_ =	shalt  }
0x3f: {  	_ =	shalt  }
0x40: {  	_ =	shalt  }
0x41: {  	_ =	shalt  }
0x42: {  	_ =	shalt  }
0x43: {  	_ =	shalt  }
0x44: {  	_ =	shalt  }
0x45: {  	_ =	shalt  }
0x46: {  	_ =	shalt  }
0x47: {  	_ =	shalt  }
0x48: {  	_ =	shalt  }
0x49: {  	_ =	shalt  }
0x4a: {  	_ =	shalt  }
0x4b: {  	_ =	shalt  }
0x4c: {  	_ =	shalt  }
0x4d: {  	_ =	shalt  }
0x4e: {  	_ =	shalt  }
0x4f: {  	_ =	shalt  }
0x50: {  	_ =	shalt  }
0x51: {  	_ =	shalt  }
0x52: {  	_ =	shalt  }
0x53: {  	_ =	shalt  }
0x54: {  	_ =	shalt  }
0x55: {  	_ =	shalt  }
0x56: {  	_ =	shalt  }
0x57: {  	_ =	shalt  }
0x58: {  	_ =	shalt  }
0x59: {  	_ =	shalt  }
0x5a: {  	_ =	shalt  }
0x5b: {  	_ =	shalt  }
0x5c: {  	_ =	shalt  }
0x5d: {  	_ =	shalt  }
0x5e: {  	_ =	shalt  }
0x5f: {  	_ =	shalt  }
0x60: {  	_ =	shalt  }
0x61: {  	_ =	shalt  }
0x62: {  	_ =	shalt  }
0x63: {  	_ =	shalt  }
0x64: {  	_ =	shalt  }
0x65: {  	_ =	shalt  }
0x66: {  	_ =	shalt  }
0x67: {  	_ =	shalt  }
0x68: {  	_ =	shalt  }
0x69: {  	_ =	shalt  }
0x6a: {  	_ =	shalt  }
0x6b: {  	_ =	shalt  }
0x6c: {  	_ =	shalt  }
0x6d: {  	_ =	shalt  }
0x6e: {  	_ =	shalt  }
0x6f: {  	_ =	shalt  }
0x70: {  	_ =	shalt  }
0x71: {  	_ =	shalt  }
0x72: {  	_ =	shalt  }
0x73: {  	_ =	shalt  }
0x74: {  	_ =	shalt  }
0x75: {  	_ =	shalt  }
0x76: {  	_ =	shalt  }
0x77: {  	_ =	shalt  }
0x78: {  	_ =	shalt  }
0x79: {  	_ =	shalt  }
0x7a: {  	_ =	shalt  }
0x7b: {  	_ =	shalt  }
0x7c: {  	_ =	shalt  }
0x7d: {  	_ =	shalt  }
0x7e: {  	_ =	shalt  }
0x7f: {  	_ =	shalt  }
0x80: {  	_ =	shalt  }
0x81: {  	_ =	shalt  }
0x82: {  	_ =	shalt  }
0x83: {  	_ =	shalt  }
0x84: {  	_ =	shalt  }
0x85: {  	_ =	shalt  }
0x86: {  	_ =	shalt  }
0x87: {  	_ =	shalt  }
.Lfunc_end0:
.L_simem_size_0:
called_computation_lowered:
.L_overlay_start_0:
0x88: {  	s2 =	sld [smem:$0x3FD9]  }
0x89: {  	s3 =	sld [smem:$0x3FFE];
	_ =	sdelay $0x1  }
0x8a: {  	s1 =	srdreg.scid  }
0x8b: {  	s0 =	sand.u32 $0x1, s1  }
0x8c: {  	s16 =	sshll.u32 s0, $0xA;
	s2 =	sadd.s32 s3, s2  }
0x8d: {  	s2 =	sadd.s32 s2, s16  }
0x8e: {  	[smem:$0x3FBA] =	sst s2  }
0x8f: {  	_ = 	snop  }
0x90: {  	(tm) =	ssettm $0x1  }
0x91: {  	s17 =	sld [smem:$0x3FFB];
	_ =	sdelay $0x3  }
0x92: {  	_ =	strace s17  }
0x93: {  	s2 =	sld [smem:$0x3FFC];
	_ =	sdelay $0x3  }
0x94: {  	_ =	strace s2  }
0x95: {  	s2 =	sld [smem:$0x3FFD];
	_ =	sdelay $0x3  }
0x96: {  	_ =	strace s2  }
0x97: {  	_ =	strace $0x8FFFFFFF  }
0x98: {  	s18 =	sld [smem:$0x3FDB];
	_ =	sdelay $0x1  }
0x99: {  	s19 =	simm.s32 $_scs_section_size  }
0x9a: {  	s4 =	simm.s32 $_size__tile_overlayer_lowered;
	s5 =	simm.s32 $_tile_overlayer_lowered  }
0x9b: {  	s22 =	simm.s32 $0x1BFF;
	s21 =	sshll.u32 s5, $0x1;
	s2 =	sadd.s32 s19, s18  }
0x9c: {  	s6 =	simm.s32 $0x0;
	s20 =	sshll.u32 s4, $0x1;
	s4 =	sadd.s32 s21, s2  }
0x9d: {  	[timem:s6], [sflag:s22] =	dma.local [hbm:s4], s20  }
0x9e: {  	_ =	swait.ge [sflag:s22], s20  }
0x9f: {  	s3 =	ssub.s32 $0x0, s20;
	[sflag:s22] =	ssyncset.done $0x0  }
0xa0: {  	[sflag:s22] =	ssyncadd.s32 s3;
	_ =	sdelay $0x1  }
0xa1: {  	s23 =	simm.s32 $0x1B8B  }
0xa2: {  	_ =	swait.ge [sflag:s23], $0x1  }
0xa3: {  	[sflag:s23] =	ssyncset.done $0x0  }
0xa4: {  	s25 =	simm.s32 $0x1B8E;
	s24 =	sld [smem:$0x3FFE];
	[sflag:s23] =	ssyncadd.s32 $0xFFFFFFFF  }
0xa5: {  	s26 =	simm.s32 $execute0_lowered;
	[smem:$0x3FD2] =	sst s25  }
0xa6: {  	s4 =	sshll.u32 s26, $0x1;
	_ =	strace $0x80000046;
	[dreg:$0x1] =	wrdreg $0xFFFFFFFF  }
0xa7: {  	s28 =	simm.s32 $_size_execute0_lowered;
	s2 =	sadd.s32 s2, s4;
	[dreg:$0x0] =	wrdreg $0x0  }
0xa8: {  	s4 =	sshll.u32 s28, $0x1;
	[dreg:$0x2] =	wrdreg s2  }
0xa9: {  	[dreg:$0x3] =	wrdreg s4  }
0xaa: {  	[dreg:$0x4] =	wrdreg $0xC0  }
0xab: {  	_ =	task [dreg:s6], $0x5FFFF  }
0xac: {  	[dreg:$0x1] =	wrdreg $0xFFFFFFFF  }
0xad: {  	[dreg:$0x0] =	wrdreg $0x60  }
0xae: {  	[dreg:$0x2] =	wrdreg s24  }
0xaf: {  	[dreg:$0x3] =	wrdreg $0x9  }
0xb0: {  	_ =	task.clear_ibuf [dreg:s6], $0x4FFFF;
	_ =	strace $0x90000046  }
0xb1: {  	s29 =	simm.s32 $0x9;
	_ =	strace $0x80000048  }
0xb2: {  	_ =	swait.ge [sflag:s29], $0x1  }
0xb3: {  	[sflag:s29] =	ssyncadd.s32 $0xFFFFFFFF  }
0xb4: {  	_ =	strace $0x90000048  }
0xb5: {  	_ =	sfence  }
0xb6: {  	s30 =	sld [smem:$0x0];
	_ =	sdelay $0x2  }
0xb7: {  	s31 =	sshll.u32 s1, $0xD;
	s1 =	sshrl.u32 s1, $0x2  }
0xb8: {  	s3 =	sand.u32 $0x4000, s31;
	s1 =	sadd.s32 s1, s30  }
0xb9: {  	s0 =	sor.u32 s3, s0;
	s1 =	sshll.u32 s1, $0x11  }
0xba: {  	s0 =	sor.u32 s1, s0  }
0xbb: {  	s0 =	sadd.s32 $0x8F2B, s0  }
0xbc: {  	[sflag:s0] =	ssyncadd.remote.s32 $0x1  }
0xbd: {  	_ =	sfence.sel $0xFFFF  }
0xbe: {  	[dreg:$0x0] =	wrdreg $0xFFFFFFFF;
	(pc) =	sbr.abs _section_cstart, $3  }
0xbf: {  	[dreg:$0x1] =	wrdreg $0xFFFFFFFF  }
0xc0: {  	_ =	task.clear_ibuf [dreg:s6], $0x2FFFF;
	_ =	strace $0x9FFFFFFF  }
0xc1: {  	(tm) =	ssettm $0x7FFFFFFF  }
tec
execute0_lowered:
.L_overlay_start_1:
0x0: {  	(tag) =	ssettag $0x1  }
0x1: {  	s1 =	srdreg.scid;
	s0 =	stileid.u32  }
0x2: {  	s8 =	rddreg [dreg:$0x0];
	s13 =	simm.s32 $0x400;
	s7 =	sand.u32 $0x1, s1  }
0x3: {  	s14 =	simm.s32 $0xCB80;
	s15 =	simm.s32 $0x6000;
	s1 =	sor.u32 s7, s0  }
0x4: {  	s16 =	simm.s32 $0x1D700;
	p1 =	seq.s32 s7, $0x1;
	p0 =	seq.s32 s1, $0x0  }
0x5: {  	s17 =	simm.s32 $0x0;
	s6 =	sadd.s32 $0xC9400, s8;
	p0 =	por !p0, !p1  }
0x6: {  	s31 =	sshll.u32 s7, $0x8;
	s1 =	simm.s32 $0x1;
	p0 =	por !p0, !p0  }
0x7: {  	s10 =	ssub.s32 $0x2, s7;
	s12 =	smul.u32 $0x18000, s7;
	s1 =	simm.s32 @!p0 $0x0  }
0x8: {  	s7 =	sadd.s32 $0x129400, s8;
	s11 =	sshrl.u32 s10, $0x1;
	s5 =	ssub.s32 s0, s1  }
0x9: {  	s1 =	sshrl.u32 s5, $0x1;
	s2 =	sshll.u32 s5, $0x9;
	s5 =	smul.u32 $0x30000, s5  }
0xa: {  	s11 =	ssub.s32 s10, s11;
	s3 =	smul.u32 $0x65C00, s1;
	s2 =	sand.u32 $0x200, s2  }
0xb: {  	s11 =	smax.u32 s11, $0x1;
	s1 =	rddreg [dreg:$0x1];
	s4 =	sor.u32 s31, s2  }
0xc: {  	s2 =	simm.s32 $0x0;
	s10 =	sadd.s32 s12, s5;
	s3 =	sor.u32 s4, s3  }
0xd: {  	s12 =	simm.s32 $0x80;
	[smem:$0x7FF] =	sst s2;
	s4 =	sshrl.u32 s3, $0x3  }
0xe: {  	_ =	strace $0x80000047;
	s3 =	simm.s32 $0x1;
	s9 =	sadd.s32 s4, s8  }
0xf: {  	s4 =	sadd.s32 $0x69400, s8;
	s8 =	sadd.s32 $0x3800, s9;
	s9 =	sadd.s32 $0x3810, s9  }
.LBB2_1:
0x10: {  	[tilespmem:s2], [sflag:$0x1] =	stream.strided.gather [hbm4b:s8+s12], $0xCB80, s13, s12, $0x38;
	[tilespmem:$0x1E700] =	vst v63  }
0x11: {  	_ =	swait.ge [sflag:s3], $0xCB80  }
0x12: {  	[sflag:s3] =	ssyncset.done $0x0  }
0x13: {  	[sflag:s3] =	ssyncadd.s32 $0xFFFF3480  }
0x14: {  	[tilespmem:s14], [sflag:$0x1] =	stream.strided.gather [hbm4b:s9+s12], $0xCB80, s13, s12, $0x38;
	[tilespmem:$0x1E700] =	vst v63  }
0x15: {  	_ =	swait.ge [sflag:s3], $0xCB80  }
0x16: {  	[sflag:s3] =	ssyncset.done $0x0  }
0x17: {  	s18 =	simm.s32 $0x0;
	[sflag:s3] =	ssyncadd.s32 $0xFFFF3480  }
.LBB2_2:
0x18: {  	s19 =	sshll.u32 s18, $0xA  }
0x19: {  	s20 =	sor.u32 s5, s19  }
0x1a: {  	s21 =	sshrl.u32 s20, $0x3  }
0x1b: {  	s20 =	simm.s32 $0x19700;
	s22 =	sadd.s32 s4, s21  }
0x1c: {  	[tilespmem:s20], [sflag:$0x1] =	stream.strided.gather [hbm4b:s22+s13], $0x2000, s15, s13, $0x38;
	[tilespmem:$0x1E700] =	vst v63  }
0x1d: {  	_ =	swait.ge [sflag:s3], $0x2000  }
0x1e: {  	[sflag:s3] =	ssyncset.done $0x0  }
0x1f: {  	s31 =	sadd.s32 s6, s21;
	s21 =	simm.s32 $0x1B700;
	[sflag:s3] =	ssyncadd.s32 $0xFFFFE000  }
0x20: {  	[tilespmem:s21], [sflag:$0x1] =	stream.strided.gather [hbm4b:s31+s13], $0x2000, s15, s13, $0x38;
	[tilespmem:$0x1E700] =	vst v63  }
0x21: {  	_ =	swait.ge [sflag:s3], $0x2000  }
0x22: {  	[sflag:s3] =	ssyncset.done $0x0  }
0x23: {  	s22 =	simm.s32 $0x0;
	[sflag:s3] =	ssyncadd.s32 $0xFFFFE000  }
.LBB2_3:
0x24: {  	v31 =	vmov s20;
	_ =	sdelay $0x3  }
0x25: {  	s23 =	simm.s32 $0x0  }
0x26: {  	v0 =	vld.idx.msk [tilespmem:v31+s23+$0x0 ss:$0x1], $0xffff;
	_ =	sdelay $0x1  }
0x27: {  	v29 =	vmov s21;
	_ =	sdelay $0x2  }
0x28: {  	v3 =	vadd.s32 $0xF, v0  }
0x29: {  	v4 =	vadd.s32 $0x1, v0  }
0x2a: {  	v1 =	vld.idx.msk [tilespmem:v29+s23+$0x0 ss:$0x1], $0xffff;
	v5 =	vadd.s32 $0x2, v0  }
0x2b: {  	v6 =	vadd.s32 $0x3, v0;
	v2 =	vld.idx.msk [tilespmem:v0+s2+$0x0], $0xffff  }
0x2c: {  	v8 =	vadd.s32 $0x4, v0;
	v7 =	vld.idx.msk [tilespmem:v0+s14+$0x0], $0xffff  }
0x2d: {  	v9 =	vadd.s32 $0x5, v0;
	v10 =	vld.idx.msk [tilespmem:v3+s14+$0x0], $0xffff  }
0x2e: {  	v42 =	vadd.s32 $0x6, v0;
	v11 =	vld.idx.msk [tilespmem:v4+s2+$0x0], $0xffff  }
0x2f: {  	v43 =	vadd.s32 $0x7, v0;
	v12 =	vld.idx.msk [tilespmem:v5+s2+$0x0], $0xffff  }
0x30: {  	v40 =	vadd.s32 $0x8, v0;
	v13 =	vld.idx.msk [tilespmem:v6+s2+$0x0], $0xffff  }
0x31: {  	v14 =	vld.idx.msk [tilespmem:v8+s2+$0x0], $0xffff  }
0x32: {  	v15 =	vld.idx.msk [tilespmem:v9+s2+$0x0], $0xffff  }
0x33: {  	v16 =	vld.idx.msk [tilespmem:v42+s2+$0x0], $0xffff  }
0x34: {  	v18 =	vld.idx.msk [tilespmem:v43+s2+$0x0], $0xffff  }
0x35: {  	v19 =	vld.idx.msk [tilespmem:v40+s2+$0x0], $0xffff  }
0x36: {  	v17 =	vimm.f32 $0.0e+00;
	v34 =	vimm.f32 $0.0e+00;
	v33 =	vimm.f32 $0.0e+00;
	v3 =	vld.idx.msk [tilespmem:v3+s2+$0x0], $0xffff  }
0x37: {  	v32 =	vimm.f32 $0.0e+00;
	v30 =	vimm.f32 $0.0e+00;
	v41 =	vadd.s32 $0x9, v0;
	v4 =	vld.idx.msk [tilespmem:v4+s14+$0x0], $0xffff  }
0x38: {  	v39 =	vadd.s32 $0xA, v0;
	v37 =	vadd.s32 $0xB, v0;
	v38 =	vadd.s32 $0xC, v0;
	v46 =	vld.idx.msk [tilespmem:v5+s14+$0x0], $0xffff  }
0x39: {  	v36 =	vadd.s32 $0xD, v0;
	v35 =	vadd.s32 $0xE, v0;
	v45 =	vld.idx.msk [tilespmem:v9+s14+$0x0], $0xffff;
	v9 =	vimm.f32 $0.0e+00  }
0x3a: {  	v44 =	vld.idx.msk [tilespmem:v8+s14+$0x0], $0xffff;
	v8 =	vimm.f32 $0.0e+00;
	v5 =	vimm.f32 $0.0e+00;
	v0 =	vmul.f32 v2, v1  }
0x3b: {  	v47 =	vld.idx.msk [tilespmem:v6+s14+$0x0], $0xffff;
	v6 =	vimm.f32 $0.0e+00;
	v2 =	vmul.f32 v7, v1;
	v7 =	vmul.f32 v10, v1  }
0x3c: {  	v20 =	vld.idx.msk [tilespmem:v41+s2+$0x0], $0xffff;
	v23 =	vadd.f32 v0, v17;
	v11 =	vmul.f32 v11, v1;
	v12 =	vmul.f32 v12, v1  }
0x3d: {  	v10 =	vld.idx.msk [tilespmem:v39+s2+$0x0], $0xffff;
	v2 =	vadd.f32 v2, v17;
	v48 =	vmul.f32 v3, v1;
	v49 =	vmul.f32 v4, v1  }
0x3e: {  	v27 =	vld.idx.msk [tilespmem:v35+s2+$0x0], $0xffff;
	v4 =	vimm.f32 $0.0e+00;
	v0 =	vadd.f32 v7, v17;
	v7 =	vmul.f32 v13, v1  }
0x3f: {  	v3 =	vimm.f32 $0.0e+00;
	v13 =	vld.idx.msk [tilespmem:v38+s2+$0x0], $0xffff;
	v28 =	vadd.f32 v11, v17;
	v11 =	vmul.f32 v14, v1  }
0x40: {  	v24 =	vadd.f32 v12, v17;
	v12 =	vld.idx.msk [tilespmem:v36+s2+$0x0], $0xffff;
	v14 =	vmul.f32 v16, v1;
	v25 =	vadd.f32 v7, v17  }
0x41: {  	v21 =	vld.idx.msk [tilespmem:v37+s2+$0x0], $0xffff;
	v7 =	vmul.f32 v15, v1;
	v26 =	vadd.f32 v11, v17;
	v11 =	vmul.f32 v18, v1  }
0x42: {  	v15 =	vmul.f32 v19, v1;
	v19 =	vadd.f32 v14, v17;
	v10 =	vmul.f32 v10, v1  }
0x43: {  	v22 =	vadd.f32 v7, v17;
	v7 =	vmul.f32 v20, v1;
	v20 =	vadd.f32 v11, v17  }
0x44: {  	v18 =	vadd.f32 v15, v17;
	v11 =	vmul.f32 v13, v1;
	v15 =	vadd.f32 v10, v17  }
0x45: {  	v10 =	vmul.f32 v12, v1;
	v12 =	vmul.f32 v27, v1;
	v27 =	vimm.f32 $0.0e+00  }
0x46: {  	v16 =	vadd.f32 v7, v17;
	v7 =	vmul.f32 v21, v1;
	v13 =	vadd.f32 v11, v17  }
0x47: {  	v42 =	vld.idx.msk [tilespmem:v42+s14+$0x0], $0xffff;
	v21 =	vimm.f32 $0.0e+00;
	v11 =	vadd.f32 v10, v17;
	v10 =	vadd.f32 v12, v17  }
0x48: {  	s25 =	simm.s32 $0x80;
	s24 =	simm.s32 $0x400;
	s23 =	sshll.u32 s22, $0x4;
	v43 =	vld.idx.msk [tilespmem:v43+s14+$0x0], $0xffff;
	v12 =	vimm.f32 $0.0e+00;
	v14 =	vadd.f32 v7, v17;
	v7 =	vimm.f32 $0.0e+00  }
.LBB2_4:
0x49: {  	p0 =	sne.s32 s24, $0x7E00;
	v50 =	vld.idx.msk [tilespmem:v31+s25+$0x0 ss:$0x1], $0xffff;
	v17 =	vadd.f32 v48, v17;
	v46 =	vmul.f32 v46, v1  }
0x4a: {  	v47 =	vmul.f32 v47, v1;
	v34 =	vadd.f32 v49, v34;
	v48 =	vld.idx.msk [tilespmem:v40+s14+$0x0], $0xffff  }
0x4b: {  	v40 =	vmul.f32 v44, v1;
	v33 =	vadd.f32 v46, v33;
	v44 =	vld.idx.msk [tilespmem:v41+s14+$0x0], $0xffff  }
0x4c: {  	v32 =	vadd.f32 v47, v32;
	v41 =	vmul.f32 v45, v1;
	v45 =	vld.idx.msk [tilespmem:v39+s14+$0x0], $0xffff  }
0x4d: {  	v30 =	vadd.f32 v40, v30;
	v42 =	vmul.f32 v42, v1;
	v46 =	vld.idx.msk [tilespmem:v37+s14+$0x0], $0xffff  }
0x4e: {  	v27 =	vadd.f32 v41, v27;
	v43 =	vmul.f32 v43, v1;
	v47 =	vld.idx.msk [tilespmem:v38+s14+$0x0], $0xffff  }
0x4f: {  	v49 =	vadd.s32 $0x1, v50;
	v51 =	vadd.s32 $0x2, v50;
	v52 =	vadd.s32 $0xF, v50;
	v53 =	vld.idx.msk [tilespmem:v36+s14+$0x0], $0xffff  }
0x50: {  	v54 =	vadd.s32 $0x3, v50;
	v55 =	vadd.s32 $0x4, v50;
	v56 =	vadd.s32 $0x5, v50;
	v57 =	vld.idx.msk [tilespmem:v35+s14+$0x0], $0xffff  }
0x51: {  	v58 =	vadd.s32 $0x6, v50;
	v59 =	vadd.s32 $0x7, v50;
	v40 =	vadd.s32 $0x8, v50;
	v60 =	vld.idx.msk [tilespmem:v50+s2+$0x0], $0xffff  }
0x52: {  	v41 =	vadd.s32 $0x9, v50;
	v39 =	vadd.s32 $0xA, v50;
	v37 =	vadd.s32 $0xB, v50;
	v61 =	vld.idx.msk [tilespmem:v50+s14+$0x0], $0xffff  }
0x53: {  	v38 =	vadd.s32 $0xC, v50;
	v36 =	vadd.s32 $0xD, v50;
	v35 =	vadd.s32 $0xE, v50;
	v62 =	vld.idx.msk [tilespmem:v29+s25+$0x0 ss:$0x1], $0xffff  }
0x54: {  	v21 =	vadd.f32 v42, v21;
	v42 =	vmul.f32 v48, v1;
	v44 =	vmul.f32 v44, v1;
	v50 =	vld.idx.msk [tilespmem:v52+s14+$0x0], $0xffff  }
0x55: {  	v12 =	vadd.f32 v43, v12;
	v43 =	vmul.f32 v45, v1;
	v45 =	vmul.f32 v46, v1;
	v48 =	vld.idx.msk [tilespmem:v49+s2+$0x0], $0xffff  }
0x56: {  	v9 =	vadd.f32 v42, v9;
	v42 =	vmul.f32 v47, v1;
	v47 =	vmul.f32 v53, v1;
	v46 =	vld.idx.msk [tilespmem:v51+s2+$0x0], $0xffff  }
0x57: {  	v8 =	vadd.f32 v44, v8;
	v7 =	vadd.f32 v43, v7;
	v57 =	vmul.f32 v57, v1;
	v53 =	vld.idx.msk [tilespmem:v54+s2+$0x0], $0xffff  }
0x58: {  	v5 =	vadd.f32 v45, v5;
	v6 =	vadd.f32 v42, v6;
	v43 =	vld.idx.msk [tilespmem:v55+s2+$0x0], $0xffff  }
0x59: {  	v4 =	vadd.f32 v47, v4;
	v42 =	vmul.f32 v60, v62;
	v45 =	vmul.f32 v61, v62;
	v44 =	vld.idx.msk [tilespmem:v56+s2+$0x0], $0xffff  }
0x5a: {  	v3 =	vadd.f32 v57, v3;
	v1 =	vmov v62;
	v50 =	vmul.f32 v50, v62;
	v47 =	vld.idx.msk [tilespmem:v58+s2+$0x0], $0xffff  }
0x5b: {  	v23 =	vadd.f32 v42, v23;
	v42 =	vmul.f32 v48, v1;
	v2 =	vadd.f32 v45, v2;
	v48 =	vld.idx.msk [tilespmem:v59+s2+$0x0], $0xffff  }
0x5c: {  	v45 =	vmul.f32 v46, v1;
	v0 =	vadd.f32 v50, v0;
	v46 =	vld.idx.msk [tilespmem:v40+s2+$0x0], $0xffff  }
0x5d: {  	v28 =	vadd.f32 v42, v28;
	v42 =	vmul.f32 v53, v1;
	v50 =	vld.idx.msk [tilespmem:v41+s2+$0x0], $0xffff  }
0x5e: {  	v24 =	vadd.f32 v45, v24;
	v43 =	vmul.f32 v43, v1;
	v45 =	vld.idx.msk [tilespmem:v39+s2+$0x0], $0xffff  }
0x5f: {  	v25 =	vadd.f32 v42, v25;
	v42 =	vmul.f32 v44, v1;
	v44 =	vld.idx.msk [tilespmem:v37+s2+$0x0], $0xffff  }
0x60: {  	v26 =	vadd.f32 v43, v26;
	v43 =	vmul.f32 v47, v1;
	v47 =	vld.idx.msk [tilespmem:v38+s2+$0x0], $0xffff  }
0x61: {  	v22 =	vadd.f32 v42, v22;
	v42 =	vmul.f32 v48, v1;
	v48 =	vld.idx.msk [tilespmem:v36+s2+$0x0], $0xffff  }
0x62: {  	v19 =	vadd.f32 v43, v19;
	v43 =	vmul.f32 v46, v1;
	v53 =	vld.idx.msk [tilespmem:v35+s2+$0x0], $0xffff  }
0x63: {  	v20 =	vadd.f32 v42, v20;
	v42 =	vmul.f32 v50, v1;
	v50 =	vld.idx.msk [tilespmem:v52+s2+$0x0], $0xffff  }
0x64: {  	v18 =	vadd.f32 v43, v18;
	v43 =	vmul.f32 v45, v1;
	v49 =	vld.idx.msk [tilespmem:v49+s14+$0x0], $0xffff  }
0x65: {  	v16 =	vadd.f32 v42, v16;
	v42 =	vmul.f32 v44, v1;
	v46 =	vld.idx.msk [tilespmem:v51+s14+$0x0], $0xffff  }
.Ltmp0:
0x66: {  	v15 =	vadd.f32 v43, v15;
	v43 =	vmul.f32 v47, v1;
	v47 =	vld.idx.msk [tilespmem:v54+s14+$0x0], $0xffff;
	(pc) =	sbr.rel @p0 .LBB2_4-.Ltmp0, $4  }
0x67: {  	v14 =	vadd.f32 v42, v14;
	v42 =	vmul.f32 v48, v1;
	v44 =	vld.idx.msk [tilespmem:v55+s14+$0x0], $0xffff  }
0x68: {  	v13 =	vadd.f32 v43, v13;
	v43 =	vmul.f32 v53, v1;
	v45 =	vld.idx.msk [tilespmem:v56+s14+$0x0], $0xffff  }
0x69: {  	v11 =	vadd.f32 v42, v11;
	v48 =	vmul.f32 v50, v1;
	v42 =	vld.idx.msk [tilespmem:v58+s14+$0x0], $0xffff  }
0x6a: {  	s25 =	sshra.s32 s24, $0x2;
	s24 =	sadd.s32 $0x200, s24;
	v10 =	vadd.f32 v43, v10;
	v49 =	vmul.f32 v49, v1;
	v43 =	vld.idx.msk [tilespmem:v59+s14+$0x0], $0xffff  }
0x6b: {  	_ =	sdelay $0x3  }
0x6c: {  	v40 =	vld.idx.msk [tilespmem:v40+s14+$0x0], $0xffff;
	_ =	sdelay $0x4  }
0x6d: {  	v50 =	vld.idx.msk [tilespmem:v31+s25+$0x0 ss:$0x1], $0xffff;
	[tilespmem:$0x1FF10] =	vst v40  }
0x6e: {  	v31 =	vld.idx.msk [tilespmem:v41+s14+$0x0], $0xffff;
	_ =	sdelay $0x4  }
0x6f: {  	[tilespmem:$0x1FF20] =	vst v31  }
0x70: {  	v31 =	vld.idx.msk [tilespmem:v39+s14+$0x0], $0xffff;
	_ =	sdelay $0x4  }
0x71: {  	[tilespmem:$0x1FF50] =	vst v31  }
0x72: {  	v31 =	vld.idx.msk [tilespmem:v37+s14+$0x0], $0xffff;
	_ =	sdelay $0x4  }
0x73: {  	[tilespmem:$0x1FF60] =	vst v31  }
0x74: {  	v31 =	vld.idx.msk [tilespmem:v38+s14+$0x0], $0xffff;
	_ =	sdelay $0x4  }
0x75: {  	[tilespmem:$0x1FF70] =	vst v31  }
0x76: {  	v31 =	vld.idx.msk [tilespmem:v36+s14+$0x0], $0xffff;
	_ =	sdelay $0x4  }
0x77: {  	[tilespmem:$0x1FF80] =	vst v31  }
0x78: {  	v31 =	vld.idx.msk [tilespmem:v35+s14+$0x0], $0xffff  }
0x79: {  	v52 =	vadd.s32 $0xF, v50;
	_ =	sdelay $0x3  }
0x7a: {  	[tilespmem:$0x1FFB0] =	vst v31  }
0x7b: {  	v31 =	vld.idx.msk [tilespmem:v52+s14+$0x0], $0xffff;
	_ =	sdelay $0x1  }
0x7c: {  	v41 =	vadd.s32 $0x1, v50  }
0x7d: {  	v53 =	vadd.s32 $0x2, v50  }
0x7e: {  	v54 =	vadd.s32 $0x3, v50  }
0x7f: {  	v55 =	vadd.s32 $0x4, v50;
	v29 =	vld.idx.msk [tilespmem:v29+s25+$0x0 ss:$0x1], $0xffff;
	[tilespmem:$0x1FFF0] =	vst v31  }
0x80: {  	v56 =	vadd.s32 $0x5, v50;
	v31 =	vld.idx.msk [tilespmem:v52+s2+$0x0], $0xffff  }
0x81: {  	v57 =	vld.idx.msk [tilespmem:v41+s2+$0x0], $0xffff  }
0x82: {  	v58 =	vld.idx.msk [tilespmem:v53+s2+$0x0], $0xffff  }
0x83: {  	v59 =	vld.idx.msk [tilespmem:v54+s2+$0x0], $0xffff  }
0x84: {  	v60 =	vld.idx.msk [tilespmem:v55+s2+$0x0], $0xffff  }
0x85: {  	v61 =	vld.idx.msk [tilespmem:v56+s2+$0x0], $0xffff;
	[tilespmem:$0x1FF00] =	vst v31  }
0x86: {  	v31 =	vld.idx.msk [tilespmem:v41+s14+$0x0], $0xffff;
	_ =	sdelay $0x4  }
0x87: {  	[tilespmem:$0x1FF30] =	vst v31  }
0x88: {  	v31 =	vld.idx.msk [tilespmem:v53+s14+$0x0], $0xffff;
	_ =	sdelay $0x3  }
0x89: {  	v53 =	vadd.s32 $0x8, v50  }
0x8a: {  	v62 =	vadd.s32 $0x6, v50;
	[tilespmem:$0x1FF40] =	vst v31  }
0x8b: {  	v54 =	vld.idx.msk [tilespmem:v54+s14+$0x0], $0xffff  }
0x8c: {  	v63 =	vadd.s32 $0x7, v50;
	v55 =	vld.idx.msk [tilespmem:v55+s14+$0x0], $0xffff  }
0x8d: {  	v56 =	vld.idx.msk [tilespmem:v56+s14+$0x0], $0xffff  }
0x8e: {  	v36 =	vld.idx.msk [tilespmem:v53+s14+$0x0], $0xffff  }
0x8f: {  	v31 =	vadd.s32 $0x9, v50;
	v38 =	vld.idx.msk [tilespmem:v62+s2+$0x0], $0xffff  }
0x90: {  	v62 =	vld.idx.msk [tilespmem:v62+s14+$0x0], $0xffff  }
0x91: {  	v39 =	vld.idx.msk [tilespmem:v63+s2+$0x0], $0xffff  }
0x92: {  	v63 =	vld.idx.msk [tilespmem:v63+s14+$0x0], $0xffff  }
0x93: {  	v40 =	vld.idx.msk [tilespmem:v53+s2+$0x0], $0xffff;
	[tilespmem:$0x1FF90] =	vst v36  }
0x94: {  	v51 =	vld.idx.msk [tilespmem:v31+s2+$0x0], $0xffff  }
0x95: {  	v31 =	vld.idx.msk [tilespmem:v31+s14+$0x0], $0xffff  }
0x96: {  	v35 =	vadd.s32 $0xA, v50;
	_ =	sdelay $0x3  }
0x97: {  	[tilespmem:$0x1FFA0] =	vst v31  }
0x98: {  	v31 =	vld.idx.msk [tilespmem:v35+s14+$0x0], $0xffff  }
0x99: {  	v36 =	vadd.s32 $0xB, v50;
	_ =	sdelay $0x3  }
0x9a: {  	v52 =	vld.idx.msk [tilespmem:v35+s2+$0x0], $0xffff;
	[tilespmem:$0x1FFC0] =	vst v31  }
0x9b: {  	v41 =	vld.idx.msk [tilespmem:v36+s2+$0x0], $0xffff  }
0x9c: {  	v36 =	vld.idx.msk [tilespmem:v36+s14+$0x0], $0xffff  }
0x9d: {  	v31 =	vadd.s32 $0xC, v50;
	_ =	sdelay $0x2  }
0x9e: {  	v37 =	vld.idx.msk [tilespmem:v50+s2+$0x0], $0xffff  }
0x9f: {  	v53 =	vld.idx.msk [tilespmem:v50+s14+$0x0], $0xffff;
	[tilespmem:$0x1FFD0] =	vst v36  }
0xa0: {  	v36 =	vld.idx.msk [tilespmem:v31+s2+$0x0], $0xffff  }
0xa1: {  	v31 =	vld.idx.msk [tilespmem:v31+s14+$0x0], $0xffff  }
0xa2: {  	v35 =	vadd.s32 $0xD, v50;
	_ =	sdelay $0x1  }
0xa3: {  	v50 =	vadd.s32 $0xE, v50;
	_ =	sdelay $0x1  }
0xa4: {  	v37 =	vmul.f32 v37, v29;
	[tilespmem:$0x1FFE0] =	vst v31  }
0xa5: {  	v17 =	vadd.f32 v48, v17;
	v57 =	vmul.f32 v57, v29;
	v31 =	vld.idx.msk [tilespmem:v35+s2+$0x0], $0xffff  }
0xa6: {  	v34 =	vadd.f32 v49, v34;
	v23 =	vadd.f32 v37, v23;
	v37 =	vmul.f32 v58, v29;
	v35 =	vld.idx.msk [tilespmem:v35+s14+$0x0], $0xffff  }
0xa7: {  	v59 =	vmul.f32 v59, v29;
	v28 =	vadd.f32 v57, v28;
	v57 =	vmul.f32 v60, v29;
	v58 =	vld.idx.msk [tilespmem:v50+s2+$0x0], $0xffff  }
0xa8: {  	v60 =	vmul.f32 v61, v29;
	v24 =	vadd.f32 v37, v24;
	v50 =	vld.idx.msk [tilespmem:v50+s14+$0x0], $0xffff;
	[tilespmem:s23+$0x1D700] =	vst v23  }
0xa9: {  	v48 =	vmul.f32 v45, v1;
	v25 =	vadd.f32 v59, v25;
	v38 =	vmul.f32 v38, v29;
	[tilespmem:s23+$0x1D780] =	vst v28  }
0xaa: {  	v61 =	vmul.f32 v47, v1;
	v22 =	vadd.f32 v60, v22;
	v39 =	vmul.f32 v39, v29;
	[tilespmem:s23+$0x1D800] =	vst v24  }
0xab: {  	v40 =	vmul.f32 v40, v29;
	v19 =	vadd.f32 v38, v19;
	v47 =	vmul.f32 v51, v29;
	[tilespmem:s23+$0x1D880] =	vst v25  }
0xac: {  	v59 =	vmul.f32 v46, v1;
	v20 =	vadd.f32 v39, v20;
	v49 =	vmul.f32 v52, v29;
	[tilespmem:s23+$0x1D980] =	vst v22  }
0xad: {  	v18 =	vadd.f32 v40, v18;
	v16 =	vadd.f32 v47, v16;
	v51 =	vmul.f32 v41, v29;
	[tilespmem:s23+$0x1DA00] =	vst v19  }
0xae: {  	v52 =	vmul.f32 v42, v1;
	v42 =	vmul.f32 v55, v29;
	v55 =	vld [tilespmem:$0x1FFB0];
	v15 =	vadd.f32 v49, v15;
	[tilespmem:s23+$0x1DA80] =	vst v20  }
0xaf: {  	v46 =	vmul.f32 v44, v1;
	v14 =	vadd.f32 v51, v14;
	v37 =	vld [tilespmem:$0x1FF40];
	v23 =	vadd.f32 v57, v26;
	[tilespmem:s23+$0x1DB00] =	vst v18  }
0xb0: {  	v28 =	vadd.f32 v59, v33;
	v57 =	vmul.f32 v36, v29;
	v59 =	vadd.f32 v48, v27;
	[tilespmem:s23+$0x1DB80] =	vst v16;
	v27 =	vld [tilespmem:$0x1FF00]  }
0xb1: {  	v40 =	vmul.f32 v54, v29;
	v24 =	vadd.f32 v61, v32;
	v22 =	vadd.f32 v46, v30;
	[tilespmem:s23+$0x1DC00] =	vst v15;
	v30 =	vld [tilespmem:$0x1FF10]  }
0xb2: {  	v45 =	vmul.f32 v56, v29;
	v61 =	vmul.f32 v43, v1;
	[tilespmem:s23+$0x1DC80] =	vst v14;
	v32 =	vld [tilespmem:$0x1FF20];
	v13 =	vadd.f32 v57, v13  }
0xb3: {  	v26 =	vadd.f32 v52, v21;
	v33 =	vld [tilespmem:$0x1FF30];
	v48 =	vmul.f32 v62, v29;
	[tilespmem:s23+$0x1D900] =	vst v23;
	v44 =	vadd.f32 v40, v24  }
0xb4: {  	v46 =	vld [tilespmem:$0x1FF70];
	v36 =	vadd.f32 v61, v12;
	v12 =	vmul.f32 v37, v29;
	v47 =	vadd.f32 v42, v22;
	[tilespmem:s23+$0x1DD00] =	vst v13  }
0xb5: {  	v38 =	vld [tilespmem:$0x1FF50];
	v56 =	vmul.f32 v55, v1;
	v52 =	vadd.f32 v48, v26;
	[tilespmem:s23+$0x1E080] =	vst v44;
	v60 =	vmul.f32 v31, v29  }
0xb6: {  	v49 =	vld [tilespmem:$0x1FF80];
	v51 =	vmul.f32 v63, v29;
	v12 =	vadd.f32 v12, v28;
	[tilespmem:s23+$0x1E100] =	vst v47;
	v25 =	vmul.f32 v58, v29  }
0xb7: {  	v41 =	vld [tilespmem:$0x1FF60];
	[tilespmem:s23+$0x1E200] =	vst v52;
	v19 =	vmul.f32 v27, v29;
	v14 =	vmul.f32 v30, v1;
	v11 =	vadd.f32 v60, v11  }
0xb8: {  	v31 =	vmul.f32 v53, v29;
	v21 =	vmul.f32 v33, v29;
	v53 =	vld [tilespmem:$0x1FF90];
	[tilespmem:s23+$0x1E000] =	vst v12;
	v10 =	vadd.f32 v25, v10  }
0xb9: {  	v54 =	vld [tilespmem:$0x1FFA0];
	v13 =	vmul.f32 v32, v1;
	v16 =	vmul.f32 v46, v1;
	v17 =	vadd.f32 v19, v17;
	[tilespmem:s23+$0x1DD80] =	vst v11  }
0xba: {  	v57 =	vld [tilespmem:$0x1FFC0];
	v62 =	vmul.f32 v50, v29;
	v2 =	vadd.f32 v31, v2;
	v39 =	vadd.f32 v21, v34;
	[tilespmem:s23+$0x1DE00] =	vst v10  }
0xbb: {  	v58 =	vld [tilespmem:$0x1FFD0];
	v12 =	vmul.f32 v49, v1;
	v43 =	vadd.f32 v14, v9;
	v14 =	vadd.f32 v45, v59;
	[tilespmem:s23+$0x1DE80] =	vst v17  }
0xbc: {  	v10 =	vmul.f32 v38, v1;
	v17 =	vmul.f32 v41, v1;
	[tilespmem:s23+$0x1DF00] =	vst v2;
	v1 =	vadd.f32 v56, v3  }
0xbd: {  	v8 =	vadd.f32 v13, v8;
	v59 =	vld [tilespmem:$0x1FFE0];
	[tilespmem:s23+$0x1DF80] =	vst v39;
	v11 =	vadd.f32 v51, v36;
	v13 =	vmul.f32 v53, v29  }
0xbe: {  	v63 =	vld [tilespmem:$0x1FFF0];
	[tilespmem:s23+$0x1E180] =	vst v14;
	v7 =	vadd.f32 v10, v7;
	v10 =	vmul.f32 v54, v29;
	v1 =	vadd.f32 v62, v1  }
0xbf: {  	v14 =	vmul.f32 v57, v29;
	[tilespmem:s23+$0x1E280] =	vst v11;
	v2 =	vadd.f32 v13, v43  }
0xc0: {  	v9 =	vmul.f32 v58, v29;
	v5 =	vadd.f32 v17, v5;
	v8 =	vadd.f32 v10, v8;
	[tilespmem:s23+$0x1E600] =	vst v1  }
0xc1: {  	s22 =	sadd.s32 $0x1, s22;
	v61 =	vmul.f32 v35, v29;
	v60 =	vadd.f32 v12, v4;
	v7 =	vadd.f32 v14, v7;
	[tilespmem:s23+$0x1E300] =	vst v2  }
0xc2: {  	p0 =	sne.s32 s22, $0x8;
	v6 =	vadd.f32 v16, v6;
	v10 =	vmul.f32 v59, v29;
	v5 =	vadd.f32 v9, v5;
	[tilespmem:s23+$0x1E380] =	vst v8  }
.Ltmp1:
0xc3: {  	v2 =	vadd.f32 v61, v60;
	[tilespmem:s23+$0x1E400] =	vst v7;
	v7 =	vmul.f32 v63, v29;
	(pc) =	sbr.rel @p0 .LBB2_3-.Ltmp1, $4  }
0xc4: {  	v6 =	vadd.f32 v10, v6;
	[tilespmem:s23+$0x1E480] =	vst v5  }
0xc5: {  	[tilespmem:s23+$0x1E580] =	vst v2;
	v0 =	vadd.f32 v7, v0  }
0xc6: {  	[tilespmem:s23+$0x1E500] =	vst v6  }
0xc7: {  	s21 =	sadd.s32 $0x10, s21;
	s20 =	sadd.s32 $0x10, s20;
	[tilespmem:s23+$0x1E680] =	vst v0  }
0xc8: {  	s19 =	sadd.s32 s10, s19;
	s18 =	sadd.s32 $0x1, s18  }
0xc9: {  	s19 =	sshrl.u32 s19, $0x3;
	p0 =	sne.s32 s18, $0x18  }
.Ltmp2:
0xca: {  	s19 =	sadd.s32 s7, s19;
	(pc) =	sbr.rel @p0 .LBB2_2-.Ltmp2, $4  }
0xcb: {  	[hbm4b:s19+s13] =	stream.strided.scatter [tilespmem:s16], [sflag:$0x1], $0x1000, s15, s13, $0x38;
	[tilespmem:$0x1E700] =	vst v63  }
0xcc: {  	_ =	swait.ge [sflag:s3], $0x1000  }
0xcd: {  	[sflag:s3] =	ssyncset.done $0x0  }
0xce: {  	[sflag:s3] =	ssyncadd.s32 $0xFFFFF000  }
0xcf: {  	s17 =	sadd.s32 $0x1, s17  }
0xd0: {  	p0 =	sne.s32 s17, s11  }
.Ltmp3:
0xd1: {  	_ = 	snop;
	(pc) =	sbr.rel @p0 .LBB2_1-.Ltmp3, $1  }
0xd2: {  	_ =	sdelay $0x3  }
0xd3: {  	_ =	sfence.sel $0x180000  }
0xd4: {  	[bflag:$0x0] =	sbarrier.arrive $0xFFFF  }
0xd5: {  	p0 =	sne.s32 s0, $0x0;
	_ =	strace $0x90000047  }
0xd6: {  	s0 =	sadd.s32 @!p0 $0x100000, s1;
	[bflag:$0x2] =	sbarrier.arrive $0xFFFF  }
0xd7: {  	[sflag:s0] =	ssyncadd.tile.s32 @!p0 $0x1;
	_ =	shalt  }
.Lfunc_end2:
_tile_overlayer_lowered:
.L_overlay_start_2:
0xd8: {  	(tag) =	ssettag $0x2  }
0xd9: {  	s0 =	rddreg [dreg:$0x0];
	s2 =	stileid.u32  }
0xda: {  	s1 =	rddreg [dreg:$0x1];
	p0 =	sne.s32 s2, $0x0  }
0xdb: {  	s3 =	rddreg [dreg:$0x2];
	[bflag:$0x3] =	sbarrier.arrive $0xFFFF;
	s2 =	simm.s32 @!p0 $0x1C01  }
0xdc: {  	[timem:s3], [sflag:s2] =	dma.local @!p0 [hbm:s0], s1  }
0xdd: {  	s0 =	simm.s32 @!p0 $0x1  }
0xde: {  	_ =	swait.ge @!p0 [sflag:s0], s1  }
0xdf: {  	s1 =	ssub.s32 @!p0 $0x0, s1;
	[sflag:s0] =	ssyncset.done @!p0 $0x0  }
0xe0: {  	[sflag:s0] =	ssyncadd.s32 @!p0 s1  }
0xe1: {  	[bflag:$0x3] =	sbarrier.arrive $0xFFFF  }
0xe2: {  	_ =	shalt  }

</sc_bundles>
